<compile_context>
chip_gen: v7x
topology: tpu7x:2x2x1
jax: 0.10.2.dev20260603
libtpu: 0.0.44.dev20260713+nightly
codegen_flags: <defaults>
</compile_context>

<pallas_src>
import functools

import jax
import jax.numpy as jnp
from jax import lax
from jax.experimental import pallas as pl
from jax.experimental.pallas import tpu as pltpu
from jax.experimental.pallas import tpu_sc as plsc

N = 10000
D = 128
EPS = 1e-5
NC = 2
NS = 16
NW = NC * NS
CH = 128
NPAD = 10240
NPASS = 2
PR = 5120
PRS = PR // NS
NBUF = 2
NB = 10
BR = N // NB
CBR = 1280


def _sc_mesh():
  return plsc.VectorSubcoreMesh(core_axis_name="c", subcore_axis_name="s")


def _sc_degree(dst_w, cpt):
  hh = NPAD // 2

  @functools.partial(
      pl.kernel,
      out_type=jax.ShapeDtypeStruct((NW, 2, hh), jnp.float32),
      mesh=_sc_mesh(),
      compiler_params=pltpu.CompilerParams(needs_layout_passes=False),
      scratch_types=[
          pltpu.VMEM((cpt * CH,), jnp.int32),
          pltpu.VMEM((16 * hh,), jnp.float32),
      ],
  )
  def deg_kernel(dst_hbm, out_hbm, dstv, hist):
    c = lax.axis_index("c")
    s = lax.axis_index("s")
    wid = c * NS + s

    @pl.loop(0, cpt * CH // 2048)
    def _(i):
      off = pl.multiple_of(i * 2048, 2048)
      pltpu.sync_copy(dst_hbm.at[wid, pl.ds(off, 2048)],
                      dstv.at[pl.ds(off, 2048)])

    lanebase = lax.iota(jnp.int32, 16) * hh
    ones = jnp.ones((16,), jnp.float32)

    for h in range(2):
      @pl.loop(0, 16 * hh // 16)
      def _(i):
        off = pl.multiple_of(i * 16, 16)
        hist[pl.ds(off, 16)] = jnp.zeros((16,), jnp.float32)

      @pl.loop(0, cpt * CH // 16)
      def _(i):
        off = pl.multiple_of(i * 16, 16)
        local = dstv[pl.ds(off, 16)] - h * hh
        m = (local >= 0) & (local < hh)
        idx = lanebase + jnp.where(m, local, 0)
        plsc.addupdate_scatter(hist, [idx], ones, mask=m)

      @pl.loop(0, hh // 16)
      def _(i):
        off = pl.multiple_of(i * 16, 16)
        acc = hist[pl.ds(off, 16)]
        for l in range(1, 16):
          acc = acc + hist[pl.ds(l * hh + off, 16)]
        hist[pl.ds(off, 16)] = acc

      @pl.loop(0, hh // 1024)
      def _(k):
        off = pl.multiple_of(k * 1024, 1024)
        pltpu.sync_copy(hist.at[pl.ds(off, 1024)],
                        out_hbm.at[wid, h, pl.ds(off, 1024)])

  return deg_kernel(dst_w)


def _sc_aggregate(ht, src_w, dst_w, cptm):

  @functools.partial(
      pl.kernel,
      out_type=jax.ShapeDtypeStruct((NPASS, NC, PR, D), jnp.float32),
      mesh=_sc_mesh(),
      scratch_types=[
          pltpu.VMEM((cptm * CH,), jnp.int32),
          pltpu.VMEM((cptm * CH,), jnp.int32),
          pltpu.VMEM((cptm * CH,), jnp.int32),
          pltpu.VMEM((cptm * CH,), jnp.int32),
          pltpu.VMEM((NBUF, CH, D), jnp.float32),
          pltpu.VMEM((8, D), jnp.float32),
          pltpu.VMEM_SHARED((PR, D), jnp.float32),
          pltpu.SemaphoreType.DMA,
          pltpu.SemaphoreType.DMA,
          pltpu.SemaphoreType.DMA,
          pltpu.SemaphoreType.DMA,
      ],
  )
  def agg_kernel(ht_hbm, src_hbm, dst_hbm, out_hbm,
                 srcv, dstv, srcp, dstp, rows, zbuf, acc,
                 gs0, gs1, ss0, ss1):
    gsems = (gs0, gs1)
    ssems = (ss0, ss1)
    c = lax.axis_index("c")
    s = lax.axis_index("s")
    wid = c * NS + s
    base = s * PRS
    cptc = cptm

    @pl.loop(0, 8)
    def _(i):
      for k in range(D // 16):
        zbuf[i, pl.ds(16 * k, 16)] = jnp.zeros((16,), jnp.float32)

    @pl.loop(0, cptc * CH // 1024)
    def _(i):
      off = pl.multiple_of(i * 1024, 1024)
      pltpu.sync_copy(src_hbm.at[wid, pl.ds(off, 1024)],
                      srcv.at[pl.ds(off, 1024)])
      pltpu.sync_copy(dst_hbm.at[wid, pl.ds(off, 1024)],
                      dstv.at[pl.ds(off, 1024)])

    @pl.loop(0, NPASS)
    def _(p):
      lo = p * PR

      @pl.loop(0, cptc * CH // 16)
      def _(i):
        off = pl.multiple_of(i * 16, 16)
        dl = dstv[pl.ds(off, 16)] - lo
        sv = srcv[pl.ds(off, 16)]
        m = (dl >= 0) & (dl < PR)
        neg = jnp.full((16,), -1, jnp.int32)
        srcp[pl.ds(off, 16)] = jnp.where(m, sv, neg)
        dstp[pl.ds(off, 16)] = jnp.where(m, dl, neg)

      @pl.loop(0, PRS // 8)
      def _(i):
        pltpu.sync_copy(zbuf, acc.at[pl.ds(base + i * 8, 8)])

      plsc.subcore_barrier()

      def gcopy(j, b):
        off = pl.multiple_of(j * CH, CH)
        return pltpu.make_async_copy(
            ht_hbm.at[plsc.Indices(srcp.at[pl.ds(off, CH)],
                                   ignored_value=-1)],
            rows.at[b], gsems[b])

      def scopy(j, b):
        off = pl.multiple_of(j * CH, CH)
        return pltpu.make_async_copy(
            rows.at[b],
            acc.at[plsc.Indices(dstp.at[pl.ds(off, CH)], ignored_value=-1)],
            ssems[b])

      for b in range(NBUF):
        gcopy(b, b).start()

      @pl.loop(0, cptc // NBUF)
      def _(g):
        for b in range(NBUF):
          j = NBUF * g + b
          gcopy(j, b).wait()
          scopy(j, b).start(add=True)
        for b in range(NBUF):
          j = NBUF * g + b
          scopy(j, b).wait()

          @pl.when(j + NBUF < cptc)
          def _(b=b, j=j):
            gcopy(j + NBUF, b).start()

      plsc.subcore_barrier()

      @pl.loop(0, PRS // 8)
      def _(i):
        pltpu.sync_copy(acc.at[pl.ds(base + i * 8, 8)],
                        out_hbm.at[p, c, pl.ds(base + i * 8, 8)])

  return agg_kernel(ht, src_w, dst_w)


def _tc_mm_scale(x, W, degp):
  br = 1024

  def body(deg_ref, x_ref, w_ref, ht_ref, dinv_ref):
    d = jnp.sum(deg_ref[...], axis=0) + 1.0
    dinv = lax.rsqrt(d).reshape(br, 1)
    ht_ref[...] = jnp.dot(x_ref[...], w_ref[...],
                          preferred_element_type=jnp.float32) * dinv
    dinv_ref[...] = dinv

  return pl.pallas_call(
      body,
      grid=(NPAD // br,),
      in_specs=[
          pl.BlockSpec((NW, br), lambda i: (0, i)),
          pl.BlockSpec((br, D), lambda i: (i, 0)),
          pl.BlockSpec((D, D), lambda i: (0, 0)),
      ],
      out_specs=[
          pl.BlockSpec((br, D), lambda i: (i, 0)),
          pl.BlockSpec((br, 1), lambda i: (i, 0)),
      ],
      out_shape=[
          jax.ShapeDtypeStruct((N, D), jnp.float32),
          jax.ShapeDtypeStruct((N, 1), jnp.float32),
      ],
  )(degp, x, W)


def _tc_combine(sp, ht, dinv):
  bpp = PR // CBR

  def body(sp_ref, ht_ref, dinv_ref, z_ref, st_ref):
    i = pl.program_id(0)
    z = (sp_ref[0, 0] + sp_ref[0, 1] + ht_ref[...]) * dinv_ref[...]
    z_ref[...] = z

    @pl.when(i == 0)
    def _():
      st_ref[...] = jnp.zeros_like(st_ref)

    rowid = lax.broadcasted_iota(jnp.int32, (CBR, 1), 0) + i * CBR
    zm = jnp.where(rowid < N, z, 0.0)
    st_ref[...] += jnp.concatenate(
        [jnp.sum(zm, axis=0, keepdims=True),
         jnp.sum(zm * zm, axis=0, keepdims=True)], axis=0)

  return pl.pallas_call(
      body,
      grid=(NPAD // CBR,),
      in_specs=[
          pl.BlockSpec((1, NC, CBR, D), lambda i: (i // bpp, 0, i % bpp, 0)),
          pl.BlockSpec((CBR, D), lambda i: (i, 0)),
          pl.BlockSpec((CBR, 1), lambda i: (i, 0)),
      ],
      out_specs=[
          pl.BlockSpec((CBR, D), lambda i: (i, 0)),
          pl.BlockSpec((2, D), lambda i: (0, 0)),
      ],
      out_shape=[
          jax.ShapeDtypeStruct((N, D), jnp.float32),
          jax.ShapeDtypeStruct((2, D), jnp.float32),
      ],
  )(sp, ht, dinv)


def _tc_bn_relu_mm(z, st, g, be, W, dinv):

  def body(z_ref, st_ref, g_ref, be_ref, w_ref, dinv_ref, o_ref):
    mean = st_ref[0:1, :] * (1.0 / N)
    ex2 = st_ref[1:2, :] * (1.0 / N)
    scale = lax.rsqrt(ex2 - mean * mean + EPS) * g_ref[...]
    r = jnp.maximum((z_ref[...] - mean) * scale + be_ref[...], 0.0)
    o_ref[...] = jnp.dot(r, w_ref[...],
                         preferred_element_type=jnp.float32) * dinv_ref[...]

  return pl.pallas_call(
      body,
      grid=(NB,),
      in_specs=[
          pl.BlockSpec((BR, D), lambda i: (i, 0)),
          pl.BlockSpec((2, D), lambda i: (0, 0)),
          pl.BlockSpec((1, D), lambda i: (0, 0)),
          pl.BlockSpec((1, D), lambda i: (0, 0)),
          pl.BlockSpec((D, D), lambda i: (0, 0)),
          pl.BlockSpec((BR, 1), lambda i: (i, 0)),
      ],
      out_specs=pl.BlockSpec((BR, D), lambda i: (i, 0)),
      out_shape=jax.ShapeDtypeStruct((N, D), jnp.float32),
  )(z, st, g, be, W, dinv)


def _tc_bn_relu(z, st, g, be):

  def body(z_ref, st_ref, g_ref, be_ref, o_ref):
    mean = st_ref[0:1, :] * (1.0 / N)
    ex2 = st_ref[1:2, :] * (1.0 / N)
    scale = lax.rsqrt(ex2 - mean * mean + EPS) * g_ref[...]
    o_ref[...] = jnp.maximum((z_ref[...] - mean) * scale + be_ref[...], 0.0)

  return pl.pallas_call(
      body,
      grid=(NB,),
      in_specs=[
          pl.BlockSpec((BR, D), lambda i: (i, 0)),
          pl.BlockSpec((2, D), lambda i: (0, 0)),
          pl.BlockSpec((1, D), lambda i: (0, 0)),
          pl.BlockSpec((1, D), lambda i: (0, 0)),
      ],
      out_specs=pl.BlockSpec((BR, D), lambda i: (i, 0)),
      out_shape=jax.ShapeDtypeStruct((N, D), jnp.float32),
  )(z, st, g, be)


def kernel(x, edge_index, W0, b0, g0, be0, W1, b1, g1, be1):
  del b0, b1
  E = edge_index.shape[1]
  cpt = -(-E // (NW * CH))
  cpt += cpt % 2
  pad = NW * cpt * CH - E

  src = jnp.concatenate([edge_index[0], jnp.zeros((pad,), jnp.int32)])
  dst = jnp.concatenate(
      [edge_index[1], N + (jnp.arange(pad, dtype=jnp.int32) % 16)])
  dst_w = dst.reshape(NW, cpt * CH)

  tot = 2 * cpt
  cpt0 = max(2 * NBUF, (int(tot * 0.35) // 8) * 8)
  cpt1 = tot - cpt0
  cap0 = NS * cpt0 * CH
  du = jnp.concatenate(
      [edge_index[1], jnp.full((pad,), 2 * NPAD, jnp.int32)])
  s0 = src[:cap0].reshape(NS, cpt0 * CH)
  d0 = du[:cap0].reshape(NS, cpt0 * CH)
  s1 = src[cap0:].reshape(NS, cpt1 * CH)
  d1 = du[cap0:].reshape(NS, cpt1 * CH)
  colpad = (max(cpt0, cpt1) - cpt0) * CH
  s0 = jnp.pad(s0, ((0, 0), (0, colpad)))
  d0 = jnp.pad(d0, ((0, 0), (0, colpad)), constant_values=2 * NPAD)
  src_u = jnp.concatenate([s0, s1], axis=0)
  dst_u = jnp.concatenate([d0, d1], axis=0)

  g0r, be0r = g0.reshape(1, D), be0.reshape(1, D)
  g1r, be1r = g1.reshape(1, D), be1.reshape(1, D)

  degp = _sc_degree(dst_w, cpt).reshape(NW, NPAD)
  ht0, dinv = _tc_mm_scale(x, W0, degp)
  sp0 = _sc_aggregate(ht0, src_u, dst_u, max(cpt0, cpt1))
  z0, st0 = _tc_combine(sp0, ht0, dinv)
  ht1 = _tc_bn_relu_mm(z0, st0, g0r, be0r, W1, dinv)
  sp1 = _sc_aggregate(ht1, src_u, dst_u, max(cpt0, cpt1))
  z1, st1 = _tc_combine(sp1, ht1, dinv)
  return _tc_bn_relu(z1, st1, g1r, be1r)

# --- scband reference (transcript-rebuilt; emitter-appended) ---
"""Pipeline reference for scband-gcn-72902774882833 (READ-ONLY COPY).

The authoritative reference and input builder live on the scoring server;
editing this copy changes nothing except your own understanding.
"""

import jax, jax.numpy as jnp
import numpy as np

N = 10000
E = 320000
D_IN = 128
D_HID = 128
D_OUT = 128
EPS = 1e-5


def glorot(key, fan_in, fan_out):
    limit = float(np.sqrt(6.0 / (fan_in + fan_out)))
    return jax.random.uniform(key, (fan_in, fan_out), dtype=jnp.float32, minval=-limit, maxval=limit)


def setup_inputs(seed: int = 0) -> dict:
    key = jax.random.key(seed)
    ks = jax.random.split(key, 8)
    x = jax.random.normal(ks[0], (N, D_IN), dtype=jnp.float32)
    edge_index = jax.random.randint(ks[1], (2, E), 0, N, dtype=jnp.int32)
    W0 = glorot(ks[2], D_IN, D_HID)
    b0 = jnp.zeros((D_HID,), dtype=jnp.float32)
    g0 = jnp.ones((D_HID,), dtype=jnp.float32)
    be0 = jnp.zeros((D_HID,), dtype=jnp.float32)
    W1 = glorot(ks[3], D_HID, D_OUT)
    b1 = jnp.zeros((D_OUT,), dtype=jnp.float32)
    g1 = jnp.ones((D_OUT,), dtype=jnp.float32)
    be1 = jnp.zeros((D_OUT,), dtype=jnp.float32)
    return {"x": x, "edge_index": edge_index, "W0": W0, "b0": b0, "g0": g0, "be0": be0,
            "W1": W1, "b1": b1, "g1": g1, "be1": be1}


def _gcn_norm(edge_index):
    # GCNConv-style: add self loops, symmetric normalization deg^{-1/2} A_hat deg^{-1/2}
    loop = jnp.arange(N, dtype=edge_index.dtype)
    src = jnp.concatenate([edge_index[0], loop])
    dst = jnp.concatenate([edge_index[1], loop])
    deg = jax.ops.segment_sum(jnp.ones_like(src, dtype=jnp.float32), dst, num_segments=N)
    dinv = jnp.where(deg > 0, jax.lax.rsqrt(jnp.where(deg > 0, deg, 1.0)), 0.0)
    norm = dinv[src] * dinv[dst]
    return src, dst, norm


def _gcn_conv(x, src, dst, norm, W, b):
    h = x @ W
    msg = jnp.take(h, src, axis=0) * norm[:, None]
    out = jax.ops.segment_sum(msg, dst, num_segments=N)
    return out + b


def _batch_norm(x, g, be):
    mean = jnp.mean(x, axis=0)
    var = jnp.var(x, axis=0)
    return (x - mean) * jax.lax.rsqrt(var + EPS) * g + be


def reference(x, edge_index, W0, b0, g0, be0, W1, b1, g1, be1):
    src, dst, norm = _gcn_norm(edge_index)
    # conv_0 -> bn_0 -> relu
    h = _gcn_conv(x, src, dst, norm, W0, b0)
    h = _batch_norm(h, g0, be0)
    h = jax.nn.relu(h)
    # num_layers=0: no middle convs
    # conv_1 -> bn_1 -> relu
    h = _gcn_conv(h, src, dst, norm, W1, b1)
    h = _batch_norm(h, g1, be1)
    h = jax.nn.relu(h)
    return h

if __name__ == "__main__":
    import jax
    _d = setup_inputs()
    print(jax.jit(kernel)(*tuple(_d.values())))

</pallas_src>

<mosaic_0001>
#map = affine_map<(d0, d1) -> (0, 0)>
#map1 = affine_map<(d0, d1) -> (0, 0, 0)>
module attributes {stable_mosaic.version = 14 : i64} {
  func.func @deg_kernel(%arg0: i32, %arg1: i32, %arg2: memref<32x10240xi32, #tpu.memory_space<hbm>>, %arg3: memref<32x2x5120xf32, #tpu.memory_space<hbm>>, %arg4: memref<10240xi32, #tpu.memory_space<vmem>>, %arg5: memref<81920xf32, #tpu.memory_space<vmem>>) attributes {dimension_semantics = [#tpu.dimension_semantics<core_parallel>, #tpu.dimension_semantics<subcore_parallel>], iteration_bounds = array<i64: 2, 16>, scalar_prefetch = 0 : i64, scratch_operands = 2 : i64, tpu.core_type = #tpu.core_type<sc_vector_subcore>, window_params = [{transform_indices = #map}, {transform_indices = #map1}]} {
    %mul3A = arith.constant 16 : i32
    %mul3A_0 = arith.muli %arg0, %mul3A : i32
    %add3A = arith.addi %mul3A_0, %arg1 : i32
    %scan3A = arith.constant 0 : i32
    %scan3A_1 = arith.constant 5 : i32
    %scan3A_2 = arith.addi %scan3A, %scan3A_1 : i32
    %scan3A_3 = arith.constant 1 : i32
    scf.for %scan3A_49 = %scan3A to %scan3A_2 step %scan3A_3  : i32 {
      %mul3A_50 = arith.constant 1 : i32
      %mul3A_51 = arith.muli %scan3A_49, %mul3A_50 : i32
      %add3A_52 = arith.constant 0 : i32
      %add3A_53 = arith.addi %add3A_52, %mul3A_51 : i32
      %mul3A_54 = arith.constant 2048 : i32
      %mul3A_55 = arith.muli %add3A_53, %mul3A_54 : i32
      %multiple_of3A = tpu.assume_multiple %mul3A_55, 2048 : i32
      "tpu.region"() ({
        %run_scoped3A = tpu.sem_alloc : memref<!tpu.dma_semaphore, #tpu.memory_space<semaphore_mem>>
        %dma_start3A = tpu.memref_slice %arg4[%multiple_of3A] : memref<10240xi32, #tpu.memory_space<vmem>> -> memref<2048xi32, #tpu.memory_space<vmem>>
        %dma_start3A_56 = tpu.memref_slice %arg2[%add3A, %multiple_of3A] : memref<32x10240xi32, #tpu.memory_space<hbm>> -> memref<1x2048xi32, #tpu.memory_space<hbm>>
        %dma_start3A_57 = tpu.memref_squeeze %dma_start3A_56 : memref<1x2048xi32, #tpu.memory_space<hbm>> -> memref<2048xi32, #tpu.memory_space<hbm>>
        %dma_start3A_58 = tpu.memref_slice %arg4[%multiple_of3A] : memref<10240xi32, #tpu.memory_space<vmem>> -> memref<2048xi32, #tpu.memory_space<vmem>>
        %dma_start3A_59 = tpu.memref_slice %arg2[%add3A, %multiple_of3A] : memref<32x10240xi32, #tpu.memory_space<hbm>> -> memref<1x2048xi32, #tpu.memory_space<hbm>>
        %dma_start3A_60 = tpu.memref_squeeze %dma_start3A_59 : memref<1x2048xi32, #tpu.memory_space<hbm>> -> memref<2048xi32, #tpu.memory_space<hbm>>
        tpu.enqueue_dma source(%dma_start3A_60 : memref<2048xi32, #tpu.memory_space<hbm>>) target(%dma_start3A_58 : memref<2048xi32, #tpu.memory_space<vmem>>) target_semaphore(%run_scoped3A : memref<!tpu.dma_semaphore, #tpu.memory_space<semaphore_mem>>)
        %dma_wait3A = tpu.memref_slice %arg4[%multiple_of3A] : memref<10240xi32, #tpu.memory_space<vmem>> -> memref<2048xi32, #tpu.memory_space<vmem>>
        %dma_wait3A_61 = tpu.memref_slice %arg2[%add3A, %multiple_of3A] : memref<32x10240xi32, #tpu.memory_space<hbm>> -> memref<1x2048xi32, #tpu.memory_space<hbm>>
        %dma_wait3A_62 = tpu.memref_squeeze %dma_wait3A_61 : memref<1x2048xi32, #tpu.memory_space<hbm>> -> memref<2048xi32, #tpu.memory_space<hbm>>
        %dma_wait3A_63 = tpu.memref_slice %arg4[%multiple_of3A] : memref<10240xi32, #tpu.memory_space<vmem>> -> memref<2048xi32, #tpu.memory_space<vmem>>
        %dma_wait3A_64 = tpu.memref_slice %arg2[%add3A, %multiple_of3A] : memref<32x10240xi32, #tpu.memory_space<hbm>> -> memref<1x2048xi32, #tpu.memory_space<hbm>>
        %dma_wait3A_65 = tpu.memref_squeeze %dma_wait3A_64 : memref<1x2048xi32, #tpu.memory_space<hbm>> -> memref<2048xi32, #tpu.memory_space<hbm>>
        tpu.wait_dma2 semaphore(%run_scoped3A : memref<!tpu.dma_semaphore, #tpu.memory_space<semaphore_mem>>) src(%dma_wait3A_65 : memref<2048xi32, #tpu.memory_space<hbm>>) dst(%dma_wait3A_63 : memref<2048xi32, #tpu.memory_space<vmem>>)
        tpu.yield
      }) : () -> ()
    }
    %scan3A_4 = arith.constant 5 : i32
    %iota3A = tpu.iota {dimensions = array<i32: 0>} : vector<16xi32>
    %mul3A_5 = arith.constant 5120 : i32
    %mul3A_6 = vector.broadcast %mul3A_5 : i32 to vector<16xi32>
    %mul3A_7 = arith.muli %iota3A, %mul3A_6 : vector<16xi32>
    %broadcast_in_dim3A = arith.constant 1.000000e+00 : f32
    %broadcast_in_dim3A_8 = vector.broadcast %broadcast_in_dim3A : f32 to vector<16xf32>
    %scan3A_9 = arith.constant 0 : i32
    %scan3A_10 = arith.constant 5120 : i32
    %scan3A_11 = arith.addi %scan3A_9, %scan3A_10 : i32
    %scan3A_12 = arith.constant 1 : i32
    scf.for %scan3A_49 = %scan3A_9 to %scan3A_11 step %scan3A_12  : i32 {
      %mul3A_50 = arith.constant 1 : i32
      %mul3A_51 = arith.muli %scan3A_49, %mul3A_50 : i32
      %add3A_52 = arith.constant 0 : i32
      %add3A_53 = arith.addi %add3A_52, %mul3A_51 : i32
      %mul3A_54 = arith.constant 16 : i32
      %mul3A_55 = arith.muli %add3A_53, %mul3A_54 : i32
      %multiple_of3A = tpu.assume_multiple %mul3A_55, 16 : i32
      %broadcast_in_dim3A_56 = arith.constant 0.000000e+00 : f32
      %broadcast_in_dim3A_57 = vector.broadcast %broadcast_in_dim3A_56 : f32 to vector<16xf32>
      %swap3A = arith.index_cast %multiple_of3A : i32 to index
      %swap3A_58 = tpu.vector_load %arg5[%swap3A] {strides = array<i32>} : memref<81920xf32, #tpu.memory_space<vmem>>, vector<16xf32>,
      tpu.vector_store %arg5[%swap3A], %broadcast_in_dim3A_57 {strides = array<i32>} : memref<81920xf32, #tpu.memory_space<vmem>>, vector<16xf32>,
    }
    %scan3A_13 = arith.constant 5120 : i32
    %scan3A_14 = arith.constant 0 : i32
    %scan3A_15 = arith.constant 640 : i32
    %scan3A_16 = arith.addi %scan3A_14, %scan3A_15 : i32
    %scan3A_17 = arith.constant 1 : i32
    scf.for %scan3A_49 = %scan3A_14 to %scan3A_16 step %scan3A_17  : i32 {
      %mul3A_50 = arith.constant 1 : i32
      %mul3A_51 = arith.muli %scan3A_49, %mul3A_50 : i32
      %add3A_52 = arith.constant 0 : i32
      %add3A_53 = arith.addi %add3A_52, %mul3A_51 : i32
      %mul3A_54 = arith.constant 16 : i32
      %mul3A_55 = arith.muli %add3A_53, %mul3A_54 : i32
      %multiple_of3A = tpu.assume_multiple %mul3A_55, 16 : i32
      %get3A = arith.index_cast %multiple_of3A : i32 to index
      %get3A_56 = tpu.vector_load %arg4[%get3A] {strides = array<i32>} : memref<10240xi32, #tpu.memory_space<vmem>>, vector<16xi32>,
      %sub3A = arith.constant 0 : i32
      %sub3A_57 = vector.broadcast %sub3A : i32 to vector<16xi32>
      %sub3A_58 = arith.subi %get3A_56, %sub3A_57 : vector<16xi32>
      %ge3A = arith.constant 0 : i32
      %ge3A_59 = vector.broadcast %ge3A : i32 to vector<16xi32>
      %ge3A_60 = arith.cmpi sge, %sub3A_58, %ge3A_59 : vector<16xi32>
      %lt3A = arith.constant 5120 : i32
      %lt3A_61 = vector.broadcast %lt3A : i32 to vector<16xi32>
      %lt3A_62 = arith.cmpi slt, %sub3A_58, %lt3A_61 : vector<16xi32>
      %and3A = arith.andi %ge3A_60, %lt3A_62 : vector<16xi1>
      %jit3A = arith.constant 0 : i32
      %broadcast_in_dim3A_63 = vector.broadcast %jit3A : i32 to vector<16xi32>
      %select_n3A = arith.select %and3A, %sub3A_58, %broadcast_in_dim3A_63 : vector<16xi1>, vector<16xi32>
      %add3A_64 = arith.addi %mul3A_7, %select_n3A : vector<16xi32>
      tpu.vector_store_idx %arg5[%add3A_64], %broadcast_in_dim3A_8 masked %and3A {add = true} : memref<81920xf32, #tpu.memory_space<vmem>>[vector<16xi32>], vector<16xf32>, vector<16xi1>
    }
    %scan3A_18 = arith.constant 640 : i32
    %scan3A_19 = arith.constant 0 : i32
    %scan3A_20 = arith.constant 320 : i32
    %scan3A_21 = arith.addi %scan3A_19, %scan3A_20 : i32
    %scan3A_22 = arith.constant 1 : i32
    scf.for %scan3A_49 = %scan3A_19 to %scan3A_21 step %scan3A_22  : i32 {
      %mul3A_50 = arith.constant 1 : i32
      %mul3A_51 = arith.muli %scan3A_49, %mul3A_50 : i32
      %add3A_52 = arith.constant 0 : i32
      %add3A_53 = arith.addi %add3A_52, %mul3A_51 : i32
      %mul3A_54 = arith.constant 16 : i32
      %mul3A_55 = arith.muli %add3A_53, %mul3A_54 : i32
      %multiple_of3A = tpu.assume_multiple %mul3A_55, 16 : i32
      %get3A = arith.index_cast %multiple_of3A : i32 to index
      %get3A_56 = tpu.vector_load %arg5[%get3A] {strides = array<i32>} : memref<81920xf32, #tpu.memory_space<vmem>>, vector<16xf32>,
      %add3A_57 = arith.constant 5120 : i32
      %add3A_58 = arith.addi %add3A_57, %multiple_of3A : i32
      %get3A_59 = arith.index_cast %add3A_58 : i32 to index
      %get3A_60 = tpu.vector_load %arg5[%get3A_59] {strides = array<i32>} : memref<81920xf32, #tpu.memory_space<vmem>>, vector<16xf32>,
      %add3A_61 = arith.addf %get3A_56, %get3A_60 : vector<16xf32>
      %add3A_62 = arith.constant 10240 : i32
      %add3A_63 = arith.addi %add3A_62, %multiple_of3A : i32
      %get3A_64 = arith.index_cast %add3A_63 : i32 to index
      %get3A_65 = tpu.vector_load %arg5[%get3A_64] {strides = array<i32>} : memref<81920xf32, #tpu.memory_space<vmem>>, vector<16xf32>,
      %add3A_66 = arith.addf %add3A_61, %get3A_65 : vector<16xf32>
      %add3A_67 = arith.constant 15360 : i32
      %add3A_68 = arith.addi %add3A_67, %multiple_of3A : i32
      %get3A_69 = arith.index_cast %add3A_68 : i32 to index
      %get3A_70 = tpu.vector_load %arg5[%get3A_69] {strides = array<i32>} : memref<81920xf32, #tpu.memory_space<vmem>>, vector<16xf32>,
      %add3A_71 = arith.addf %add3A_66, %get3A_70 : vector<16xf32>
      %add3A_72 = arith.constant 20480 : i32
      %add3A_73 = arith.addi %add3A_72, %multiple_of3A : i32
      %get3A_74 = arith.index_cast %add3A_73 : i32 to index
      %get3A_75 = tpu.vector_load %arg5[%get3A_74] {strides = array<i32>} : memref<81920xf32, #tpu.memory_space<vmem>>, vector<16xf32>,
      %add3A_76 = arith.addf %add3A_71, %get3A_75 : vector<16xf32>
      %add3A_77 = arith.constant 25600 : i32
      %add3A_78 = arith.addi %add3A_77, %multiple_of3A : i32
      %get3A_79 = arith.index_cast %add3A_78 : i32 to index
      %get3A_80 = tpu.vector_load %arg5[%get3A_79] {strides = array<i32>} : memref<81920xf32, #tpu.memory_space<vmem>>, vector<16xf32>,
      %add3A_81 = arith.addf %add3A_76, %get3A_80 : vector<16xf32>
      %add3A_82 = arith.constant 30720 : i32
      %add3A_83 = arith.addi %add3A_82, %multiple_of3A : i32
      %get3A_84 = arith.index_cast %add3A_83 : i32 to index
      %get3A_85 = tpu.vector_load %arg5[%get3A_84] {strides = array<i32>} : memref<81920xf32, #tpu.memory_space<vmem>>, vector<16xf32>,
      %add3A_86 = arith.addf %add3A_81, %get3A_85 : vector<16xf32>
      %add3A_87 = arith.constant 35840 : i32
      %add3A_88 = arith.addi %add3A_87, %multiple_of3A : i32
      %get3A_89 = arith.index_cast %add3A_88 : i32 to index
      %get3A_90 = tpu.vector_load %arg5[%get3A_89] {strides = array<i32>} : memref<81920xf32, #tpu.memory_space<vmem>>, vector<16xf32>,
      %add3A_91 = arith.addf %add3A_86, %get3A_90 : vector<16xf32>
      %add3A_92 = arith.constant 40960 : i32
      %add3A_93 = arith.addi %add3A_92, %multiple_of3A : i32
      %get3A_94 = arith.index_cast %add3A_93 : i32 to index
      %get3A_95 = tpu.vector_load %arg5[%get3A_94] {strides = array<i32>} : memref<81920xf32, #tpu.memory_space<vmem>>, vector<16xf32>,
      %add3A_96 = arith.addf %add3A_91, %get3A_95 : vector<16xf32>
      %add3A_97 = arith.constant 46080 : i32
      %add3A_98 = arith.addi %add3A_97, %multiple_of3A : i32
      %get3A_99 = arith.index_cast %add3A_98 : i32 to index
      %get3A_100 = tpu.vector_load %arg5[%get3A_99] {strides = array<i32>} : memref<81920xf32, #tpu.memory_space<vmem>>, vector<16xf32>,
      %add3A_101 = arith.addf %add3A_96, %get3A_100 : vector<16xf32>
      %add3A_102 = arith.constant 51200 : i32
      %add3A_103 = arith.addi %add3A_102, %multiple_of3A : i32
      %get3A_104 = arith.index_cast %add3A_103 : i32 to index
      %get3A_105 = tpu.vector_load %arg5[%get3A_104] {strides = array<i32>} : memref<81920xf32, #tpu.memory_space<vmem>>, vector<16xf32>,
      %add3A_106 = arith.addf %add3A_101, %get3A_105 : vector<16xf32>
      %add3A_107 = arith.constant 56320 : i32
      %add3A_108 = arith.addi %add3A_107, %multiple_of3A : i32
      %get3A_109 = arith.index_cast %add3A_108 : i32 to index
      %get3A_110 = tpu.vector_load %arg5[%get3A_109] {strides = array<i32>} : memref<81920xf32, #tpu.memory_space<vmem>>, vector<16xf32>,
      %add3A_111 = arith.addf %add3A_106, %get3A_110 : vector<16xf32>
      %add3A_112 = arith.constant 61440 : i32
      %add3A_113 = arith.addi %add3A_112, %multiple_of3A : i32
      %get3A_114 = arith.index_cast %add3A_113 : i32 to index
      %get3A_115 = tpu.vector_load %arg5[%get3A_114] {strides = array<i32>} : memref<81920xf32, #tpu.memory_space<vmem>>, vector<16xf32>,
      %add3A_116 = arith.addf %add3A_111, %get3A_115 : vector<16xf32>
      %add3A_117 = arith.constant 66560 : i32
      %add3A_118 = arith.addi %add3A_117, %multiple_of3A : i32
      %get3A_119 = arith.index_cast %add3A_118 : i32 to index
      %get3A_120 = tpu.vector_load %arg5[%get3A_119] {strides = array<i32>} : memref<81920xf32, #tpu.memory_space<vmem>>, vector<16xf32>,
      %add3A_121 = arith.addf %add3A_116, %get3A_120 : vector<16xf32>
      %add3A_122 = arith.constant 71680 : i32
      %add3A_123 = arith.addi %add3A_122, %multiple_of3A : i32
      %get3A_124 = arith.index_cast %add3A_123 : i32 to index
      %get3A_125 = tpu.vector_load %arg5[%get3A_124] {strides = array<i32>} : memref<81920xf32, #tpu.memory_space<vmem>>, vector<16xf32>,
      %add3A_126 = arith.addf %add3A_121, %get3A_125 : vector<16xf32>
      %add3A_127 = arith.constant 76800 : i32
      %add3A_128 = arith.addi %add3A_127, %multiple_of3A : i32
      %get3A_129 = arith.index_cast %add3A_128 : i32 to index
      %get3A_130 = tpu.vector_load %arg5[%get3A_129] {strides = array<i32>} : memref<81920xf32, #tpu.memory_space<vmem>>, vector<16xf32>,
      %add3A_131 = arith.addf %add3A_126, %get3A_130 : vector<16xf32>
      %swap3A = arith.index_cast %multiple_of3A : i32 to index
      %swap3A_132 = tpu.vector_load %arg5[%swap3A] {strides = array<i32>} : memref<81920xf32, #tpu.memory_space<vmem>>, vector<16xf32>,
      tpu.vector_store %arg5[%swap3A], %add3A_131 {strides = array<i32>} : memref<81920xf32, #tpu.memory_space<vmem>>, vector<16xf32>,
    }
    %scan3A_23 = arith.constant 320 : i32
    %scan3A_24 = arith.constant 0 : i32
    %scan3A_25 = arith.constant 5 : i32
    %scan3A_26 = arith.addi %scan3A_24, %scan3A_25 : i32
    %scan3A_27 = arith.constant 1 : i32
    scf.for %scan3A_49 = %scan3A_24 to %scan3A_26 step %scan3A_27  : i32 {
      %mul3A_50 = arith.constant 1 : i32
      %mul3A_51 = arith.muli %scan3A_49, %mul3A_50 : i32
      %add3A_52 = arith.constant 0 : i32
      %add3A_53 = arith.addi %add3A_52, %mul3A_51 : i32
      %mul3A_54 = arith.constant 1024 : i32
      %mul3A_55 = arith.muli %add3A_53, %mul3A_54 : i32
      %multiple_of3A = tpu.assume_multiple %mul3A_55, 1024 : i32
      %run_scoped3A = arith.constant 0 : i32
      "tpu.region"() ({
        %run_scoped3A_56 = tpu.sem_alloc : memref<!tpu.dma_semaphore, #tpu.memory_space<semaphore_mem>>
        %dma_start3A = tpu.memref_slice %arg5[%multiple_of3A] : memref<81920xf32, #tpu.memory_space<vmem>> -> memref<1024xf32, #tpu.memory_space<vmem>>
        %dma_start3A_57 = tpu.memref_slice %arg3[%add3A, %run_scoped3A, %multiple_of3A] : memref<32x2x5120xf32, #tpu.memory_space<hbm>> -> memref<1x1x1024xf32, #tpu.memory_space<hbm>>
        %dma_start3A_58 = tpu.memref_squeeze %dma_start3A_57 : memref<1x1x1024xf32, #tpu.memory_space<hbm>> -> memref<1024xf32, #tpu.memory_space<hbm>>
        %dma_start3A_59 = tpu.memref_slice %arg3[%add3A, %run_scoped3A, %multiple_of3A] : memref<32x2x5120xf32, #tpu.memory_space<hbm>> -> memref<1x1x1024xf32, #tpu.memory_space<hbm>>
        %dma_start3A_60 = tpu.memref_squeeze %dma_start3A_59 : memref<1x1x1024xf32, #tpu.memory_space<hbm>> -> memref<1024xf32, #tpu.memory_space<hbm>>
        %dma_start3A_61 = tpu.memref_slice %arg5[%multiple_of3A] : memref<81920xf32, #tpu.memory_space<vmem>> -> memref<1024xf32, #tpu.memory_space<vmem>>
        tpu.enqueue_dma source(%dma_start3A_61 : memref<1024xf32, #tpu.memory_space<vmem>>) target(%dma_start3A_60 : memref<1024xf32, #tpu.memory_space<hbm>>) target_semaphore(%run_scoped3A_56 : memref<!tpu.dma_semaphore, #tpu.memory_space<semaphore_mem>>)
        %dma_wait3A = tpu.memref_slice %arg5[%multiple_of3A] : memref<81920xf32, #tpu.memory_space<vmem>> -> memref<1024xf32, #tpu.memory_space<vmem>>
        %dma_wait3A_62 = tpu.memref_slice %arg3[%add3A, %run_scoped3A, %multiple_of3A] : memref<32x2x5120xf32, #tpu.memory_space<hbm>> -> memref<1x1x1024xf32, #tpu.memory_space<hbm>>
        %dma_wait3A_63 = tpu.memref_squeeze %dma_wait3A_62 : memref<1x1x1024xf32, #tpu.memory_space<hbm>> -> memref<1024xf32, #tpu.memory_space<hbm>>
        %dma_wait3A_64 = tpu.memref_slice %arg3[%add3A, %run_scoped3A, %multiple_of3A] : memref<32x2x5120xf32, #tpu.memory_space<hbm>> -> memref<1x1x1024xf32, #tpu.memory_space<hbm>>
        %dma_wait3A_65 = tpu.memref_squeeze %dma_wait3A_64 : memref<1x1x1024xf32, #tpu.memory_space<hbm>> -> memref<1024xf32, #tpu.memory_space<hbm>>
        %dma_wait3A_66 = tpu.memref_slice %arg5[%multiple_of3A] : memref<81920xf32, #tpu.memory_space<vmem>> -> memref<1024xf32, #tpu.memory_space<vmem>>
        tpu.wait_dma2 semaphore(%run_scoped3A_56 : memref<!tpu.dma_semaphore, #tpu.memory_space<semaphore_mem>>) src(%dma_wait3A_66 : memref<1024xf32, #tpu.memory_space<vmem>>) dst(%dma_wait3A_65 : memref<1024xf32, #tpu.memory_space<hbm>>)
        tpu.yield
      }) : () -> ()
    }
    %scan3A_28 = arith.constant 5 : i32
    %scan3A_29 = arith.constant 0 : i32
    %scan3A_30 = arith.constant 5120 : i32
    %scan3A_31 = arith.addi %scan3A_29, %scan3A_30 : i32
    %scan3A_32 = arith.constant 1 : i32
    scf.for %scan3A_49 = %scan3A_29 to %scan3A_31 step %scan3A_32  : i32 {
      %mul3A_50 = arith.constant 1 : i32
      %mul3A_51 = arith.muli %scan3A_49, %mul3A_50 : i32
      %add3A_52 = arith.constant 0 : i32
      %add3A_53 = arith.addi %add3A_52, %mul3A_51 : i32
      %mul3A_54 = arith.constant 16 : i32
      %mul3A_55 = arith.muli %add3A_53, %mul3A_54 : i32
      %multiple_of3A = tpu.assume_multiple %mul3A_55, 16 : i32
      %broadcast_in_dim3A_56 = arith.constant 0.000000e+00 : f32
      %broadcast_in_dim3A_57 = vector.broadcast %broadcast_in_dim3A_56 : f32 to vector<16xf32>
      %swap3A = arith.index_cast %multiple_of3A : i32 to index
      %swap3A_58 = tpu.vector_load %arg5[%swap3A] {strides = array<i32>} : memref<81920xf32, #tpu.memory_space<vmem>>, vector<16xf32>,
      tpu.vector_store %arg5[%swap3A], %broadcast_in_dim3A_57 {strides = array<i32>} : memref<81920xf32, #tpu.memory_space<vmem>>, vector<16xf32>,
    }
    %scan3A_33 = arith.constant 5120 : i32
    %scan3A_34 = arith.constant 0 : i32
    %scan3A_35 = arith.constant 640 : i32
    %scan3A_36 = arith.addi %scan3A_34, %scan3A_35 : i32
    %scan3A_37 = arith.constant 1 : i32
    scf.for %scan3A_49 = %scan3A_34 to %scan3A_36 step %scan3A_37  : i32 {
      %mul3A_50 = arith.constant 1 : i32
      %mul3A_51 = arith.muli %scan3A_49, %mul3A_50 : i32
      %add3A_52 = arith.constant 0 : i32
      %add3A_53 = arith.addi %add3A_52, %mul3A_51 : i32
      %mul3A_54 = arith.constant 16 : i32
      %mul3A_55 = arith.muli %add3A_53, %mul3A_54 : i32
      %multiple_of3A = tpu.assume_multiple %mul3A_55, 16 : i32
      %get3A = arith.index_cast %multiple_of3A : i32 to index
      %get3A_56 = tpu.vector_load %arg4[%get3A] {strides = array<i32>} : memref<10240xi32, #tpu.memory_space<vmem>>, vector<16xi32>,
      %sub3A = arith.constant 5120 : i32
      %sub3A_57 = vector.broadcast %sub3A : i32 to vector<16xi32>
      %sub3A_58 = arith.subi %get3A_56, %sub3A_57 : vector<16xi32>
      %ge3A = arith.constant 0 : i32
      %ge3A_59 = vector.broadcast %ge3A : i32 to vector<16xi32>
      %ge3A_60 = arith.cmpi sge, %sub3A_58, %ge3A_59 : vector<16xi32>
      %lt3A = arith.constant 5120 : i32
      %lt3A_61 = vector.broadcast %lt3A : i32 to vector<16xi32>
      %lt3A_62 = arith.cmpi slt, %sub3A_58, %lt3A_61 : vector<16xi32>
      %and3A = arith.andi %ge3A_60, %lt3A_62 : vector<16xi1>
      %jit3A = arith.constant 0 : i32
      %broadcast_in_dim3A_63 = vector.broadcast %jit3A : i32 to vector<16xi32>
      %select_n3A = arith.select %and3A, %sub3A_58, %broadcast_in_dim3A_63 : vector<16xi1>, vector<16xi32>
      %add3A_64 = arith.addi %mul3A_7, %select_n3A : vector<16xi32>
      tpu.vector_store_idx %arg5[%add3A_64], %broadcast_in_dim3A_8 masked %and3A {add = true} : memref<81920xf32, #tpu.memory_space<vmem>>[vector<16xi32>], vector<16xf32>, vector<16xi1>
    }
    %scan3A_38 = arith.constant 640 : i32
    %scan3A_39 = arith.constant 0 : i32
    %scan3A_40 = arith.constant 320 : i32
    %scan3A_41 = arith.addi %scan3A_39, %scan3A_40 : i32
    %scan3A_42 = arith.constant 1 : i32
    scf.for %scan3A_49 = %scan3A_39 to %scan3A_41 step %scan3A_42  : i32 {
      %mul3A_50 = arith.constant 1 : i32
      %mul3A_51 = arith.muli %scan3A_49, %mul3A_50 : i32
      %add3A_52 = arith.constant 0 : i32
      %add3A_53 = arith.addi %add3A_52, %mul3A_51 : i32
      %mul3A_54 = arith.constant 16 : i32
      %mul3A_55 = arith.muli %add3A_53, %mul3A_54 : i32
      %multiple_of3A = tpu.assume_multiple %mul3A_55, 16 : i32
      %get3A = arith.index_cast %multiple_of3A : i32 to index
      %get3A_56 = tpu.vector_load %arg5[%get3A] {strides = array<i32>} : memref<81920xf32, #tpu.memory_space<vmem>>, vector<16xf32>,
      %add3A_57 = arith.constant 5120 : i32
      %add3A_58 = arith.addi %add3A_57, %multiple_of3A : i32
      %get3A_59 = arith.index_cast %add3A_58 : i32 to index
      %get3A_60 = tpu.vector_load %arg5[%get3A_59] {strides = array<i32>} : memref<81920xf32, #tpu.memory_space<vmem>>, vector<16xf32>,
      %add3A_61 = arith.addf %get3A_56, %get3A_60 : vector<16xf32>
      %add3A_62 = arith.constant 10240 : i32
      %add3A_63 = arith.addi %add3A_62, %multiple_of3A : i32
      %get3A_64 = arith.index_cast %add3A_63 : i32 to index
      %get3A_65 = tpu.vector_load %arg5[%get3A_64] {strides = array<i32>} : memref<81920xf32, #tpu.memory_space<vmem>>, vector<16xf32>,
      %add3A_66 = arith.addf %add3A_61, %get3A_65 : vector<16xf32>
      %add3A_67 = arith.constant 15360 : i32
      %add3A_68 = arith.addi %add3A_67, %multiple_of3A : i32
      %get3A_69 = arith.index_cast %add3A_68 : i32 to index
      %get3A_70 = tpu.vector_load %arg5[%get3A_69] {strides = array<i32>} : memref<81920xf32, #tpu.memory_space<vmem>>, vector<16xf32>,
      %add3A_71 = arith.addf %add3A_66, %get3A_70 : vector<16xf32>
      %add3A_72 = arith.constant 20480 : i32
      %add3A_73 = arith.addi %add3A_72, %multiple_of3A : i32
      %get3A_74 = arith.index_cast %add3A_73 : i32 to index
      %get3A_75 = tpu.vector_load %arg5[%get3A_74] {strides = array<i32>} : memref<81920xf32, #tpu.memory_space<vmem>>, vector<16xf32>,
      %add3A_76 = arith.addf %add3A_71, %get3A_75 : vector<16xf32>
      %add3A_77 = arith.constant 25600 : i32
      %add3A_78 = arith.addi %add3A_77, %multiple_of3A : i32
      %get3A_79 = arith.index_cast %add3A_78 : i32 to index
      %get3A_80 = tpu.vector_load %arg5[%get3A_79] {strides = array<i32>} : memref<81920xf32, #tpu.memory_space<vmem>>, vector<16xf32>,
      %add3A_81 = arith.addf %add3A_76, %get3A_80 : vector<16xf32>
      %add3A_82 = arith.constant 30720 : i32
      %add3A_83 = arith.addi %add3A_82, %multiple_of3A : i32
      %get3A_84 = arith.index_cast %add3A_83 : i32 to index
      %get3A_85 = tpu.vector_load %arg5[%get3A_84] {strides = array<i32>} : memref<81920xf32, #tpu.memory_space<vmem>>, vector<16xf32>,
      %add3A_86 = arith.addf %add3A_81, %get3A_85 : vector<16xf32>
      %add3A_87 = arith.constant 35840 : i32
      %add3A_88 = arith.addi %add3A_87, %multiple_of3A : i32
      %get3A_89 = arith.index_cast %add3A_88 : i32 to index
      %get3A_90 = tpu.vector_load %arg5[%get3A_89] {strides = array<i32>} : memref<81920xf32, #tpu.memory_space<vmem>>, vector<16xf32>,
      %add3A_91 = arith.addf %add3A_86, %get3A_90 : vector<16xf32>
      %add3A_92 = arith.constant 40960 : i32
      %add3A_93 = arith.addi %add3A_92, %multiple_of3A : i32
      %get3A_94 = arith.index_cast %add3A_93 : i32 to index
      %get3A_95 = tpu.vector_load %arg5[%get3A_94] {strides = array<i32>} : memref<81920xf32, #tpu.memory_space<vmem>>, vector<16xf32>,
      %add3A_96 = arith.addf %add3A_91, %get3A_95 : vector<16xf32>
      %add3A_97 = arith.constant 46080 : i32
      %add3A_98 = arith.addi %add3A_97, %multiple_of3A : i32
      %get3A_99 = arith.index_cast %add3A_98 : i32 to index
      %get3A_100 = tpu.vector_load %arg5[%get3A_99] {strides = array<i32>} : memref<81920xf32, #tpu.memory_space<vmem>>, vector<16xf32>,
      %add3A_101 = arith.addf %add3A_96, %get3A_100 : vector<16xf32>
      %add3A_102 = arith.constant 51200 : i32
      %add3A_103 = arith.addi %add3A_102, %multiple_of3A : i32
      %get3A_104 = arith.index_cast %add3A_103 : i32 to index
      %get3A_105 = tpu.vector_load %arg5[%get3A_104] {strides = array<i32>} : memref<81920xf32, #tpu.memory_space<vmem>>, vector<16xf32>,
      %add3A_106 = arith.addf %add3A_101, %get3A_105 : vector<16xf32>
      %add3A_107 = arith.constant 56320 : i32
      %add3A_108 = arith.addi %add3A_107, %multiple_of3A : i32
      %get3A_109 = arith.index_cast %add3A_108 : i32 to index
      %get3A_110 = tpu.vector_load %arg5[%get3A_109] {strides = array<i32>} : memref<81920xf32, #tpu.memory_space<vmem>>, vector<16xf32>,
      %add3A_111 = arith.addf %add3A_106, %get3A_110 : vector<16xf32>
      %add3A_112 = arith.constant 61440 : i32
      %add3A_113 = arith.addi %add3A_112, %multiple_of3A : i32
      %get3A_114 = arith.index_cast %add3A_113 : i32 to index
      %get3A_115 = tpu.vector_load %arg5[%get3A_114] {strides = array<i32>} : memref<81920xf32, #tpu.memory_space<vmem>>, vector<16xf32>,
      %add3A_116 = arith.addf %add3A_111, %get3A_115 : vector<16xf32>
      %add3A_117 = arith.constant 66560 : i32
      %add3A_118 = arith.addi %add3A_117, %multiple_of3A : i32
      %get3A_119 = arith.index_cast %add3A_118 : i32 to index
      %get3A_120 = tpu.vector_load %arg5[%get3A_119] {strides = array<i32>} : memref<81920xf32, #tpu.memory_space<vmem>>, vector<16xf32>,
      %add3A_121 = arith.addf %add3A_116, %get3A_120 : vector<16xf32>
      %add3A_122 = arith.constant 71680 : i32
      %add3A_123 = arith.addi %add3A_122, %multiple_of3A : i32
      %get3A_124 = arith.index_cast %add3A_123 : i32 to index
      %get3A_125 = tpu.vector_load %arg5[%get3A_124] {strides = array<i32>} : memref<81920xf32, #tpu.memory_space<vmem>>, vector<16xf32>,
      %add3A_126 = arith.addf %add3A_121, %get3A_125 : vector<16xf32>
      %add3A_127 = arith.constant 76800 : i32
      %add3A_128 = arith.addi %add3A_127, %multiple_of3A : i32
      %get3A_129 = arith.index_cast %add3A_128 : i32 to index
      %get3A_130 = tpu.vector_load %arg5[%get3A_129] {strides = array<i32>} : memref<81920xf32, #tpu.memory_space<vmem>>, vector<16xf32>,
      %add3A_131 = arith.addf %add3A_126, %get3A_130 : vector<16xf32>
      %swap3A = arith.index_cast %multiple_of3A : i32 to index
      %swap3A_132 = tpu.vector_load %arg5[%swap3A] {strides = array<i32>} : memref<81920xf32, #tpu.memory_space<vmem>>, vector<16xf32>,
      tpu.vector_store %arg5[%swap3A], %add3A_131 {strides = array<i32>} : memref<81920xf32, #tpu.memory_space<vmem>>, vector<16xf32>,
    }
    %scan3A_43 = arith.constant 320 : i32
    %scan3A_44 = arith.constant 0 : i32
    %scan3A_45 = arith.constant 5 : i32
    %scan3A_46 = arith.addi %scan3A_44, %scan3A_45 : i32
    %scan3A_47 = arith.constant 1 : i32
    scf.for %scan3A_49 = %scan3A_44 to %scan3A_46 step %scan3A_47  : i32 {
      %mul3A_50 = arith.constant 1 : i32
      %mul3A_51 = arith.muli %scan3A_49, %mul3A_50 : i32
      %add3A_52 = arith.constant 0 : i32
      %add3A_53 = arith.addi %add3A_52, %mul3A_51 : i32
      %mul3A_54 = arith.constant 1024 : i32
      %mul3A_55 = arith.muli %add3A_53, %mul3A_54 : i32
      %multiple_of3A = tpu.assume_multiple %mul3A_55, 1024 : i32
      %run_scoped3A = arith.constant 1 : i32
      "tpu.region"() ({
        %run_scoped3A_56 = tpu.sem_alloc : memref<!tpu.dma_semaphore, #tpu.memory_space<semaphore_mem>>
        %dma_start3A = tpu.memref_slice %arg5[%multiple_of3A] : memref<81920xf32, #tpu.memory_space<vmem>> -> memref<1024xf32, #tpu.memory_space<vmem>>
        %dma_start3A_57 = tpu.memref_slice %arg3[%add3A, %run_scoped3A, %multiple_of3A] : memref<32x2x5120xf32, #tpu.memory_space<hbm>> -> memref<1x1x1024xf32, #tpu.memory_space<hbm>>
        %dma_start3A_58 = tpu.memref_squeeze %dma_start3A_57 : memref<1x1x1024xf32, #tpu.memory_space<hbm>> -> memref<1024xf32, #tpu.memory_space<hbm>>
        %dma_start3A_59 = tpu.memref_slice %arg3[%add3A, %run_scoped3A, %multiple_of3A] : memref<32x2x5120xf32, #tpu.memory_space<hbm>> -> memref<1x1x1024xf32, #tpu.memory_space<hbm>>
        %dma_start3A_60 = tpu.memref_squeeze %dma_start3A_59 : memref<1x1x1024xf32, #tpu.memory_space<hbm>> -> memref<1024xf32, #tpu.memory_space<hbm>>
        %dma_start3A_61 = tpu.memref_slice %arg5[%multiple_of3A] : memref<81920xf32, #tpu.memory_space<vmem>> -> memref<1024xf32, #tpu.memory_space<vmem>>
        tpu.enqueue_dma source(%dma_start3A_61 : memref<1024xf32, #tpu.memory_space<vmem>>) target(%dma_start3A_60 : memref<1024xf32, #tpu.memory_space<hbm>>) target_semaphore(%run_scoped3A_56 : memref<!tpu.dma_semaphore, #tpu.memory_space<semaphore_mem>>)
        %dma_wait3A = tpu.memref_slice %arg5[%multiple_of3A] : memref<81920xf32, #tpu.memory_space<vmem>> -> memref<1024xf32, #tpu.memory_space<vmem>>
        %dma_wait3A_62 = tpu.memref_slice %arg3[%add3A, %run_scoped3A, %multiple_of3A] : memref<32x2x5120xf32, #tpu.memory_space<hbm>> -> memref<1x1x1024xf32, #tpu.memory_space<hbm>>
        %dma_wait3A_63 = tpu.memref_squeeze %dma_wait3A_62 : memref<1x1x1024xf32, #tpu.memory_space<hbm>> -> memref<1024xf32, #tpu.memory_space<hbm>>
        %dma_wait3A_64 = tpu.memref_slice %arg3[%add3A, %run_scoped3A, %multiple_of3A] : memref<32x2x5120xf32, #tpu.memory_space<hbm>> -> memref<1x1x1024xf32, #tpu.memory_space<hbm>>
        %dma_wait3A_65 = tpu.memref_squeeze %dma_wait3A_64 : memref<1x1x1024xf32, #tpu.memory_space<hbm>> -> memref<1024xf32, #tpu.memory_space<hbm>>
        %dma_wait3A_66 = tpu.memref_slice %arg5[%multiple_of3A] : memref<81920xf32, #tpu.memory_space<vmem>> -> memref<1024xf32, #tpu.memory_space<vmem>>
        tpu.wait_dma2 semaphore(%run_scoped3A_56 : memref<!tpu.dma_semaphore, #tpu.memory_space<semaphore_mem>>) src(%dma_wait3A_66 : memref<1024xf32, #tpu.memory_space<vmem>>) dst(%dma_wait3A_65 : memref<1024xf32, #tpu.memory_space<hbm>>)
        tpu.yield
      }) : () -> ()
    }
    %scan3A_48 = arith.constant 5 : i32
    return
  }
}

#map = affine_map<(d0, d1) -> (0, 0)>
#map1 = affine_map<(d0, d1) -> (0, 0, 0, 0)>
module attributes {stable_mosaic.version = 14 : i64} {
  func.func @agg_kernel(%arg0: i32, %arg1: i32, %arg2: memref<10000x128xf32, #tpu.memory_space<hbm>>, %arg3: memref<32x13312xi32, #tpu.memory_space<hbm>>, %arg4: memref<32x13312xi32, #tpu.memory_space<hbm>>, %arg5: memref<2x2x5120x128xf32, #tpu.memory_space<hbm>>, %arg6: memref<13312xi32, #tpu.memory_space<vmem>>, %arg7: memref<13312xi32, #tpu.memory_space<vmem>>, %arg8: memref<13312xi32, #tpu.memory_space<vmem>>, %arg9: memref<13312xi32, #tpu.memory_space<vmem>>, %arg10: memref<2x128x128xf32, #tpu.memory_space<vmem>>, %arg11: memref<8x128xf32, #tpu.memory_space<vmem>>, %arg12: memref<5120x128xf32, #tpu.memory_space<vmem_shared>>, %arg13: memref<!tpu.dma_semaphore, #tpu.memory_space<semaphore_mem>>, %arg14: memref<!tpu.dma_semaphore, #tpu.memory_space<semaphore_mem>>, %arg15: memref<!tpu.dma_semaphore, #tpu.memory_space<semaphore_mem>>, %arg16: memref<!tpu.dma_semaphore, #tpu.memory_space<semaphore_mem>>) attributes {dimension_semantics = [#tpu.dimension_semantics<core_parallel>, #tpu.dimension_semantics<subcore_parallel>], iteration_bounds = array<i64: 2, 16>, scalar_prefetch = 0 : i64, scratch_operands = 11 : i64, tpu.core_type = #tpu.core_type<sc_vector_subcore>, window_params = [{transform_indices = #map}, {transform_indices = #map}, {transform_indices = #map}, {transform_indices = #map1}]} {
    %mul3A = arith.constant 16 : i32
    %mul3A_0 = arith.muli %arg0, %mul3A : i32
    %add3A = arith.addi %mul3A_0, %arg1 : i32
    %mul3A_1 = arith.constant 320 : i32
    %mul3A_2 = arith.muli %arg1, %mul3A_1 : i32
    %scan3A = arith.constant 0 : i32
    %scan3A_3 = arith.constant 8 : i32
    %scan3A_4 = arith.addi %scan3A, %scan3A_3 : i32
    %scan3A_5 = arith.constant 1 : i32
    scf.for %scan3A_17 = %scan3A to %scan3A_4 step %scan3A_5  : i32 {
      %mul3A_18 = arith.constant 1 : i32
      %mul3A_19 = arith.muli %scan3A_17, %mul3A_18 : i32
      %add3A_20 = arith.constant 0 : i32
      %add3A_21 = arith.addi %add3A_20, %mul3A_19 : i32
      %broadcast_in_dim3A = arith.constant 0.000000e+00 : f32
      %broadcast_in_dim3A_22 = vector.broadcast %broadcast_in_dim3A : f32 to vector<16xf32>
      %swap3A = arith.index_cast %add3A_21 : i32 to index
      %swap3A_23 = arith.constant 0 : index
      %swap3A_24 = tpu.vector_load %arg11[%swap3A, %swap3A_23] {strides = array<i32>} : memref<8x128xf32, #tpu.memory_space<vmem>>, vector<1x16xf32>,
      %swap3A_25 = vector.shape_cast %swap3A_24 : vector<1x16xf32> to vector<16xf32>
      %swap3A_26 = vector.shape_cast %broadcast_in_dim3A_22 : vector<16xf32> to vector<1x16xf32>
      tpu.vector_store %arg11[%swap3A, %swap3A_23], %swap3A_26 {strides = array<i32>} : memref<8x128xf32, #tpu.memory_space<vmem>>, vector<1x16xf32>,
      %broadcast_in_dim3A_27 = arith.constant 0.000000e+00 : f32
      %broadcast_in_dim3A_28 = vector.broadcast %broadcast_in_dim3A_27 : f32 to vector<16xf32>
      %swap3A_29 = arith.index_cast %add3A_21 : i32 to index
      %swap3A_30 = arith.constant 16 : index
      %swap3A_31 = tpu.vector_load %arg11[%swap3A_29, %swap3A_30] {strides = array<i32>} : memref<8x128xf32, #tpu.memory_space<vmem>>, vector<1x16xf32>,
      %swap3A_32 = vector.shape_cast %swap3A_31 : vector<1x16xf32> to vector<16xf32>
      %swap3A_33 = vector.shape_cast %broadcast_in_dim3A_28 : vector<16xf32> to vector<1x16xf32>
      tpu.vector_store %arg11[%swap3A_29, %swap3A_30], %swap3A_33 {strides = array<i32>} : memref<8x128xf32, #tpu.memory_space<vmem>>, vector<1x16xf32>,
      %broadcast_in_dim3A_34 = arith.constant 0.000000e+00 : f32
      %broadcast_in_dim3A_35 = vector.broadcast %broadcast_in_dim3A_34 : f32 to vector<16xf32>
      %swap3A_36 = arith.index_cast %add3A_21 : i32 to index
      %swap3A_37 = arith.constant 32 : index
      %swap3A_38 = tpu.vector_load %arg11[%swap3A_36, %swap3A_37] {strides = array<i32>} : memref<8x128xf32, #tpu.memory_space<vmem>>, vector<1x16xf32>,
      %swap3A_39 = vector.shape_cast %swap3A_38 : vector<1x16xf32> to vector<16xf32>
      %swap3A_40 = vector.shape_cast %broadcast_in_dim3A_35 : vector<16xf32> to vector<1x16xf32>
      tpu.vector_store %arg11[%swap3A_36, %swap3A_37], %swap3A_40 {strides = array<i32>} : memref<8x128xf32, #tpu.memory_space<vmem>>, vector<1x16xf32>,
      %broadcast_in_dim3A_41 = arith.constant 0.000000e+00 : f32
      %broadcast_in_dim3A_42 = vector.broadcast %broadcast_in_dim3A_41 : f32 to vector<16xf32>
      %swap3A_43 = arith.index_cast %add3A_21 : i32 to index
      %swap3A_44 = arith.constant 48 : index
      %swap3A_45 = tpu.vector_load %arg11[%swap3A_43, %swap3A_44] {strides = array<i32>} : memref<8x128xf32, #tpu.memory_space<vmem>>, vector<1x16xf32>,
      %swap3A_46 = vector.shape_cast %swap3A_45 : vector<1x16xf32> to vector<16xf32>
      %swap3A_47 = vector.shape_cast %broadcast_in_dim3A_42 : vector<16xf32> to vector<1x16xf32>
      tpu.vector_store %arg11[%swap3A_43, %swap3A_44], %swap3A_47 {strides = array<i32>} : memref<8x128xf32, #tpu.memory_space<vmem>>, vector<1x16xf32>,
      %broadcast_in_dim3A_48 = arith.constant 0.000000e+00 : f32
      %broadcast_in_dim3A_49 = vector.broadcast %broadcast_in_dim3A_48 : f32 to vector<16xf32>
      %swap3A_50 = arith.index_cast %add3A_21 : i32 to index
      %swap3A_51 = arith.constant 64 : index
      %swap3A_52 = tpu.vector_load %arg11[%swap3A_50, %swap3A_51] {strides = array<i32>} : memref<8x128xf32, #tpu.memory_space<vmem>>, vector<1x16xf32>,
      %swap3A_53 = vector.shape_cast %swap3A_52 : vector<1x16xf32> to vector<16xf32>
      %swap3A_54 = vector.shape_cast %broadcast_in_dim3A_49 : vector<16xf32> to vector<1x16xf32>
      tpu.vector_store %arg11[%swap3A_50, %swap3A_51], %swap3A_54 {strides = array<i32>} : memref<8x128xf32, #tpu.memory_space<vmem>>, vector<1x16xf32>,
      %broadcast_in_dim3A_55 = arith.constant 0.000000e+00 : f32
      %broadcast_in_dim3A_56 = vector.broadcast %broadcast_in_dim3A_55 : f32 to vector<16xf32>
      %swap3A_57 = arith.index_cast %add3A_21 : i32 to index
      %swap3A_58 = arith.constant 80 : index
      %swap3A_59 = tpu.vector_load %arg11[%swap3A_57, %swap3A_58] {strides = array<i32>} : memref<8x128xf32, #tpu.memory_space<vmem>>, vector<1x16xf32>,
      %swap3A_60 = vector.shape_cast %swap3A_59 : vector<1x16xf32> to vector<16xf32>
      %swap3A_61 = vector.shape_cast %broadcast_in_dim3A_56 : vector<16xf32> to vector<1x16xf32>
      tpu.vector_store %arg11[%swap3A_57, %swap3A_58], %swap3A_61 {strides = array<i32>} : memref<8x128xf32, #tpu.memory_space<vmem>>, vector<1x16xf32>,
      %broadcast_in_dim3A_62 = arith.constant 0.000000e+00 : f32
      %broadcast_in_dim3A_63 = vector.broadcast %broadcast_in_dim3A_62 : f32 to vector<16xf32>
      %swap3A_64 = arith.index_cast %add3A_21 : i32 to index
      %swap3A_65 = arith.constant 96 : index
      %swap3A_66 = tpu.vector_load %arg11[%swap3A_64, %swap3A_65] {strides = array<i32>} : memref<8x128xf32, #tpu.memory_space<vmem>>, vector<1x16xf32>,
      %swap3A_67 = vector.shape_cast %swap3A_66 : vector<1x16xf32> to vector<16xf32>
      %swap3A_68 = vector.shape_cast %broadcast_in_dim3A_63 : vector<16xf32> to vector<1x16xf32>
      tpu.vector_store %arg11[%swap3A_64, %swap3A_65], %swap3A_68 {strides = array<i32>} : memref<8x128xf32, #tpu.memory_space<vmem>>, vector<1x16xf32>,
      %broadcast_in_dim3A_69 = arith.constant 0.000000e+00 : f32
      %broadcast_in_dim3A_70 = vector.broadcast %broadcast_in_dim3A_69 : f32 to vector<16xf32>
      %swap3A_71 = arith.index_cast %add3A_21 : i32 to index
      %swap3A_72 = arith.constant 112 : index
      %swap3A_73 = tpu.vector_load %arg11[%swap3A_71, %swap3A_72] {strides = array<i32>} : memref<8x128xf32, #tpu.memory_space<vmem>>, vector<1x16xf32>,
      %swap3A_74 = vector.shape_cast %swap3A_73 : vector<1x16xf32> to vector<16xf32>
      %swap3A_75 = vector.shape_cast %broadcast_in_dim3A_70 : vector<16xf32> to vector<1x16xf32>
      tpu.vector_store %arg11[%swap3A_71, %swap3A_72], %swap3A_75 {strides = array<i32>} : memref<8x128xf32, #tpu.memory_space<vmem>>, vector<1x16xf32>,
    }
    %scan3A_6 = arith.constant 8 : i32
    %scan3A_7 = arith.constant 0 : i32
    %scan3A_8 = arith.constant 13 : i32
    %scan3A_9 = arith.addi %scan3A_7, %scan3A_8 : i32
    %scan3A_10 = arith.constant 1 : i32
    scf.for %scan3A_17 = %scan3A_7 to %scan3A_9 step %scan3A_10  : i32 {
      %mul3A_18 = arith.constant 1 : i32
      %mul3A_19 = arith.muli %scan3A_17, %mul3A_18 : i32
      %add3A_20 = arith.constant 0 : i32
      %add3A_21 = arith.addi %add3A_20, %mul3A_19 : i32
      %mul3A_22 = arith.constant 1024 : i32
      %mul3A_23 = arith.muli %add3A_21, %mul3A_22 : i32
      %multiple_of3A = tpu.assume_multiple %mul3A_23, 1024 : i32
      "tpu.region"() ({
        %run_scoped3A = tpu.sem_alloc : memref<!tpu.dma_semaphore, #tpu.memory_space<semaphore_mem>>
        %dma_start3A = tpu.memref_slice %arg6[%multiple_of3A] : memref<13312xi32, #tpu.memory_space<vmem>> -> memref<1024xi32, #tpu.memory_space<vmem>>
        %dma_start3A_24 = tpu.memref_slice %arg3[%add3A, %multiple_of3A] : memref<32x13312xi32, #tpu.memory_space<hbm>> -> memref<1x1024xi32, #tpu.memory_space<hbm>>
        %dma_start3A_25 = tpu.memref_squeeze %dma_start3A_24 : memref<1x1024xi32, #tpu.memory_space<hbm>> -> memref<1024xi32, #tpu.memory_space<hbm>>
        %dma_start3A_26 = tpu.memref_slice %arg6[%multiple_of3A] : memref<13312xi32, #tpu.memory_space<vmem>> -> memref<1024xi32, #tpu.memory_space<vmem>>
        %dma_start3A_27 = tpu.memref_slice %arg3[%add3A, %multiple_of3A] : memref<32x13312xi32, #tpu.memory_space<hbm>> -> memref<1x1024xi32, #tpu.memory_space<hbm>>
        %dma_start3A_28 = tpu.memref_squeeze %dma_start3A_27 : memref<1x1024xi32, #tpu.memory_space<hbm>> -> memref<1024xi32, #tpu.memory_space<hbm>>
        tpu.enqueue_dma source(%dma_start3A_28 : memref<1024xi32, #tpu.memory_space<hbm>>) target(%dma_start3A_26 : memref<1024xi32, #tpu.memory_space<vmem>>) target_semaphore(%run_scoped3A : memref<!tpu.dma_semaphore, #tpu.memory_space<semaphore_mem>>)
        %dma_wait3A = tpu.memref_slice %arg6[%multiple_of3A] : memref<13312xi32, #tpu.memory_space<vmem>> -> memref<1024xi32, #tpu.memory_space<vmem>>
        %dma_wait3A_29 = tpu.memref_slice %arg3[%add3A, %multiple_of3A] : memref<32x13312xi32, #tpu.memory_space<hbm>> -> memref<1x1024xi32, #tpu.memory_space<hbm>>
        %dma_wait3A_30 = tpu.memref_squeeze %dma_wait3A_29 : memref<1x1024xi32, #tpu.memory_space<hbm>> -> memref<1024xi32, #tpu.memory_space<hbm>>
        %dma_wait3A_31 = tpu.memref_slice %arg6[%multiple_of3A] : memref<13312xi32, #tpu.memory_space<vmem>> -> memref<1024xi32, #tpu.memory_space<vmem>>
        %dma_wait3A_32 = tpu.memref_slice %arg3[%add3A, %multiple_of3A] : memref<32x13312xi32, #tpu.memory_space<hbm>> -> memref<1x1024xi32, #tpu.memory_space<hbm>>
        %dma_wait3A_33 = tpu.memref_squeeze %dma_wait3A_32 : memref<1x1024xi32, #tpu.memory_space<hbm>> -> memref<1024xi32, #tpu.memory_space<hbm>>
        tpu.wait_dma2 semaphore(%run_scoped3A : memref<!tpu.dma_semaphore, #tpu.memory_space<semaphore_mem>>) src(%dma_wait3A_33 : memref<1024xi32, #tpu.memory_space<hbm>>) dst(%dma_wait3A_31 : memref<1024xi32, #tpu.memory_space<vmem>>)
        tpu.yield
      }) : () -> ()
      "tpu.region"() ({
        %run_scoped3A = tpu.sem_alloc : memref<!tpu.dma_semaphore, #tpu.memory_space<semaphore_mem>>
        %dma_start3A = tpu.memref_slice %arg7[%multiple_of3A] : memref<13312xi32, #tpu.memory_space<vmem>> -> memref<1024xi32, #tpu.memory_space<vmem>>
        %dma_start3A_24 = tpu.memref_slice %arg4[%add3A, %multiple_of3A] : memref<32x13312xi32, #tpu.memory_space<hbm>> -> memref<1x1024xi32, #tpu.memory_space<hbm>>
        %dma_start3A_25 = tpu.memref_squeeze %dma_start3A_24 : memref<1x1024xi32, #tpu.memory_space<hbm>> -> memref<1024xi32, #tpu.memory_space<hbm>>
        %dma_start3A_26 = tpu.memref_slice %arg7[%multiple_of3A] : memref<13312xi32, #tpu.memory_space<vmem>> -> memref<1024xi32, #tpu.memory_space<vmem>>
        %dma_start3A_27 = tpu.memref_slice %arg4[%add3A, %multiple_of3A] : memref<32x13312xi32, #tpu.memory_space<hbm>> -> memref<1x1024xi32, #tpu.memory_space<hbm>>
        %dma_start3A_28 = tpu.memref_squeeze %dma_start3A_27 : memref<1x1024xi32, #tpu.memory_space<hbm>> -> memref<1024xi32, #tpu.memory_space<hbm>>
        tpu.enqueue_dma source(%dma_start3A_28 : memref<1024xi32, #tpu.memory_space<hbm>>) target(%dma_start3A_26 : memref<1024xi32, #tpu.memory_space<vmem>>) target_semaphore(%run_scoped3A : memref<!tpu.dma_semaphore, #tpu.memory_space<semaphore_mem>>)
        %dma_wait3A = tpu.memref_slice %arg7[%multiple_of3A] : memref<13312xi32, #tpu.memory_space<vmem>> -> memref<1024xi32, #tpu.memory_space<vmem>>
        %dma_wait3A_29 = tpu.memref_slice %arg4[%add3A, %multiple_of3A] : memref<32x13312xi32, #tpu.memory_space<hbm>> -> memref<1x1024xi32, #tpu.memory_space<hbm>>
        %dma_wait3A_30 = tpu.memref_squeeze %dma_wait3A_29 : memref<1x1024xi32, #tpu.memory_space<hbm>> -> memref<1024xi32, #tpu.memory_space<hbm>>
        %dma_wait3A_31 = tpu.memref_slice %arg7[%multiple_of3A] : memref<13312xi32, #tpu.memory_space<vmem>> -> memref<1024xi32, #tpu.memory_space<vmem>>
        %dma_wait3A_32 = tpu.memref_slice %arg4[%add3A, %multiple_of3A] : memref<32x13312xi32, #tpu.memory_space<hbm>> -> memref<1x1024xi32, #tpu.memory_space<hbm>>
        %dma_wait3A_33 = tpu.memref_squeeze %dma_wait3A_32 : memref<1x1024xi32, #tpu.memory_space<hbm>> -> memref<1024xi32, #tpu.memory_space<hbm>>
        tpu.wait_dma2 semaphore(%run_scoped3A : memref<!tpu.dma_semaphore, #tpu.memory_space<semaphore_mem>>) src(%dma_wait3A_33 : memref<1024xi32, #tpu.memory_space<hbm>>) dst(%dma_wait3A_31 : memref<1024xi32, #tpu.memory_space<vmem>>)
        tpu.yield
      }) : () -> ()
    }
    %scan3A_11 = arith.constant 13 : i32
    %scan3A_12 = arith.constant 0 : i32
    %scan3A_13 = arith.constant 2 : i32
    %scan3A_14 = arith.addi %scan3A_12, %scan3A_13 : i32
    %scan3A_15 = arith.constant 1 : i32
    scf.for %scan3A_17 = %scan3A_12 to %scan3A_14 step %scan3A_15  : i32 {
      %mul3A_18 = arith.constant 1 : i32
      %mul3A_19 = arith.muli %scan3A_17, %mul3A_18 : i32
      %add3A_20 = arith.constant 0 : i32
      %add3A_21 = arith.addi %add3A_20, %mul3A_19 : i32
      %mul3A_22 = arith.constant 5120 : i32
      %mul3A_23 = arith.muli %add3A_21, %mul3A_22 : i32
      %scan3A_24 = arith.constant 0 : i32
      %scan3A_25 = arith.constant 832 : i32
      %scan3A_26 = arith.addi %scan3A_24, %scan3A_25 : i32
      %scan3A_27 = arith.constant 1 : i32
      scf.for %scan3A_67 = %scan3A_24 to %scan3A_26 step %scan3A_27  : i32 {
        %mul3A_68 = arith.constant 1 : i32
        %mul3A_69 = arith.muli %scan3A_67, %mul3A_68 : i32
        %add3A_70 = arith.constant 0 : i32
        %add3A_71 = arith.addi %add3A_70, %mul3A_69 : i32
        %mul3A_72 = arith.constant 16 : i32
        %mul3A_73 = arith.muli %add3A_71, %mul3A_72 : i32
        %multiple_of3A_74 = tpu.assume_multiple %mul3A_73, 16 : i32
        %get3A = arith.index_cast %multiple_of3A_74 : i32 to index
        %get3A_75 = tpu.vector_load %arg7[%get3A] {strides = array<i32>} : memref<13312xi32, #tpu.memory_space<vmem>>, vector<16xi32>,
        %get3A_76 = vector.shape_cast %get3A_75 : vector<16xi32> to vector<16xi32>
        %sub3A = vector.broadcast %mul3A_23 : i32 to vector<16xi32>
        %sub3A_77 = arith.subi %get3A_76, %sub3A : vector<16xi32>
        %get3A_78 = arith.index_cast %multiple_of3A_74 : i32 to index
        %get3A_79 = tpu.vector_load %arg6[%get3A_78] {strides = array<i32>} : memref<13312xi32, #tpu.memory_space<vmem>>, vector<16xi32>,
        %get3A_80 = vector.shape_cast %get3A_79 : vector<16xi32> to vector<16xi32>
        %ge3A = arith.constant 0 : i32
        %ge3A_81 = vector.broadcast %ge3A : i32 to vector<16xi32>
        %ge3A_82 = arith.cmpi sge, %sub3A_77, %ge3A_81 : vector<16xi32>
        %lt3A = arith.constant 5120 : i32
        %lt3A_83 = vector.broadcast %lt3A : i32 to vector<16xi32>
        %lt3A_84 = arith.cmpi slt, %sub3A_77, %lt3A_83 : vector<16xi32>
        %and3A = arith.andi %ge3A_82, %lt3A_84 : vector<16xi1>
        %broadcast_in_dim3A = arith.constant -1 : i32
        %broadcast_in_dim3A_85 = vector.broadcast %broadcast_in_dim3A : i32 to vector<16xi32>
        %select_n3A = arith.select %and3A, %get3A_80, %broadcast_in_dim3A_85 : vector<16xi1>, vector<16xi32>
        %swap3A = arith.index_cast %multiple_of3A_74 : i32 to index
        %swap3A_86 = tpu.vector_load %arg8[%swap3A] {strides = array<i32>} : memref<13312xi32, #tpu.memory_space<vmem>>, vector<16xi32>,
        %swap3A_87 = vector.shape_cast %swap3A_86 : vector<16xi32> to vector<16xi32>
        %swap3A_88 = vector.shape_cast %select_n3A : vector<16xi32> to vector<16xi32>
        tpu.vector_store %arg8[%swap3A], %swap3A_88 {strides = array<i32>} : memref<13312xi32, #tpu.memory_space<vmem>>, vector<16xi32>,
        %select_n3A_89 = arith.select %and3A, %sub3A_77, %broadcast_in_dim3A_85 : vector<16xi1>, vector<16xi32>
        %swap3A_90 = arith.index_cast %multiple_of3A_74 : i32 to index
        %swap3A_91 = tpu.vector_load %arg9[%swap3A_90] {strides = array<i32>} : memref<13312xi32, #tpu.memory_space<vmem>>, vector<16xi32>,
        %swap3A_92 = vector.shape_cast %swap3A_91 : vector<16xi32> to vector<16xi32>
        %swap3A_93 = vector.shape_cast %select_n3A_89 : vector<16xi32> to vector<16xi32>
        tpu.vector_store %arg9[%swap3A_90], %swap3A_93 {strides = array<i32>} : memref<13312xi32, #tpu.memory_space<vmem>>, vector<16xi32>,
      }
      %scan3A_28 = arith.constant 832 : i32
      %scan3A_29 = arith.constant 0 : i32
      %scan3A_30 = arith.constant 40 : i32
      %scan3A_31 = arith.addi %scan3A_29, %scan3A_30 : i32
      %scan3A_32 = arith.constant 1 : i32
      scf.for %scan3A_67 = %scan3A_29 to %scan3A_31 step %scan3A_32  : i32 {
        %mul3A_68 = arith.constant 1 : i32
        %mul3A_69 = arith.muli %scan3A_67, %mul3A_68 : i32
        %add3A_70 = arith.constant 0 : i32
        %add3A_71 = arith.addi %add3A_70, %mul3A_69 : i32
        %mul3A_72 = arith.constant 8 : i32
        %mul3A_73 = arith.muli %add3A_71, %mul3A_72 : i32
        %add3A_74 = arith.addi %mul3A_2, %mul3A_73 : i32
        "tpu.region"() ({
          %run_scoped3A = tpu.sem_alloc : memref<!tpu.dma_semaphore, #tpu.memory_space<semaphore_mem>>
          %dma_start3A_75 = arith.constant 0 : i32
          %dma_start3A_76 = tpu.memref_slice %arg12[%add3A_74, %dma_start3A_75] : memref<5120x128xf32, #tpu.memory_space<vmem_shared>> -> memref<8x128xf32, #tpu.memory_space<vmem_shared>>
          %dma_start3A_77 = arith.constant 0 : i32
          %dma_start3A_78 = tpu.memref_slice %arg12[%add3A_74, %dma_start3A_77] : memref<5120x128xf32, #tpu.memory_space<vmem_shared>> -> memref<8x128xf32, #tpu.memory_space<vmem_shared>>
          tpu.enqueue_dma source(%arg11 : memref<8x128xf32, #tpu.memory_space<vmem>>) target(%dma_start3A_78 : memref<8x128xf32, #tpu.memory_space<vmem_shared>>) target_semaphore(%run_scoped3A : memref<!tpu.dma_semaphore, #tpu.memory_space<semaphore_mem>>)
          %dma_wait3A = arith.constant 0 : i32
          %dma_wait3A_79 = tpu.memref_slice %arg12[%add3A_74, %dma_wait3A] : memref<5120x128xf32, #tpu.memory_space<vmem_shared>> -> memref<8x128xf32, #tpu.memory_space<vmem_shared>>
          %dma_wait3A_80 = arith.constant 0 : i32
          %dma_wait3A_81 = tpu.memref_slice %arg12[%add3A_74, %dma_wait3A_80] : memref<5120x128xf32, #tpu.memory_space<vmem_shared>> -> memref<8x128xf32, #tpu.memory_space<vmem_shared>>
          tpu.wait_dma2 semaphore(%run_scoped3A : memref<!tpu.dma_semaphore, #tpu.memory_space<semaphore_mem>>) src(%arg11 : memref<8x128xf32, #tpu.memory_space<vmem>>) dst(%dma_wait3A_81 : memref<8x128xf32, #tpu.memory_space<vmem_shared>>)
          tpu.yield
        }) : () -> ()
      }
      %scan3A_33 = arith.constant 40 : i32
      %barrier3A = arith.constant 0 : index
      tpu.barrier barrier_id(%barrier3A)
      %multiple_of3A = arith.constant 0 : i32
      %multiple_of3A_34 = tpu.assume_multiple %multiple_of3A, 128 : i32
      %dma_start3A = arith.constant 0 : i32
      %dma_start3A_35 = arith.constant 0 : i32
      %dma_start3A_36 = arith.constant 0 : i32
      %dma_start3A_37 = tpu.memref_slice %arg10[%dma_start3A, %dma_start3A_35, %dma_start3A_36] : memref<2x128x128xf32, #tpu.memory_space<vmem>> -> memref<1x128x128xf32, #tpu.memory_space<vmem>>
      %dma_start3A_38 = tpu.memref_squeeze %dma_start3A_37 : memref<1x128x128xf32, #tpu.memory_space<vmem>> -> memref<128x128xf32, #tpu.memory_space<vmem>>
      %dma_start3A_39 = tpu.memref_slice %arg8[%multiple_of3A_34] : memref<13312xi32, #tpu.memory_space<vmem>> -> memref<128xi32, #tpu.memory_space<vmem>>
      %dma_start3A_40 = arith.constant 0 : i32
      %dma_start3A_41 = arith.constant 0 : i32
      %dma_start3A_42 = tpu.memref_slice %arg2[%dma_start3A_40, %dma_start3A_41] : memref<10000x128xf32, #tpu.memory_space<hbm>> -> memref<10000x128xf32, #tpu.memory_space<hbm>>
      %dma_start3A_43 = arith.constant -1 : i32
      tpu.enqueue_indirect_dma source(%dma_start3A_42 : memref<10000x128xf32, #tpu.memory_space<hbm>>) target(%dma_start3A_38 : memref<128x128xf32, #tpu.memory_space<vmem>>) offsets(%dma_start3A_39 : memref<128xi32, #tpu.memory_space<vmem>>) offset_filter(%dma_start3A_43) semaphore(%arg13 : memref<!tpu.dma_semaphore, #tpu.memory_space<semaphore_mem>>)
      %multiple_of3A_44 = arith.constant 128 : i32
      %multiple_of3A_45 = tpu.assume_multiple %multiple_of3A_44, 128 : i32
      %dma_start3A_46 = arith.constant 1 : i32
      %dma_start3A_47 = arith.constant 0 : i32
      %dma_start3A_48 = arith.constant 0 : i32
      %dma_start3A_49 = tpu.memref_slice %arg10[%dma_start3A_46, %dma_start3A_47, %dma_start3A_48] : memref<2x128x128xf32, #tpu.memory_space<vmem>> -> memref<1x128x128xf32, #tpu.memory_space<vmem>>
      %dma_start3A_50 = tpu.memref_squeeze %dma_start3A_49 : memref<1x128x128xf32, #tpu.memory_space<vmem>> -> memref<128x128xf32, #tpu.memory_space<vmem>>
      %dma_start3A_51 = tpu.memref_slice %arg8[%multiple_of3A_45] : memref<13312xi32, #tpu.memory_space<vmem>> -> memref<128xi32, #tpu.memory_space<vmem>>
      %dma_start3A_52 = arith.constant 0 : i32
      %dma_start3A_53 = arith.constant 0 : i32
      %dma_start3A_54 = tpu.memref_slice %arg2[%dma_start3A_52, %dma_start3A_53] : memref<10000x128xf32, #tpu.memory_space<hbm>> -> memref<10000x128xf32, #tpu.memory_space<hbm>>
      %dma_start3A_55 = arith.constant -1 : i32
      tpu.enqueue_indirect_dma source(%dma_start3A_54 : memref<10000x128xf32, #tpu.memory_space<hbm>>) target(%dma_start3A_50 : memref<128x128xf32, #tpu.memory_space<vmem>>) offsets(%dma_start3A_51 : memref<128xi32, #tpu.memory_space<vmem>>) offset_filter(%dma_start3A_55) semaphore(%arg14 : memref<!tpu.dma_semaphore, #tpu.memory_space<semaphore_mem>>)
      %scan3A_56 = arith.constant 0 : i32
      %scan3A_57 = arith.constant 52 : i32
      %scan3A_58 = arith.addi %scan3A_56, %scan3A_57 : i32
      %scan3A_59 = arith.constant 1 : i32
      scf.for %scan3A_67 = %scan3A_56 to %scan3A_58 step %scan3A_59  : i32 {
        %mul3A_68 = arith.constant 1 : i32
        %mul3A_69 = arith.muli %scan3A_67, %mul3A_68 : i32
        %add3A_70 = arith.constant 0 : i32
        %add3A_71 = arith.addi %add3A_70, %mul3A_69 : i32
        %mul3A_72 = arith.constant 2 : i32
        %mul3A_73 = arith.muli %mul3A_72, %add3A_71 : i32
        %add3A_74 = arith.constant 0 : i32
        %add3A_75 = arith.addi %mul3A_73, %add3A_74 : i32
        %mul3A_76 = arith.constant 128 : i32
        %mul3A_77 = arith.muli %add3A_75, %mul3A_76 : i32
        %multiple_of3A_78 = tpu.assume_multiple %mul3A_77, 128 : i32
        %dma_wait3A = arith.constant 0 : i32
        %dma_wait3A_79 = arith.constant 0 : i32
        %dma_wait3A_80 = arith.constant 0 : i32
        %dma_wait3A_81 = tpu.memref_slice %arg10[%dma_wait3A, %dma_wait3A_79, %dma_wait3A_80] : memref<2x128x128xf32, #tpu.memory_space<vmem>> -> memref<1x128x128xf32, #tpu.memory_space<vmem>>
        %dma_wait3A_82 = tpu.memref_squeeze %dma_wait3A_81 : memref<1x128x128xf32, #tpu.memory_space<vmem>> -> memref<128x128xf32, #tpu.memory_space<vmem>>
        %dma_wait3A_83 = tpu.memref_slice %arg8[%multiple_of3A_78] : memref<13312xi32, #tpu.memory_space<vmem>> -> memref<128xi32, #tpu.memory_space<vmem>>
        %dma_wait3A_84 = arith.constant 0 : i32
        %dma_wait3A_85 = arith.constant 0 : i32
        %dma_wait3A_86 = tpu.memref_slice %arg2[%dma_wait3A_84, %dma_wait3A_85] : memref<10000x128xf32, #tpu.memory_space<hbm>> -> memref<10000x128xf32, #tpu.memory_space<hbm>>
        tpu.wait_indirect_dma semaphore(%arg13 : memref<!tpu.dma_semaphore, #tpu.memory_space<semaphore_mem>>) src(%dma_wait3A_86 : memref<10000x128xf32, #tpu.memory_space<hbm>>) dst(%dma_wait3A_82 : memref<128x128xf32, #tpu.memory_space<vmem>>)
        %mul3A_87 = arith.constant 128 : i32
        %mul3A_88 = arith.muli %add3A_75, %mul3A_87 : i32
        %multiple_of3A_89 = tpu.assume_multiple %mul3A_88, 128 : i32
        %dma_start3A_90 = arith.constant 0 : i32
        %dma_start3A_91 = arith.constant 0 : i32
        %dma_start3A_92 = arith.constant 0 : i32
        %dma_start3A_93 = tpu.memref_slice %arg10[%dma_start3A_90, %dma_start3A_91, %dma_start3A_92] : memref<2x128x128xf32, #tpu.memory_space<vmem>> -> memref<1x128x128xf32, #tpu.memory_space<vmem>>
        %dma_start3A_94 = tpu.memref_squeeze %dma_start3A_93 : memref<1x128x128xf32, #tpu.memory_space<vmem>> -> memref<128x128xf32, #tpu.memory_space<vmem>>
        %dma_start3A_95 = tpu.memref_slice %arg9[%multiple_of3A_89] : memref<13312xi32, #tpu.memory_space<vmem>> -> memref<128xi32, #tpu.memory_space<vmem>>
        %dma_start3A_96 = arith.constant 0 : i32
        %dma_start3A_97 = arith.constant 0 : i32
        %dma_start3A_98 = tpu.memref_slice %arg12[%dma_start3A_96, %dma_start3A_97] : memref<5120x128xf32, #tpu.memory_space<vmem_shared>> -> memref<5120x128xf32, #tpu.memory_space<vmem_shared>>
        %dma_start3A_99 = arith.constant -1 : i32
        tpu.enqueue_indirect_dma source(%dma_start3A_94 : memref<128x128xf32, #tpu.memory_space<vmem>>) target(%dma_start3A_98 : memref<5120x128xf32, #tpu.memory_space<vmem_shared>>) offsets(%dma_start3A_95 : memref<128xi32, #tpu.memory_space<vmem>>) offset_filter(%dma_start3A_99) semaphore(%arg15 : memref<!tpu.dma_semaphore, #tpu.memory_space<semaphore_mem>>) {add = true}
        %mul3A_100 = arith.constant 2 : i32
        %mul3A_101 = arith.muli %mul3A_100, %add3A_71 : i32
        %add3A_102 = arith.constant 1 : i32
        %add3A_103 = arith.addi %mul3A_101, %add3A_102 : i32
        %mul3A_104 = arith.constant 128 : i32
        %mul3A_105 = arith.muli %add3A_103, %mul3A_104 : i32
        %multiple_of3A_106 = tpu.assume_multiple %mul3A_105, 128 : i32
        %dma_wait3A_107 = arith.constant 1 : i32
        %dma_wait3A_108 = arith.constant 0 : i32
        %dma_wait3A_109 = arith.constant 0 : i32
        %dma_wait3A_110 = tpu.memref_slice %arg10[%dma_wait3A_107, %dma_wait3A_108, %dma_wait3A_109] : memref<2x128x128xf32, #tpu.memory_space<vmem>> -> memref<1x128x128xf32, #tpu.memory_space<vmem>>
        %dma_wait3A_111 = tpu.memref_squeeze %dma_wait3A_110 : memref<1x128x128xf32, #tpu.memory_space<vmem>> -> memref<128x128xf32, #tpu.memory_space<vmem>>
        %dma_wait3A_112 = tpu.memref_slice %arg8[%multiple_of3A_106] : memref<13312xi32, #tpu.memory_space<vmem>> -> memref<128xi32, #tpu.memory_space<vmem>>
        %dma_wait3A_113 = arith.constant 0 : i32
        %dma_wait3A_114 = arith.constant 0 : i32
        %dma_wait3A_115 = tpu.memref_slice %arg2[%dma_wait3A_113, %dma_wait3A_114] : memref<10000x128xf32, #tpu.memory_space<hbm>> -> memref<10000x128xf32, #tpu.memory_space<hbm>>
        tpu.wait_indirect_dma semaphore(%arg14 : memref<!tpu.dma_semaphore, #tpu.memory_space<semaphore_mem>>) src(%dma_wait3A_115 : memref<10000x128xf32, #tpu.memory_space<hbm>>) dst(%dma_wait3A_111 : memref<128x128xf32, #tpu.memory_space<vmem>>)
        %mul3A_116 = arith.constant 128 : i32
        %mul3A_117 = arith.muli %add3A_103, %mul3A_116 : i32
        %multiple_of3A_118 = tpu.assume_multiple %mul3A_117, 128 : i32
        %dma_start3A_119 = arith.constant 1 : i32
        %dma_start3A_120 = arith.constant 0 : i32
        %dma_start3A_121 = arith.constant 0 : i32
        %dma_start3A_122 = tpu.memref_slice %arg10[%dma_start3A_119, %dma_start3A_120, %dma_start3A_121] : memref<2x128x128xf32, #tpu.memory_space<vmem>> -> memref<1x128x128xf32, #tpu.memory_space<vmem>>
        %dma_start3A_123 = tpu.memref_squeeze %dma_start3A_122 : memref<1x128x128xf32, #tpu.memory_space<vmem>> -> memref<128x128xf32, #tpu.memory_space<vmem>>
        %dma_start3A_124 = tpu.memref_slice %arg9[%multiple_of3A_118] : memref<13312xi32, #tpu.memory_space<vmem>> -> memref<128xi32, #tpu.memory_space<vmem>>
        %dma_start3A_125 = arith.constant 0 : i32
        %dma_start3A_126 = arith.constant 0 : i32
        %dma_start3A_127 = tpu.memref_slice %arg12[%dma_start3A_125, %dma_start3A_126] : memref<5120x128xf32, #tpu.memory_space<vmem_shared>> -> memref<5120x128xf32, #tpu.memory_space<vmem_shared>>
        %dma_start3A_128 = arith.constant -1 : i32
        tpu.enqueue_indirect_dma source(%dma_start3A_123 : memref<128x128xf32, #tpu.memory_space<vmem>>) target(%dma_start3A_127 : memref<5120x128xf32, #tpu.memory_space<vmem_shared>>) offsets(%dma_start3A_124 : memref<128xi32, #tpu.memory_space<vmem>>) offset_filter(%dma_start3A_128) semaphore(%arg16 : memref<!tpu.dma_semaphore, #tpu.memory_space<semaphore_mem>>) {add = true}
        %mul3A_129 = arith.constant 2 : i32
        %mul3A_130 = arith.muli %mul3A_129, %add3A_71 : i32
        %add3A_131 = arith.constant 0 : i32
        %add3A_132 = arith.addi %mul3A_130, %add3A_131 : i32
        %mul3A_133 = arith.constant 128 : i32
        %mul3A_134 = arith.muli %add3A_132, %mul3A_133 : i32
        %multiple_of3A_135 = tpu.assume_multiple %mul3A_134, 128 : i32
        %dma_wait3A_136 = arith.constant 0 : i32
        %dma_wait3A_137 = arith.constant 0 : i32
        %dma_wait3A_138 = arith.constant 0 : i32
        %dma_wait3A_139 = tpu.memref_slice %arg10[%dma_wait3A_136, %dma_wait3A_137, %dma_wait3A_138] : memref<2x128x128xf32, #tpu.memory_space<vmem>> -> memref<1x128x128xf32, #tpu.memory_space<vmem>>
        %dma_wait3A_140 = tpu.memref_squeeze %dma_wait3A_139 : memref<1x128x128xf32, #tpu.memory_space<vmem>> -> memref<128x128xf32, #tpu.memory_space<vmem>>
        %dma_wait3A_141 = tpu.memref_slice %arg9[%multiple_of3A_135] : memref<13312xi32, #tpu.memory_space<vmem>> -> memref<128xi32, #tpu.memory_space<vmem>>
        %dma_wait3A_142 = arith.constant 0 : i32
        %dma_wait3A_143 = arith.constant 0 : i32
        %dma_wait3A_144 = tpu.memref_slice %arg12[%dma_wait3A_142, %dma_wait3A_143] : memref<5120x128xf32, #tpu.memory_space<vmem_shared>> -> memref<5120x128xf32, #tpu.memory_space<vmem_shared>>
        tpu.wait_indirect_dma semaphore(%arg15 : memref<!tpu.dma_semaphore, #tpu.memory_space<semaphore_mem>>) src(%dma_wait3A_140 : memref<128x128xf32, #tpu.memory_space<vmem>>) dst(%dma_wait3A_144 : memref<5120x128xf32, #tpu.memory_space<vmem_shared>>)
        %add3A_145 = arith.constant 2 : i32
        %add3A_146 = arith.addi %add3A_132, %add3A_145 : i32
        %lt3A = arith.constant 104 : i32
        %lt3A_147 = arith.cmpi slt, %add3A_146, %lt3A : i32
        %convert_element_type3A = arith.extui %lt3A_147 : i1 to i32
        %cond3A = arith.constant 0 : i32
        %cond3A_148 = arith.cmpi ne, %convert_element_type3A, %cond3A : i32
        scf.if %cond3A_148 {
          %add3A_172 = arith.constant 2 : i32
          %add3A_173 = arith.addi %add3A_132, %add3A_172 : i32
          %mul3A_174 = arith.constant 128 : i32
          %mul3A_175 = arith.muli %add3A_173, %mul3A_174 : i32
          %multiple_of3A_176 = tpu.assume_multiple %mul3A_175, 128 : i32
          %dma_start3A_177 = arith.constant 0 : i32
          %dma_start3A_178 = arith.constant 0 : i32
          %dma_start3A_179 = arith.constant 0 : i32
          %dma_start3A_180 = tpu.memref_slice %arg10[%dma_start3A_177, %dma_start3A_178, %dma_start3A_179] : memref<2x128x128xf32, #tpu.memory_space<vmem>> -> memref<1x128x128xf32, #tpu.memory_space<vmem>>
          %dma_start3A_181 = tpu.memref_squeeze %dma_start3A_180 : memref<1x128x128xf32, #tpu.memory_space<vmem>> -> memref<128x128xf32, #tpu.memory_space<vmem>>
          %dma_start3A_182 = tpu.memref_slice %arg8[%multiple_of3A_176] : memref<13312xi32, #tpu.memory_space<vmem>> -> memref<128xi32, #tpu.memory_space<vmem>>
          %dma_start3A_183 = arith.constant 0 : i32
          %dma_start3A_184 = arith.constant 0 : i32
          %dma_start3A_185 = tpu.memref_slice %arg2[%dma_start3A_183, %dma_start3A_184] : memref<10000x128xf32, #tpu.memory_space<hbm>> -> memref<10000x128xf32, #tpu.memory_space<hbm>>
          %dma_start3A_186 = arith.constant -1 : i32
          tpu.enqueue_indirect_dma source(%dma_start3A_185 : memref<10000x128xf32, #tpu.memory_space<hbm>>) target(%dma_start3A_181 : memref<128x128xf32, #tpu.memory_space<vmem>>) offsets(%dma_start3A_182 : memref<128xi32, #tpu.memory_space<vmem>>) offset_filter(%dma_start3A_186) semaphore(%arg13 : memref<!tpu.dma_semaphore, #tpu.memory_space<semaphore_mem>>)
        } else {
        }
        %mul3A_149 = arith.constant 2 : i32
        %mul3A_150 = arith.muli %mul3A_149, %add3A_71 : i32
        %add3A_151 = arith.constant 1 : i32
        %add3A_152 = arith.addi %mul3A_150, %add3A_151 : i32
        %mul3A_153 = arith.constant 128 : i32
        %mul3A_154 = arith.muli %add3A_152, %mul3A_153 : i32
        %multiple_of3A_155 = tpu.assume_multiple %mul3A_154, 128 : i32
        %dma_wait3A_156 = arith.constant 1 : i32
        %dma_wait3A_157 = arith.constant 0 : i32
        %dma_wait3A_158 = arith.constant 0 : i32
        %dma_wait3A_159 = tpu.memref_slice %arg10[%dma_wait3A_156, %dma_wait3A_157, %dma_wait3A_158] : memref<2x128x128xf32, #tpu.memory_space<vmem>> -> memref<1x128x128xf32, #tpu.memory_space<vmem>>
        %dma_wait3A_160 = tpu.memref_squeeze %dma_wait3A_159 : memref<1x128x128xf32, #tpu.memory_space<vmem>> -> memref<128x128xf32, #tpu.memory_space<vmem>>
        %dma_wait3A_161 = tpu.memref_slice %arg9[%multiple_of3A_155] : memref<13312xi32, #tpu.memory_space<vmem>> -> memref<128xi32, #tpu.memory_space<vmem>>
        %dma_wait3A_162 = arith.constant 0 : i32
        %dma_wait3A_163 = arith.constant 0 : i32
        %dma_wait3A_164 = tpu.memref_slice %arg12[%dma_wait3A_162, %dma_wait3A_163] : memref<5120x128xf32, #tpu.memory_space<vmem_shared>> -> memref<5120x128xf32, #tpu.memory_space<vmem_shared>>
        tpu.wait_indirect_dma semaphore(%arg16 : memref<!tpu.dma_semaphore, #tpu.memory_space<semaphore_mem>>) src(%dma_wait3A_160 : memref<128x128xf32, #tpu.memory_space<vmem>>) dst(%dma_wait3A_164 : memref<5120x128xf32, #tpu.memory_space<vmem_shared>>)
        %add3A_165 = arith.constant 2 : i32
        %add3A_166 = arith.addi %add3A_152, %add3A_165 : i32
        %lt3A_167 = arith.constant 104 : i32
        %lt3A_168 = arith.cmpi slt, %add3A_166, %lt3A_167 : i32
        %convert_element_type3A_169 = arith.extui %lt3A_168 : i1 to i32
        %cond3A_170 = arith.constant 0 : i32
        %cond3A_171 = arith.cmpi ne, %convert_element_type3A_169, %cond3A_170 : i32
        scf.if %cond3A_171 {
          %add3A_172 = arith.constant 2 : i32
          %add3A_173 = arith.addi %add3A_152, %add3A_172 : i32
          %mul3A_174 = arith.constant 128 : i32
          %mul3A_175 = arith.muli %add3A_173, %mul3A_174 : i32
          %multiple_of3A_176 = tpu.assume_multiple %mul3A_175, 128 : i32
          %dma_start3A_177 = arith.constant 1 : i32
          %dma_start3A_178 = arith.constant 0 : i32
          %dma_start3A_179 = arith.constant 0 : i32
          %dma_start3A_180 = tpu.memref_slice %arg10[%dma_start3A_177, %dma_start3A_178, %dma_start3A_179] : memref<2x128x128xf32, #tpu.memory_space<vmem>> -> memref<1x128x128xf32, #tpu.memory_space<vmem>>
          %dma_start3A_181 = tpu.memref_squeeze %dma_start3A_180 : memref<1x128x128xf32, #tpu.memory_space<vmem>> -> memref<128x128xf32, #tpu.memory_space<vmem>>
          %dma_start3A_182 = tpu.memref_slice %arg8[%multiple_of3A_176] : memref<13312xi32, #tpu.memory_space<vmem>> -> memref<128xi32, #tpu.memory_space<vmem>>
          %dma_start3A_183 = arith.constant 0 : i32
          %dma_start3A_184 = arith.constant 0 : i32
          %dma_start3A_185 = tpu.memref_slice %arg2[%dma_start3A_183, %dma_start3A_184] : memref<10000x128xf32, #tpu.memory_space<hbm>> -> memref<10000x128xf32, #tpu.memory_space<hbm>>
          %dma_start3A_186 = arith.constant -1 : i32
          tpu.enqueue_indirect_dma source(%dma_start3A_185 : memref<10000x128xf32, #tpu.memory_space<hbm>>) target(%dma_start3A_181 : memref<128x128xf32, #tpu.memory_space<vmem>>) offsets(%dma_start3A_182 : memref<128xi32, #tpu.memory_space<vmem>>) offset_filter(%dma_start3A_186) semaphore(%arg14 : memref<!tpu.dma_semaphore, #tpu.memory_space<semaphore_mem>>)
        } else {
        }
      }
      %scan3A_60 = arith.constant 52 : i32
      %barrier3A_61 = arith.constant 0 : index
      tpu.barrier barrier_id(%barrier3A_61)
      %scan3A_62 = arith.constant 0 : i32
      %scan3A_63 = arith.constant 40 : i32
      %scan3A_64 = arith.addi %scan3A_62, %scan3A_63 : i32
      %scan3A_65 = arith.constant 1 : i32
      scf.for %scan3A_67 = %scan3A_62 to %scan3A_64 step %scan3A_65  : i32 {
        %mul3A_68 = arith.constant 1 : i32
        %mul3A_69 = arith.muli %scan3A_67, %mul3A_68 : i32
        %add3A_70 = arith.constant 0 : i32
        %add3A_71 = arith.addi %add3A_70, %mul3A_69 : i32
        %mul3A_72 = arith.constant 8 : i32
        %mul3A_73 = arith.muli %add3A_71, %mul3A_72 : i32
        %add3A_74 = arith.addi %mul3A_2, %mul3A_73 : i32
        %mul3A_75 = arith.constant 8 : i32
        %mul3A_76 = arith.muli %add3A_71, %mul3A_75 : i32
        %add3A_77 = arith.addi %mul3A_2, %mul3A_76 : i32
        "tpu.region"() ({
          %run_scoped3A = tpu.sem_alloc : memref<!tpu.dma_semaphore, #tpu.memory_space<semaphore_mem>>
          %dma_start3A_78 = arith.constant 0 : i32
          %dma_start3A_79 = tpu.memref_slice %arg5[%add3A_21, %arg0, %add3A_77, %dma_start3A_78] : memref<2x2x5120x128xf32, #tpu.memory_space<hbm>> -> memref<1x1x8x128xf32, #tpu.memory_space<hbm>>
          %dma_start3A_80 = tpu.memref_squeeze %dma_start3A_79 : memref<1x1x8x128xf32, #tpu.memory_space<hbm>> -> memref<8x128xf32, #tpu.memory_space<hbm>>
          %dma_start3A_81 = arith.constant 0 : i32
          %dma_start3A_82 = tpu.memref_slice %arg12[%add3A_74, %dma_start3A_81] : memref<5120x128xf32, #tpu.memory_space<vmem_shared>> -> memref<8x128xf32, #tpu.memory_space<vmem_shared>>
          tpu.enqueue_dma source(%dma_start3A_82 : memref<8x128xf32, #tpu.memory_space<vmem_shared>>) target(%dma_start3A_80 : memref<8x128xf32, #tpu.memory_space<hbm>>) target_semaphore(%run_scoped3A : memref<!tpu.dma_semaphore, #tpu.memory_space<semaphore_mem>>)
          %dma_wait3A = arith.constant 0 : i32
          %dma_wait3A_83 = tpu.memref_slice %arg5[%add3A_21, %arg0, %add3A_77, %dma_wait3A] : memref<2x2x5120x128xf32, #tpu.memory_space<hbm>> -> memref<1x1x8x128xf32, #tpu.memory_space<hbm>>
          %dma_wait3A_84 = tpu.memref_squeeze %dma_wait3A_83 : memref<1x1x8x128xf32, #tpu.memory_space<hbm>> -> memref<8x128xf32, #tpu.memory_space<hbm>>
          %dma_wait3A_85 = arith.constant 0 : i32
          %dma_wait3A_86 = tpu.memref_slice %arg12[%add3A_74, %dma_wait3A_85] : memref<5120x128xf32, #tpu.memory_space<vmem_shared>> -> memref<8x128xf32, #tpu.memory_space<vmem_shared>>
          tpu.wait_dma2 semaphore(%run_scoped3A : memref<!tpu.dma_semaphore, #tpu.memory_space<semaphore_mem>>) src(%dma_wait3A_86 : memref<8x128xf32, #tpu.memory_space<vmem_shared>>) dst(%dma_wait3A_84 : memref<8x128xf32, #tpu.memory_space<hbm>>)
          tpu.yield
        }) : () -> ()
      }
      %scan3A_66 = arith.constant 40 : i32
    }
    %scan3A_16 = arith.constant 2 : i32
    return
  }
}

#map = affine_map<(d0, d1) -> (0, 0)>
#map1 = affine_map<(d0, d1) -> (0, 0, 0, 0)>
module attributes {stable_mosaic.version = 14 : i64} {
  func.func @agg_kernel(%arg0: i32, %arg1: i32, %arg2: memref<10000x128xf32, #tpu.memory_space<hbm>>, %arg3: memref<32x13312xi32, #tpu.memory_space<hbm>>, %arg4: memref<32x13312xi32, #tpu.memory_space<hbm>>, %arg5: memref<2x2x5120x128xf32, #tpu.memory_space<hbm>>, %arg6: memref<13312xi32, #tpu.memory_space<vmem>>, %arg7: memref<13312xi32, #tpu.memory_space<vmem>>, %arg8: memref<13312xi32, #tpu.memory_space<vmem>>, %arg9: memref<13312xi32, #tpu.memory_space<vmem>>, %arg10: memref<2x128x128xf32, #tpu.memory_space<vmem>>, %arg11: memref<8x128xf32, #tpu.memory_space<vmem>>, %arg12: memref<5120x128xf32, #tpu.memory_space<vmem_shared>>, %arg13: memref<!tpu.dma_semaphore, #tpu.memory_space<semaphore_mem>>, %arg14: memref<!tpu.dma_semaphore, #tpu.memory_space<semaphore_mem>>, %arg15: memref<!tpu.dma_semaphore, #tpu.memory_space<semaphore_mem>>, %arg16: memref<!tpu.dma_semaphore, #tpu.memory_space<semaphore_mem>>) attributes {dimension_semantics = [#tpu.dimension_semantics<core_parallel>, #tpu.dimension_semantics<subcore_parallel>], iteration_bounds = array<i64: 2, 16>, scalar_prefetch = 0 : i64, scratch_operands = 11 : i64, tpu.core_type = #tpu.core_type<sc_vector_subcore>, window_params = [{transform_indices = #map}, {transform_indices = #map}, {transform_indices = #map}, {transform_indices = #map1}]} {
    %mul3A = arith.constant 16 : i32
    %mul3A_0 = arith.muli %arg0, %mul3A : i32
    %add3A = arith.addi %mul3A_0, %arg1 : i32
    %mul3A_1 = arith.constant 320 : i32
    %mul3A_2 = arith.muli %arg1, %mul3A_1 : i32
    %scan3A = arith.constant 0 : i32
    %scan3A_3 = arith.constant 8 : i32
    %scan3A_4 = arith.addi %scan3A, %scan3A_3 : i32
    %scan3A_5 = arith.constant 1 : i32
    scf.for %scan3A_17 = %scan3A to %scan3A_4 step %scan3A_5  : i32 {
      %mul3A_18 = arith.constant 1 : i32
      %mul3A_19 = arith.muli %scan3A_17, %mul3A_18 : i32
      %add3A_20 = arith.constant 0 : i32
      %add3A_21 = arith.addi %add3A_20, %mul3A_19 : i32
      %broadcast_in_dim3A = arith.constant 0.000000e+00 : f32
      %broadcast_in_dim3A_22 = vector.broadcast %broadcast_in_dim3A : f32 to vector<16xf32>
      %swap3A = arith.index_cast %add3A_21 : i32 to index
      %swap3A_23 = arith.constant 0 : index
      %swap3A_24 = tpu.vector_load %arg11[%swap3A, %swap3A_23] {strides = array<i32>} : memref<8x128xf32, #tpu.memory_space<vmem>>, vector<1x16xf32>,
      %swap3A_25 = vector.shape_cast %swap3A_24 : vector<1x16xf32> to vector<16xf32>
      %swap3A_26 = vector.shape_cast %broadcast_in_dim3A_22 : vector<16xf32> to vector<1x16xf32>
      tpu.vector_store %arg11[%swap3A, %swap3A_23], %swap3A_26 {strides = array<i32>} : memref<8x128xf32, #tpu.memory_space<vmem>>, vector<1x16xf32>,
      %broadcast_in_dim3A_27 = arith.constant 0.000000e+00 : f32
      %broadcast_in_dim3A_28 = vector.broadcast %broadcast_in_dim3A_27 : f32 to vector<16xf32>
      %swap3A_29 = arith.index_cast %add3A_21 : i32 to index
      %swap3A_30 = arith.constant 16 : index
      %swap3A_31 = tpu.vector_load %arg11[%swap3A_29, %swap3A_30] {strides = array<i32>} : memref<8x128xf32, #tpu.memory_space<vmem>>, vector<1x16xf32>,
      %swap3A_32 = vector.shape_cast %swap3A_31 : vector<1x16xf32> to vector<16xf32>
      %swap3A_33 = vector.shape_cast %broadcast_in_dim3A_28 : vector<16xf32> to vector<1x16xf32>
      tpu.vector_store %arg11[%swap3A_29, %swap3A_30], %swap3A_33 {strides = array<i32>} : memref<8x128xf32, #tpu.memory_space<vmem>>, vector<1x16xf32>,
      %broadcast_in_dim3A_34 = arith.constant 0.000000e+00 : f32
      %broadcast_in_dim3A_35 = vector.broadcast %broadcast_in_dim3A_34 : f32 to vector<16xf32>
      %swap3A_36 = arith.index_cast %add3A_21 : i32 to index
      %swap3A_37 = arith.constant 32 : index
      %swap3A_38 = tpu.vector_load %arg11[%swap3A_36, %swap3A_37] {strides = array<i32>} : memref<8x128xf32, #tpu.memory_space<vmem>>, vector<1x16xf32>,
      %swap3A_39 = vector.shape_cast %swap3A_38 : vector<1x16xf32> to vector<16xf32>
      %swap3A_40 = vector.shape_cast %broadcast_in_dim3A_35 : vector<16xf32> to vector<1x16xf32>
      tpu.vector_store %arg11[%swap3A_36, %swap3A_37], %swap3A_40 {strides = array<i32>} : memref<8x128xf32, #tpu.memory_space<vmem>>, vector<1x16xf32>,
      %broadcast_in_dim3A_41 = arith.constant 0.000000e+00 : f32
      %broadcast_in_dim3A_42 = vector.broadcast %broadcast_in_dim3A_41 : f32 to vector<16xf32>
      %swap3A_43 = arith.index_cast %add3A_21 : i32 to index
      %swap3A_44 = arith.constant 48 : index
      %swap3A_45 = tpu.vector_load %arg11[%swap3A_43, %swap3A_44] {strides = array<i32>} : memref<8x128xf32, #tpu.memory_space<vmem>>, vector<1x16xf32>,
      %swap3A_46 = vector.shape_cast %swap3A_45 : vector<1x16xf32> to vector<16xf32>
      %swap3A_47 = vector.shape_cast %broadcast_in_dim3A_42 : vector<16xf32> to vector<1x16xf32>
      tpu.vector_store %arg11[%swap3A_43, %swap3A_44], %swap3A_47 {strides = array<i32>} : memref<8x128xf32, #tpu.memory_space<vmem>>, vector<1x16xf32>,
      %broadcast_in_dim3A_48 = arith.constant 0.000000e+00 : f32
      %broadcast_in_dim3A_49 = vector.broadcast %broadcast_in_dim3A_48 : f32 to vector<16xf32>
      %swap3A_50 = arith.index_cast %add3A_21 : i32 to index
      %swap3A_51 = arith.constant 64 : index
      %swap3A_52 = tpu.vector_load %arg11[%swap3A_50, %swap3A_51] {strides = array<i32>} : memref<8x128xf32, #tpu.memory_space<vmem>>, vector<1x16xf32>,
      %swap3A_53 = vector.shape_cast %swap3A_52 : vector<1x16xf32> to vector<16xf32>
      %swap3A_54 = vector.shape_cast %broadcast_in_dim3A_49 : vector<16xf32> to vector<1x16xf32>
      tpu.vector_store %arg11[%swap3A_50, %swap3A_51], %swap3A_54 {strides = array<i32>} : memref<8x128xf32, #tpu.memory_space<vmem>>, vector<1x16xf32>,
      %broadcast_in_dim3A_55 = arith.constant 0.000000e+00 : f32
      %broadcast_in_dim3A_56 = vector.broadcast %broadcast_in_dim3A_55 : f32 to vector<16xf32>
      %swap3A_57 = arith.index_cast %add3A_21 : i32 to index
      %swap3A_58 = arith.constant 80 : index
      %swap3A_59 = tpu.vector_load %arg11[%swap3A_57, %swap3A_58] {strides = array<i32>} : memref<8x128xf32, #tpu.memory_space<vmem>>, vector<1x16xf32>,
      %swap3A_60 = vector.shape_cast %swap3A_59 : vector<1x16xf32> to vector<16xf32>
      %swap3A_61 = vector.shape_cast %broadcast_in_dim3A_56 : vector<16xf32> to vector<1x16xf32>
      tpu.vector_store %arg11[%swap3A_57, %swap3A_58], %swap3A_61 {strides = array<i32>} : memref<8x128xf32, #tpu.memory_space<vmem>>, vector<1x16xf32>,
      %broadcast_in_dim3A_62 = arith.constant 0.000000e+00 : f32
      %broadcast_in_dim3A_63 = vector.broadcast %broadcast_in_dim3A_62 : f32 to vector<16xf32>
      %swap3A_64 = arith.index_cast %add3A_21 : i32 to index
      %swap3A_65 = arith.constant 96 : index
      %swap3A_66 = tpu.vector_load %arg11[%swap3A_64, %swap3A_65] {strides = array<i32>} : memref<8x128xf32, #tpu.memory_space<vmem>>, vector<1x16xf32>,
      %swap3A_67 = vector.shape_cast %swap3A_66 : vector<1x16xf32> to vector<16xf32>
      %swap3A_68 = vector.shape_cast %broadcast_in_dim3A_63 : vector<16xf32> to vector<1x16xf32>
      tpu.vector_store %arg11[%swap3A_64, %swap3A_65], %swap3A_68 {strides = array<i32>} : memref<8x128xf32, #tpu.memory_space<vmem>>, vector<1x16xf32>,
      %broadcast_in_dim3A_69 = arith.constant 0.000000e+00 : f32
      %broadcast_in_dim3A_70 = vector.broadcast %broadcast_in_dim3A_69 : f32 to vector<16xf32>
      %swap3A_71 = arith.index_cast %add3A_21 : i32 to index
      %swap3A_72 = arith.constant 112 : index
      %swap3A_73 = tpu.vector_load %arg11[%swap3A_71, %swap3A_72] {strides = array<i32>} : memref<8x128xf32, #tpu.memory_space<vmem>>, vector<1x16xf32>,
      %swap3A_74 = vector.shape_cast %swap3A_73 : vector<1x16xf32> to vector<16xf32>
      %swap3A_75 = vector.shape_cast %broadcast_in_dim3A_70 : vector<16xf32> to vector<1x16xf32>
      tpu.vector_store %arg11[%swap3A_71, %swap3A_72], %swap3A_75 {strides = array<i32>} : memref<8x128xf32, #tpu.memory_space<vmem>>, vector<1x16xf32>,
    }
    %scan3A_6 = arith.constant 8 : i32
    %scan3A_7 = arith.constant 0 : i32
    %scan3A_8 = arith.constant 13 : i32
    %scan3A_9 = arith.addi %scan3A_7, %scan3A_8 : i32
    %scan3A_10 = arith.constant 1 : i32
    scf.for %scan3A_17 = %scan3A_7 to %scan3A_9 step %scan3A_10  : i32 {
      %mul3A_18 = arith.constant 1 : i32
      %mul3A_19 = arith.muli %scan3A_17, %mul3A_18 : i32
      %add3A_20 = arith.constant 0 : i32
      %add3A_21 = arith.addi %add3A_20, %mul3A_19 : i32
      %mul3A_22 = arith.constant 1024 : i32
      %mul3A_23 = arith.muli %add3A_21, %mul3A_22 : i32
      %multiple_of3A = tpu.assume_multiple %mul3A_23, 1024 : i32
      "tpu.region"() ({
        %run_scoped3A = tpu.sem_alloc : memref<!tpu.dma_semaphore, #tpu.memory_space<semaphore_mem>>
        %dma_start3A = tpu.memref_slice %arg6[%multiple_of3A] : memref<13312xi32, #tpu.memory_space<vmem>> -> memref<1024xi32, #tpu.memory_space<vmem>>
        %dma_start3A_24 = tpu.memref_slice %arg3[%add3A, %multiple_of3A] : memref<32x13312xi32, #tpu.memory_space<hbm>> -> memref<1x1024xi32, #tpu.memory_space<hbm>>
        %dma_start3A_25 = tpu.memref_squeeze %dma_start3A_24 : memref<1x1024xi32, #tpu.memory_space<hbm>> -> memref<1024xi32, #tpu.memory_space<hbm>>
        %dma_start3A_26 = tpu.memref_slice %arg6[%multiple_of3A] : memref<13312xi32, #tpu.memory_space<vmem>> -> memref<1024xi32, #tpu.memory_space<vmem>>
        %dma_start3A_27 = tpu.memref_slice %arg3[%add3A, %multiple_of3A] : memref<32x13312xi32, #tpu.memory_space<hbm>> -> memref<1x1024xi32, #tpu.memory_space<hbm>>
        %dma_start3A_28 = tpu.memref_squeeze %dma_start3A_27 : memref<1x1024xi32, #tpu.memory_space<hbm>> -> memref<1024xi32, #tpu.memory_space<hbm>>
        tpu.enqueue_dma source(%dma_start3A_28 : memref<1024xi32, #tpu.memory_space<hbm>>) target(%dma_start3A_26 : memref<1024xi32, #tpu.memory_space<vmem>>) target_semaphore(%run_scoped3A : memref<!tpu.dma_semaphore, #tpu.memory_space<semaphore_mem>>)
        %dma_wait3A = tpu.memref_slice %arg6[%multiple_of3A] : memref<13312xi32, #tpu.memory_space<vmem>> -> memref<1024xi32, #tpu.memory_space<vmem>>
        %dma_wait3A_29 = tpu.memref_slice %arg3[%add3A, %multiple_of3A] : memref<32x13312xi32, #tpu.memory_space<hbm>> -> memref<1x1024xi32, #tpu.memory_space<hbm>>
        %dma_wait3A_30 = tpu.memref_squeeze %dma_wait3A_29 : memref<1x1024xi32, #tpu.memory_space<hbm>> -> memref<1024xi32, #tpu.memory_space<hbm>>
        %dma_wait3A_31 = tpu.memref_slice %arg6[%multiple_of3A] : memref<13312xi32, #tpu.memory_space<vmem>> -> memref<1024xi32, #tpu.memory_space<vmem>>
        %dma_wait3A_32 = tpu.memref_slice %arg3[%add3A, %multiple_of3A] : memref<32x13312xi32, #tpu.memory_space<hbm>> -> memref<1x1024xi32, #tpu.memory_space<hbm>>
        %dma_wait3A_33 = tpu.memref_squeeze %dma_wait3A_32 : memref<1x1024xi32, #tpu.memory_space<hbm>> -> memref<1024xi32, #tpu.memory_space<hbm>>
        tpu.wait_dma2 semaphore(%run_scoped3A : memref<!tpu.dma_semaphore, #tpu.memory_space<semaphore_mem>>) src(%dma_wait3A_33 : memref<1024xi32, #tpu.memory_space<hbm>>) dst(%dma_wait3A_31 : memref<1024xi32, #tpu.memory_space<vmem>>)
        tpu.yield
      }) : () -> ()
      "tpu.region"() ({
        %run_scoped3A = tpu.sem_alloc : memref<!tpu.dma_semaphore, #tpu.memory_space<semaphore_mem>>
        %dma_start3A = tpu.memref_slice %arg7[%multiple_of3A] : memref<13312xi32, #tpu.memory_space<vmem>> -> memref<1024xi32, #tpu.memory_space<vmem>>
        %dma_start3A_24 = tpu.memref_slice %arg4[%add3A, %multiple_of3A] : memref<32x13312xi32, #tpu.memory_space<hbm>> -> memref<1x1024xi32, #tpu.memory_space<hbm>>
        %dma_start3A_25 = tpu.memref_squeeze %dma_start3A_24 : memref<1x1024xi32, #tpu.memory_space<hbm>> -> memref<1024xi32, #tpu.memory_space<hbm>>
        %dma_start3A_26 = tpu.memref_slice %arg7[%multiple_of3A] : memref<13312xi32, #tpu.memory_space<vmem>> -> memref<1024xi32, #tpu.memory_space<vmem>>
        %dma_start3A_27 = tpu.memref_slice %arg4[%add3A, %multiple_of3A] : memref<32x13312xi32, #tpu.memory_space<hbm>> -> memref<1x1024xi32, #tpu.memory_space<hbm>>
        %dma_start3A_28 = tpu.memref_squeeze %dma_start3A_27 : memref<1x1024xi32, #tpu.memory_space<hbm>> -> memref<1024xi32, #tpu.memory_space<hbm>>
        tpu.enqueue_dma source(%dma_start3A_28 : memref<1024xi32, #tpu.memory_space<hbm>>) target(%dma_start3A_26 : memref<1024xi32, #tpu.memory_space<vmem>>) target_semaphore(%run_scoped3A : memref<!tpu.dma_semaphore, #tpu.memory_space<semaphore_mem>>)
        %dma_wait3A = tpu.memref_slice %arg7[%multiple_of3A] : memref<13312xi32, #tpu.memory_space<vmem>> -> memref<1024xi32, #tpu.memory_space<vmem>>
        %dma_wait3A_29 = tpu.memref_slice %arg4[%add3A, %multiple_of3A] : memref<32x13312xi32, #tpu.memory_space<hbm>> -> memref<1x1024xi32, #tpu.memory_space<hbm>>
        %dma_wait3A_30 = tpu.memref_squeeze %dma_wait3A_29 : memref<1x1024xi32, #tpu.memory_space<hbm>> -> memref<1024xi32, #tpu.memory_space<hbm>>
        %dma_wait3A_31 = tpu.memref_slice %arg7[%multiple_of3A] : memref<13312xi32, #tpu.memory_space<vmem>> -> memref<1024xi32, #tpu.memory_space<vmem>>
        %dma_wait3A_32 = tpu.memref_slice %arg4[%add3A, %multiple_of3A] : memref<32x13312xi32, #tpu.memory_space<hbm>> -> memref<1x1024xi32, #tpu.memory_space<hbm>>
        %dma_wait3A_33 = tpu.memref_squeeze %dma_wait3A_32 : memref<1x1024xi32, #tpu.memory_space<hbm>> -> memref<1024xi32, #tpu.memory_space<hbm>>
        tpu.wait_dma2 semaphore(%run_scoped3A : memref<!tpu.dma_semaphore, #tpu.memory_space<semaphore_mem>>) src(%dma_wait3A_33 : memref<1024xi32, #tpu.memory_space<hbm>>) dst(%dma_wait3A_31 : memref<1024xi32, #tpu.memory_space<vmem>>)
        tpu.yield
      }) : () -> ()
    }
    %scan3A_11 = arith.constant 13 : i32
    %scan3A_12 = arith.constant 0 : i32
    %scan3A_13 = arith.constant 2 : i32
    %scan3A_14 = arith.addi %scan3A_12, %scan3A_13 : i32
    %scan3A_15 = arith.constant 1 : i32
    scf.for %scan3A_17 = %scan3A_12 to %scan3A_14 step %scan3A_15  : i32 {
      %mul3A_18 = arith.constant 1 : i32
      %mul3A_19 = arith.muli %scan3A_17, %mul3A_18 : i32
      %add3A_20 = arith.constant 0 : i32
      %add3A_21 = arith.addi %add3A_20, %mul3A_19 : i32
      %mul3A_22 = arith.constant 5120 : i32
      %mul3A_23 = arith.muli %add3A_21, %mul3A_22 : i32
      %scan3A_24 = arith.constant 0 : i32
      %scan3A_25 = arith.constant 832 : i32
      %scan3A_26 = arith.addi %scan3A_24, %scan3A_25 : i32
      %scan3A_27 = arith.constant 1 : i32
      scf.for %scan3A_67 = %scan3A_24 to %scan3A_26 step %scan3A_27  : i32 {
        %mul3A_68 = arith.constant 1 : i32
        %mul3A_69 = arith.muli %scan3A_67, %mul3A_68 : i32
        %add3A_70 = arith.constant 0 : i32
        %add3A_71 = arith.addi %add3A_70, %mul3A_69 : i32
        %mul3A_72 = arith.constant 16 : i32
        %mul3A_73 = arith.muli %add3A_71, %mul3A_72 : i32
        %multiple_of3A_74 = tpu.assume_multiple %mul3A_73, 16 : i32
        %get3A = arith.index_cast %multiple_of3A_74 : i32 to index
        %get3A_75 = tpu.vector_load %arg7[%get3A] {strides = array<i32>} : memref<13312xi32, #tpu.memory_space<vmem>>, vector<16xi32>,
        %get3A_76 = vector.shape_cast %get3A_75 : vector<16xi32> to vector<16xi32>
        %sub3A = vector.broadcast %mul3A_23 : i32 to vector<16xi32>
        %sub3A_77 = arith.subi %get3A_76, %sub3A : vector<16xi32>
        %get3A_78 = arith.index_cast %multiple_of3A_74 : i32 to index
        %get3A_79 = tpu.vector_load %arg6[%get3A_78] {strides = array<i32>} : memref<13312xi32, #tpu.memory_space<vmem>>, vector<16xi32>,
        %get3A_80 = vector.shape_cast %get3A_79 : vector<16xi32> to vector<16xi32>
        %ge3A = arith.constant 0 : i32
        %ge3A_81 = vector.broadcast %ge3A : i32 to vector<16xi32>
        %ge3A_82 = arith.cmpi sge, %sub3A_77, %ge3A_81 : vector<16xi32>
        %lt3A = arith.constant 5120 : i32
        %lt3A_83 = vector.broadcast %lt3A : i32 to vector<16xi32>
        %lt3A_84 = arith.cmpi slt, %sub3A_77, %lt3A_83 : vector<16xi32>
        %and3A = arith.andi %ge3A_82, %lt3A_84 : vector<16xi1>
        %broadcast_in_dim3A = arith.constant -1 : i32
        %broadcast_in_dim3A_85 = vector.broadcast %broadcast_in_dim3A : i32 to vector<16xi32>
        %select_n3A = arith.select %and3A, %get3A_80, %broadcast_in_dim3A_85 : vector<16xi1>, vector<16xi32>
        %swap3A = arith.index_cast %multiple_of3A_74 : i32 to index
        %swap3A_86 = tpu.vector_load %arg8[%swap3A] {strides = array<i32>} : memref<13312xi32, #tpu.memory_space<vmem>>, vector<16xi32>,
        %swap3A_87 = vector.shape_cast %swap3A_86 : vector<16xi32> to vector<16xi32>
        %swap3A_88 = vector.shape_cast %select_n3A : vector<16xi32> to vector<16xi32>
        tpu.vector_store %arg8[%swap3A], %swap3A_88 {strides = array<i32>} : memref<13312xi32, #tpu.memory_space<vmem>>, vector<16xi32>,
        %select_n3A_89 = arith.select %and3A, %sub3A_77, %broadcast_in_dim3A_85 : vector<16xi1>, vector<16xi32>
        %swap3A_90 = arith.index_cast %multiple_of3A_74 : i32 to index
        %swap3A_91 = tpu.vector_load %arg9[%swap3A_90] {strides = array<i32>} : memref<13312xi32, #tpu.memory_space<vmem>>, vector<16xi32>,
        %swap3A_92 = vector.shape_cast %swap3A_91 : vector<16xi32> to vector<16xi32>
        %swap3A_93 = vector.shape_cast %select_n3A_89 : vector<16xi32> to vector<16xi32>
        tpu.vector_store %arg9[%swap3A_90], %swap3A_93 {strides = array<i32>} : memref<13312xi32, #tpu.memory_space<vmem>>, vector<16xi32>,
      }
      %scan3A_28 = arith.constant 832 : i32
      %scan3A_29 = arith.constant 0 : i32
      %scan3A_30 = arith.constant 40 : i32
      %scan3A_31 = arith.addi %scan3A_29, %scan3A_30 : i32
      %scan3A_32 = arith.constant 1 : i32
      scf.for %scan3A_67 = %scan3A_29 to %scan3A_31 step %scan3A_32  : i32 {
        %mul3A_68 = arith.constant 1 : i32
        %mul3A_69 = arith.muli %scan3A_67, %mul3A_68 : i32
        %add3A_70 = arith.constant 0 : i32
        %add3A_71 = arith.addi %add3A_70, %mul3A_69 : i32
        %mul3A_72 = arith.constant 8 : i32
        %mul3A_73 = arith.muli %add3A_71, %mul3A_72 : i32
        %add3A_74 = arith.addi %mul3A_2, %mul3A_73 : i32
        "tpu.region"() ({
          %run_scoped3A = tpu.sem_alloc : memref<!tpu.dma_semaphore, #tpu.memory_space<semaphore_mem>>
          %dma_start3A_75 = arith.constant 0 : i32
          %dma_start3A_76 = tpu.memref_slice %arg12[%add3A_74, %dma_start3A_75] : memref<5120x128xf32, #tpu.memory_space<vmem_shared>> -> memref<8x128xf32, #tpu.memory_space<vmem_shared>>
          %dma_start3A_77 = arith.constant 0 : i32
          %dma_start3A_78 = tpu.memref_slice %arg12[%add3A_74, %dma_start3A_77] : memref<5120x128xf32, #tpu.memory_space<vmem_shared>> -> memref<8x128xf32, #tpu.memory_space<vmem_shared>>
          tpu.enqueue_dma source(%arg11 : memref<8x128xf32, #tpu.memory_space<vmem>>) target(%dma_start3A_78 : memref<8x128xf32, #tpu.memory_space<vmem_shared>>) target_semaphore(%run_scoped3A : memref<!tpu.dma_semaphore, #tpu.memory_space<semaphore_mem>>)
          %dma_wait3A = arith.constant 0 : i32
          %dma_wait3A_79 = tpu.memref_slice %arg12[%add3A_74, %dma_wait3A] : memref<5120x128xf32, #tpu.memory_space<vmem_shared>> -> memref<8x128xf32, #tpu.memory_space<vmem_shared>>
          %dma_wait3A_80 = arith.constant 0 : i32
          %dma_wait3A_81 = tpu.memref_slice %arg12[%add3A_74, %dma_wait3A_80] : memref<5120x128xf32, #tpu.memory_space<vmem_shared>> -> memref<8x128xf32, #tpu.memory_space<vmem_shared>>
          tpu.wait_dma2 semaphore(%run_scoped3A : memref<!tpu.dma_semaphore, #tpu.memory_space<semaphore_mem>>) src(%arg11 : memref<8x128xf32, #tpu.memory_space<vmem>>) dst(%dma_wait3A_81 : memref<8x128xf32, #tpu.memory_space<vmem_shared>>)
          tpu.yield
        }) : () -> ()
      }
      %scan3A_33 = arith.constant 40 : i32
      %barrier3A = arith.constant 0 : index
      tpu.barrier barrier_id(%barrier3A)
      %multiple_of3A = arith.constant 0 : i32
      %multiple_of3A_34 = tpu.assume_multiple %multiple_of3A, 128 : i32
      %dma_start3A = arith.constant 0 : i32
      %dma_start3A_35 = arith.constant 0 : i32
      %dma_start3A_36 = arith.constant 0 : i32
      %dma_start3A_37 = tpu.memref_slice %arg10[%dma_start3A, %dma_start3A_35, %dma_start3A_36] : memref<2x128x128xf32, #tpu.memory_space<vmem>> -> memref<1x128x128xf32, #tpu.memory_space<vmem>>
      %dma_start3A_38 = tpu.memref_squeeze %dma_start3A_37 : memref<1x128x128xf32, #tpu.memory_space<vmem>> -> memref<128x128xf32, #tpu.memory_space<vmem>>
      %dma_start3A_39 = tpu.memref_slice %arg8[%multiple_of3A_34] : memref<13312xi32, #tpu.memory_space<vmem>> -> memref<128xi32, #tpu.memory_space<vmem>>
      %dma_start3A_40 = arith.constant 0 : i32
      %dma_start3A_41 = arith.constant 0 : i32
      %dma_start3A_42 = tpu.memref_slice %arg2[%dma_start3A_40, %dma_start3A_41] : memref<10000x128xf32, #tpu.memory_space<hbm>> -> memref<10000x128xf32, #tpu.memory_space<hbm>>
      %dma_start3A_43 = arith.constant -1 : i32
      tpu.enqueue_indirect_dma source(%dma_start3A_42 : memref<10000x128xf32, #tpu.memory_space<hbm>>) target(%dma_start3A_38 : memref<128x128xf32, #tpu.memory_space<vmem>>) offsets(%dma_start3A_39 : memref<128xi32, #tpu.memory_space<vmem>>) offset_filter(%dma_start3A_43) semaphore(%arg13 : memref<!tpu.dma_semaphore, #tpu.memory_space<semaphore_mem>>)
      %multiple_of3A_44 = arith.constant 128 : i32
      %multiple_of3A_45 = tpu.assume_multiple %multiple_of3A_44, 128 : i32
      %dma_start3A_46 = arith.constant 1 : i32
      %dma_start3A_47 = arith.constant 0 : i32
      %dma_start3A_48 = arith.constant 0 : i32
      %dma_start3A_49 = tpu.memref_slice %arg10[%dma_start3A_46, %dma_start3A_47, %dma_start3A_48] : memref<2x128x128xf32, #tpu.memory_space<vmem>> -> memref<1x128x128xf32, #tpu.memory_space<vmem>>
      %dma_start3A_50 = tpu.memref_squeeze %dma_start3A_49 : memref<1x128x128xf32, #tpu.memory_space<vmem>> -> memref<128x128xf32, #tpu.memory_space<vmem>>
      %dma_start3A_51 = tpu.memref_slice %arg8[%multiple_of3A_45] : memref<13312xi32, #tpu.memory_space<vmem>> -> memref<128xi32, #tpu.memory_space<vmem>>
      %dma_start3A_52 = arith.constant 0 : i32
      %dma_start3A_53 = arith.constant 0 : i32
      %dma_start3A_54 = tpu.memref_slice %arg2[%dma_start3A_52, %dma_start3A_53] : memref<10000x128xf32, #tpu.memory_space<hbm>> -> memref<10000x128xf32, #tpu.memory_space<hbm>>
      %dma_start3A_55 = arith.constant -1 : i32
      tpu.enqueue_indirect_dma source(%dma_start3A_54 : memref<10000x128xf32, #tpu.memory_space<hbm>>) target(%dma_start3A_50 : memref<128x128xf32, #tpu.memory_space<vmem>>) offsets(%dma_start3A_51 : memref<128xi32, #tpu.memory_space<vmem>>) offset_filter(%dma_start3A_55) semaphore(%arg14 : memref<!tpu.dma_semaphore, #tpu.memory_space<semaphore_mem>>)
      %scan3A_56 = arith.constant 0 : i32
      %scan3A_57 = arith.constant 52 : i32
      %scan3A_58 = arith.addi %scan3A_56, %scan3A_57 : i32
      %scan3A_59 = arith.constant 1 : i32
      scf.for %scan3A_67 = %scan3A_56 to %scan3A_58 step %scan3A_59  : i32 {
        %mul3A_68 = arith.constant 1 : i32
        %mul3A_69 = arith.muli %scan3A_67, %mul3A_68 : i32
        %add3A_70 = arith.constant 0 : i32
        %add3A_71 = arith.addi %add3A_70, %mul3A_69 : i32
        %mul3A_72 = arith.constant 2 : i32
        %mul3A_73 = arith.muli %mul3A_72, %add3A_71 : i32
        %add3A_74 = arith.constant 0 : i32
        %add3A_75 = arith.addi %mul3A_73, %add3A_74 : i32
        %mul3A_76 = arith.constant 128 : i32
        %mul3A_77 = arith.muli %add3A_75, %mul3A_76 : i32
        %multiple_of3A_78 = tpu.assume_multiple %mul3A_77, 128 : i32
        %dma_wait3A = arith.constant 0 : i32
        %dma_wait3A_79 = arith.constant 0 : i32
        %dma_wait3A_80 = arith.constant 0 : i32
        %dma_wait3A_81 = tpu.memref_slice %arg10[%dma_wait3A, %dma_wait3A_79, %dma_wait3A_80] : memref<2x128x128xf32, #tpu.memory_space<vmem>> -> memref<1x128x128xf32, #tpu.memory_space<vmem>>
        %dma_wait3A_82 = tpu.memref_squeeze %dma_wait3A_81 : memref<1x128x128xf32, #tpu.memory_space<vmem>> -> memref<128x128xf32, #tpu.memory_space<vmem>>
        %dma_wait3A_83 = tpu.memref_slice %arg8[%multiple_of3A_78] : memref<13312xi32, #tpu.memory_space<vmem>> -> memref<128xi32, #tpu.memory_space<vmem>>
        %dma_wait3A_84 = arith.constant 0 : i32
        %dma_wait3A_85 = arith.constant 0 : i32
        %dma_wait3A_86 = tpu.memref_slice %arg2[%dma_wait3A_84, %dma_wait3A_85] : memref<10000x128xf32, #tpu.memory_space<hbm>> -> memref<10000x128xf32, #tpu.memory_space<hbm>>
        tpu.wait_indirect_dma semaphore(%arg13 : memref<!tpu.dma_semaphore, #tpu.memory_space<semaphore_mem>>) src(%dma_wait3A_86 : memref<10000x128xf32, #tpu.memory_space<hbm>>) dst(%dma_wait3A_82 : memref<128x128xf32, #tpu.memory_space<vmem>>)
        %mul3A_87 = arith.constant 128 : i32
        %mul3A_88 = arith.muli %add3A_75, %mul3A_87 : i32
        %multiple_of3A_89 = tpu.assume_multiple %mul3A_88, 128 : i32
        %dma_start3A_90 = arith.constant 0 : i32
        %dma_start3A_91 = arith.constant 0 : i32
        %dma_start3A_92 = arith.constant 0 : i32
        %dma_start3A_93 = tpu.memref_slice %arg10[%dma_start3A_90, %dma_start3A_91, %dma_start3A_92] : memref<2x128x128xf32, #tpu.memory_space<vmem>> -> memref<1x128x128xf32, #tpu.memory_space<vmem>>
        %dma_start3A_94 = tpu.memref_squeeze %dma_start3A_93 : memref<1x128x128xf32, #tpu.memory_space<vmem>> -> memref<128x128xf32, #tpu.memory_space<vmem>>
        %dma_start3A_95 = tpu.memref_slice %arg9[%multiple_of3A_89] : memref<13312xi32, #tpu.memory_space<vmem>> -> memref<128xi32, #tpu.memory_space<vmem>>
        %dma_start3A_96 = arith.constant 0 : i32
        %dma_start3A_97 = arith.constant 0 : i32
        %dma_start3A_98 = tpu.memref_slice %arg12[%dma_start3A_96, %dma_start3A_97] : memref<5120x128xf32, #tpu.memory_space<vmem_shared>> -> memref<5120x128xf32, #tpu.memory_space<vmem_shared>>
        %dma_start3A_99 = arith.constant -1 : i32
        tpu.enqueue_indirect_dma source(%dma_start3A_94 : memref<128x128xf32, #tpu.memory_space<vmem>>) target(%dma_start3A_98 : memref<5120x128xf32, #tpu.memory_space<vmem_shared>>) offsets(%dma_start3A_95 : memref<128xi32, #tpu.memory_space<vmem>>) offset_filter(%dma_start3A_99) semaphore(%arg15 : memref<!tpu.dma_semaphore, #tpu.memory_space<semaphore_mem>>) {add = true}
        %mul3A_100 = arith.constant 2 : i32
        %mul3A_101 = arith.muli %mul3A_100, %add3A_71 : i32
        %add3A_102 = arith.constant 1 : i32
        %add3A_103 = arith.addi %mul3A_101, %add3A_102 : i32
        %mul3A_104 = arith.constant 128 : i32
        %mul3A_105 = arith.muli %add3A_103, %mul3A_104 : i32
        %multiple_of3A_106 = tpu.assume_multiple %mul3A_105, 128 : i32
        %dma_wait3A_107 = arith.constant 1 : i32
        %dma_wait3A_108 = arith.constant 0 : i32
        %dma_wait3A_109 = arith.constant 0 : i32
        %dma_wait3A_110 = tpu.memref_slice %arg10[%dma_wait3A_107, %dma_wait3A_108, %dma_wait3A_109] : memref<2x128x128xf32, #tpu.memory_space<vmem>> -> memref<1x128x128xf32, #tpu.memory_space<vmem>>
        %dma_wait3A_111 = tpu.memref_squeeze %dma_wait3A_110 : memref<1x128x128xf32, #tpu.memory_space<vmem>> -> memref<128x128xf32, #tpu.memory_space<vmem>>
        %dma_wait3A_112 = tpu.memref_slice %arg8[%multiple_of3A_106] : memref<13312xi32, #tpu.memory_space<vmem>> -> memref<128xi32, #tpu.memory_space<vmem>>
        %dma_wait3A_113 = arith.constant 0 : i32
        %dma_wait3A_114 = arith.constant 0 : i32
        %dma_wait3A_115 = tpu.memref_slice %arg2[%dma_wait3A_113, %dma_wait3A_114] : memref<10000x128xf32, #tpu.memory_space<hbm>> -> memref<10000x128xf32, #tpu.memory_space<hbm>>
        tpu.wait_indirect_dma semaphore(%arg14 : memref<!tpu.dma_semaphore, #tpu.memory_space<semaphore_mem>>) src(%dma_wait3A_115 : memref<10000x128xf32, #tpu.memory_space<hbm>>) dst(%dma_wait3A_111 : memref<128x128xf32, #tpu.memory_space<vmem>>)
        %mul3A_116 = arith.constant 128 : i32
        %mul3A_117 = arith.muli %add3A_103, %mul3A_116 : i32
        %multiple_of3A_118 = tpu.assume_multiple %mul3A_117, 128 : i32
        %dma_start3A_119 = arith.constant 1 : i32
        %dma_start3A_120 = arith.constant 0 : i32
        %dma_start3A_121 = arith.constant 0 : i32
        %dma_start3A_122 = tpu.memref_slice %arg10[%dma_start3A_119, %dma_start3A_120, %dma_start3A_121] : memref<2x128x128xf32, #tpu.memory_space<vmem>> -> memref<1x128x128xf32, #tpu.memory_space<vmem>>
        %dma_start3A_123 = tpu.memref_squeeze %dma_start3A_122 : memref<1x128x128xf32, #tpu.memory_space<vmem>> -> memref<128x128xf32, #tpu.memory_space<vmem>>
        %dma_start3A_124 = tpu.memref_slice %arg9[%multiple_of3A_118] : memref<13312xi32, #tpu.memory_space<vmem>> -> memref<128xi32, #tpu.memory_space<vmem>>
        %dma_start3A_125 = arith.constant 0 : i32
        %dma_start3A_126 = arith.constant 0 : i32
        %dma_start3A_127 = tpu.memref_slice %arg12[%dma_start3A_125, %dma_start3A_126] : memref<5120x128xf32, #tpu.memory_space<vmem_shared>> -> memref<5120x128xf32, #tpu.memory_space<vmem_shared>>
        %dma_start3A_128 = arith.constant -1 : i32
        tpu.enqueue_indirect_dma source(%dma_start3A_123 : memref<128x128xf32, #tpu.memory_space<vmem>>) target(%dma_start3A_127 : memref<5120x128xf32, #tpu.memory_space<vmem_shared>>) offsets(%dma_start3A_124 : memref<128xi32, #tpu.memory_space<vmem>>) offset_filter(%dma_start3A_128) semaphore(%arg16 : memref<!tpu.dma_semaphore, #tpu.memory_space<semaphore_mem>>) {add = true}
        %mul3A_129 = arith.constant 2 : i32
        %mul3A_130 = arith.muli %mul3A_129, %add3A_71 : i32
        %add3A_131 = arith.constant 0 : i32
        %add3A_132 = arith.addi %mul3A_130, %add3A_131 : i32
        %mul3A_133 = arith.constant 128 : i32
        %mul3A_134 = arith.muli %add3A_132, %mul3A_133 : i32
        %multiple_of3A_135 = tpu.assume_multiple %mul3A_134, 128 : i32
        %dma_wait3A_136 = arith.constant 0 : i32
        %dma_wait3A_137 = arith.constant 0 : i32
        %dma_wait3A_138 = arith.constant 0 : i32
        %dma_wait3A_139 = tpu.memref_slice %arg10[%dma_wait3A_136, %dma_wait3A_137, %dma_wait3A_138] : memref<2x128x128xf32, #tpu.memory_space<vmem>> -> memref<1x128x128xf32, #tpu.memory_space<vmem>>
        %dma_wait3A_140 = tpu.memref_squeeze %dma_wait3A_139 : memref<1x128x128xf32, #tpu.memory_space<vmem>> -> memref<128x128xf32, #tpu.memory_space<vmem>>
        %dma_wait3A_141 = tpu.memref_slice %arg9[%multiple_of3A_135] : memref<13312xi32, #tpu.memory_space<vmem>> -> memref<128xi32, #tpu.memory_space<vmem>>
        %dma_wait3A_142 = arith.constant 0 : i32
        %dma_wait3A_143 = arith.constant 0 : i32
        %dma_wait3A_144 = tpu.memref_slice %arg12[%dma_wait3A_142, %dma_wait3A_143] : memref<5120x128xf32, #tpu.memory_space<vmem_shared>> -> memref<5120x128xf32, #tpu.memory_space<vmem_shared>>
        tpu.wait_indirect_dma semaphore(%arg15 : memref<!tpu.dma_semaphore, #tpu.memory_space<semaphore_mem>>) src(%dma_wait3A_140 : memref<128x128xf32, #tpu.memory_space<vmem>>) dst(%dma_wait3A_144 : memref<5120x128xf32, #tpu.memory_space<vmem_shared>>)
        %add3A_145 = arith.constant 2 : i32
        %add3A_146 = arith.addi %add3A_132, %add3A_145 : i32
        %lt3A = arith.constant 104 : i32
        %lt3A_147 = arith.cmpi slt, %add3A_146, %lt3A : i32
        %convert_element_type3A = arith.extui %lt3A_147 : i1 to i32
        %cond3A = arith.constant 0 : i32
        %cond3A_148 = arith.cmpi ne, %convert_element_type3A, %cond3A : i32
        scf.if %cond3A_148 {
          %add3A_172 = arith.constant 2 : i32
          %add3A_173 = arith.addi %add3A_132, %add3A_172 : i32
          %mul3A_174 = arith.constant 128 : i32
          %mul3A_175 = arith.muli %add3A_173, %mul3A_174 : i32
          %multiple_of3A_176 = tpu.assume_multiple %mul3A_175, 128 : i32
          %dma_start3A_177 = arith.constant 0 : i32
          %dma_start3A_178 = arith.constant 0 : i32
          %dma_start3A_179 = arith.constant 0 : i32
          %dma_start3A_180 = tpu.memref_slice %arg10[%dma_start3A_177, %dma_start3A_178, %dma_start3A_179] : memref<2x128x128xf32, #tpu.memory_space<vmem>> -> memref<1x128x128xf32, #tpu.memory_space<vmem>>
          %dma_start3A_181 = tpu.memref_squeeze %dma_start3A_180 : memref<1x128x128xf32, #tpu.memory_space<vmem>> -> memref<128x128xf32, #tpu.memory_space<vmem>>
          %dma_start3A_182 = tpu.memref_slice %arg8[%multiple_of3A_176] : memref<13312xi32, #tpu.memory_space<vmem>> -> memref<128xi32, #tpu.memory_space<vmem>>
          %dma_start3A_183 = arith.constant 0 : i32
          %dma_start3A_184 = arith.constant 0 : i32
          %dma_start3A_185 = tpu.memref_slice %arg2[%dma_start3A_183, %dma_start3A_184] : memref<10000x128xf32, #tpu.memory_space<hbm>> -> memref<10000x128xf32, #tpu.memory_space<hbm>>
          %dma_start3A_186 = arith.constant -1 : i32
          tpu.enqueue_indirect_dma source(%dma_start3A_185 : memref<10000x128xf32, #tpu.memory_space<hbm>>) target(%dma_start3A_181 : memref<128x128xf32, #tpu.memory_space<vmem>>) offsets(%dma_start3A_182 : memref<128xi32, #tpu.memory_space<vmem>>) offset_filter(%dma_start3A_186) semaphore(%arg13 : memref<!tpu.dma_semaphore, #tpu.memory_space<semaphore_mem>>)
        } else {
        }
        %mul3A_149 = arith.constant 2 : i32
        %mul3A_150 = arith.muli %mul3A_149, %add3A_71 : i32
        %add3A_151 = arith.constant 1 : i32
        %add3A_152 = arith.addi %mul3A_150, %add3A_151 : i32
        %mul3A_153 = arith.constant 128 : i32
        %mul3A_154 = arith.muli %add3A_152, %mul3A_153 : i32
        %multiple_of3A_155 = tpu.assume_multiple %mul3A_154, 128 : i32
        %dma_wait3A_156 = arith.constant 1 : i32
        %dma_wait3A_157 = arith.constant 0 : i32
        %dma_wait3A_158 = arith.constant 0 : i32
        %dma_wait3A_159 = tpu.memref_slice %arg10[%dma_wait3A_156, %dma_wait3A_157, %dma_wait3A_158] : memref<2x128x128xf32, #tpu.memory_space<vmem>> -> memref<1x128x128xf32, #tpu.memory_space<vmem>>
        %dma_wait3A_160 = tpu.memref_squeeze %dma_wait3A_159 : memref<1x128x128xf32, #tpu.memory_space<vmem>> -> memref<128x128xf32, #tpu.memory_space<vmem>>
        %dma_wait3A_161 = tpu.memref_slice %arg9[%multiple_of3A_155] : memref<13312xi32, #tpu.memory_space<vmem>> -> memref<128xi32, #tpu.memory_space<vmem>>
        %dma_wait3A_162 = arith.constant 0 : i32
        %dma_wait3A_163 = arith.constant 0 : i32
        %dma_wait3A_164 = tpu.memref_slice %arg12[%dma_wait3A_162, %dma_wait3A_163] : memref<5120x128xf32, #tpu.memory_space<vmem_shared>> -> memref<5120x128xf32, #tpu.memory_space<vmem_shared>>
        tpu.wait_indirect_dma semaphore(%arg16 : memref<!tpu.dma_semaphore, #tpu.memory_space<semaphore_mem>>) src(%dma_wait3A_160 : memref<128x128xf32, #tpu.memory_space<vmem>>) dst(%dma_wait3A_164 : memref<5120x128xf32, #tpu.memory_space<vmem_shared>>)
        %add3A_165 = arith.constant 2 : i32
        %add3A_166 = arith.addi %add3A_152, %add3A_165 : i32
        %lt3A_167 = arith.constant 104 : i32
        %lt3A_168 = arith.cmpi slt, %add3A_166, %lt3A_167 : i32
        %convert_element_type3A_169 = arith.extui %lt3A_168 : i1 to i32
        %cond3A_170 = arith.constant 0 : i32
        %cond3A_171 = arith.cmpi ne, %convert_element_type3A_169, %cond3A_170 : i32
        scf.if %cond3A_171 {
          %add3A_172 = arith.constant 2 : i32
          %add3A_173 = arith.addi %add3A_152, %add3A_172 : i32
          %mul3A_174 = arith.constant 128 : i32
          %mul3A_175 = arith.muli %add3A_173, %mul3A_174 : i32
          %multiple_of3A_176 = tpu.assume_multiple %mul3A_175, 128 : i32
          %dma_start3A_177 = arith.constant 1 : i32
          %dma_start3A_178 = arith.constant 0 : i32
          %dma_start3A_179 = arith.constant 0 : i32
          %dma_start3A_180 = tpu.memref_slice %arg10[%dma_start3A_177, %dma_start3A_178, %dma_start3A_179] : memref<2x128x128xf32, #tpu.memory_space<vmem>> -> memref<1x128x128xf32, #tpu.memory_space<vmem>>
          %dma_start3A_181 = tpu.memref_squeeze %dma_start3A_180 : memref<1x128x128xf32, #tpu.memory_space<vmem>> -> memref<128x128xf32, #tpu.memory_space<vmem>>
          %dma_start3A_182 = tpu.memref_slice %arg8[%multiple_of3A_176] : memref<13312xi32, #tpu.memory_space<vmem>> -> memref<128xi32, #tpu.memory_space<vmem>>
          %dma_start3A_183 = arith.constant 0 : i32
          %dma_start3A_184 = arith.constant 0 : i32
          %dma_start3A_185 = tpu.memref_slice %arg2[%dma_start3A_183, %dma_start3A_184] : memref<10000x128xf32, #tpu.memory_space<hbm>> -> memref<10000x128xf32, #tpu.memory_space<hbm>>
          %dma_start3A_186 = arith.constant -1 : i32
          tpu.enqueue_indirect_dma source(%dma_start3A_185 : memref<10000x128xf32, #tpu.memory_space<hbm>>) target(%dma_start3A_181 : memref<128x128xf32, #tpu.memory_space<vmem>>) offsets(%dma_start3A_182 : memref<128xi32, #tpu.memory_space<vmem>>) offset_filter(%dma_start3A_186) semaphore(%arg14 : memref<!tpu.dma_semaphore, #tpu.memory_space<semaphore_mem>>)
        } else {
        }
      }
      %scan3A_60 = arith.constant 52 : i32
      %barrier3A_61 = arith.constant 0 : index
      tpu.barrier barrier_id(%barrier3A_61)
      %scan3A_62 = arith.constant 0 : i32
      %scan3A_63 = arith.constant 40 : i32
      %scan3A_64 = arith.addi %scan3A_62, %scan3A_63 : i32
      %scan3A_65 = arith.constant 1 : i32
      scf.for %scan3A_67 = %scan3A_62 to %scan3A_64 step %scan3A_65  : i32 {
        %mul3A_68 = arith.constant 1 : i32
        %mul3A_69 = arith.muli %scan3A_67, %mul3A_68 : i32
        %add3A_70 = arith.constant 0 : i32
        %add3A_71 = arith.addi %add3A_70, %mul3A_69 : i32
        %mul3A_72 = arith.constant 8 : i32
        %mul3A_73 = arith.muli %add3A_71, %mul3A_72 : i32
        %add3A_74 = arith.addi %mul3A_2, %mul3A_73 : i32
        %mul3A_75 = arith.constant 8 : i32
        %mul3A_76 = arith.muli %add3A_71, %mul3A_75 : i32
        %add3A_77 = arith.addi %mul3A_2, %mul3A_76 : i32
        "tpu.region"() ({
          %run_scoped3A = tpu.sem_alloc : memref<!tpu.dma_semaphore, #tpu.memory_space<semaphore_mem>>
          %dma_start3A_78 = arith.constant 0 : i32
          %dma_start3A_79 = tpu.memref_slice %arg5[%add3A_21, %arg0, %add3A_77, %dma_start3A_78] : memref<2x2x5120x128xf32, #tpu.memory_space<hbm>> -> memref<1x1x8x128xf32, #tpu.memory_space<hbm>>
          %dma_start3A_80 = tpu.memref_squeeze %dma_start3A_79 : memref<1x1x8x128xf32, #tpu.memory_space<hbm>> -> memref<8x128xf32, #tpu.memory_space<hbm>>
          %dma_start3A_81 = arith.constant 0 : i32
          %dma_start3A_82 = tpu.memref_slice %arg12[%add3A_74, %dma_start3A_81] : memref<5120x128xf32, #tpu.memory_space<vmem_shared>> -> memref<8x128xf32, #tpu.memory_space<vmem_shared>>
          tpu.enqueue_dma source(%dma_start3A_82 : memref<8x128xf32, #tpu.memory_space<vmem_shared>>) target(%dma_start3A_80 : memref<8x128xf32, #tpu.memory_space<hbm>>) target_semaphore(%run_scoped3A : memref<!tpu.dma_semaphore, #tpu.memory_space<semaphore_mem>>)
          %dma_wait3A = arith.constant 0 : i32
          %dma_wait3A_83 = tpu.memref_slice %arg5[%add3A_21, %arg0, %add3A_77, %dma_wait3A] : memref<2x2x5120x128xf32, #tpu.memory_space<hbm>> -> memref<1x1x8x128xf32, #tpu.memory_space<hbm>>
          %dma_wait3A_84 = tpu.memref_squeeze %dma_wait3A_83 : memref<1x1x8x128xf32, #tpu.memory_space<hbm>> -> memref<8x128xf32, #tpu.memory_space<hbm>>
          %dma_wait3A_85 = arith.constant 0 : i32
          %dma_wait3A_86 = tpu.memref_slice %arg12[%add3A_74, %dma_wait3A_85] : memref<5120x128xf32, #tpu.memory_space<vmem_shared>> -> memref<8x128xf32, #tpu.memory_space<vmem_shared>>
          tpu.wait_dma2 semaphore(%run_scoped3A : memref<!tpu.dma_semaphore, #tpu.memory_space<semaphore_mem>>) src(%dma_wait3A_86 : memref<8x128xf32, #tpu.memory_space<vmem_shared>>) dst(%dma_wait3A_84 : memref<8x128xf32, #tpu.memory_space<hbm>>)
          tpu.yield
        }) : () -> ()
      }
      %scan3A_66 = arith.constant 40 : i32
    }
    %scan3A_16 = arith.constant 2 : i32
    return
  }
}

module attributes {stable_mosaic.version = 14 : i64} {
  func.func @body(%arg0: i32, %arg1: memref<32x1024xf32, #tpu.memory_space<vmem>>, %arg2: memref<1024x128xf32, #tpu.memory_space<vmem>>, %arg3: memref<128x128xf32, #tpu.memory_space<vmem>>, %arg4: memref<1024x128xf32, #tpu.memory_space<vmem>>, %arg5: memref<1024x1xf32, #tpu.memory_space<vmem>>) attributes {dimension_semantics = [#tpu.dimension_semantics<arbitrary>], iteration_bounds = array<i64: 10>, scalar_prefetch = 0 : i64, scratch_operands = 0 : i64, tpu.core_type = #tpu.core_type<tc>, window_params = [{transform_indices = @transform_0, window_bounds = array<i64: 32, 1024>}, {transform_indices = @transform_1, window_bounds = array<i64: 1024, 128>}, {pipeline_mode = #tpu.pipeline_mode<synchronous>, transform_indices = @transform_2, window_bounds = array<i64: 128, 128>}, {transform_indices = @transform_3, window_bounds = array<i64: 1024, 128>}, {transform_indices = @transform_4, window_bounds = array<i64: 1024, 1>}]} {
    %get3A = arith.constant 0 : index
    %get3A_0 = arith.constant 0 : index
    %get3A_1 = vector.load %arg1[%get3A, %get3A_0] : memref<32x1024xf32, #tpu.memory_space<vmem>>, vector<32x1024xf32>
    %reduce_sum3A = arith.constant dense<0.000000e+00> : vector<1024xf32>
    %reduce_sum3A_2 = vector.multi_reduction <add>, %get3A_1, %reduce_sum3A [0] : vector<32x1024xf32> to vector<1024xf32>
    %add3A = arith.constant 1.000000e+00 : f32
    %add3A_3 = vector.broadcast %add3A : f32 to vector<1024xf32>
    %add3A_4 = arith.addf %reduce_sum3A_2, %add3A_3 : vector<1024xf32>
    %rsqrt3A = math.rsqrt %add3A_4 : vector<1024xf32>
    %reshape3A = vector.shape_cast %rsqrt3A : vector<1024xf32> to vector<1024x1xf32>
    %get3A_5 = arith.constant 0 : index
    %get3A_6 = arith.constant 0 : index
    %get3A_7 = vector.load %arg2[%get3A_5, %get3A_6] : memref<1024x128xf32, #tpu.memory_space<vmem>>, vector<1024x128xf32>
    %get3A_8 = arith.constant 0 : index
    %get3A_9 = arith.constant 0 : index
    %get3A_10 = vector.load %arg3[%get3A_8, %get3A_9] : memref<128x128xf32, #tpu.memory_space<vmem>>, vector<128x128xf32>
    %dot_general3A = arith.constant dense<0.000000e+00> : vector<1024x128xf32>
    %dot_general3A_11 = tpu.matmul %get3A_7, %get3A_10, %dot_general3A {dimension_numbers = #tpu.dot_dimension_numbers<[1], [0], [0], [1], [0, 0, 1, 1], [], []>, transpose_lhs_hint = false} : vector<1024x128xf32>, vector<128x128xf32>, vector<1024x128xf32> -> vector<1024x128xf32>
    %mul3A = vector.broadcast %reshape3A : vector<1024x1xf32> to vector<1024x128xf32>
    %mul3A_12 = arith.mulf %dot_general3A_11, %mul3A : vector<1024x128xf32>
    %swap3A = arith.constant 0 : index
    %swap3A_13 = arith.constant 0 : index
    %swap3A_14 = vector.load %arg4[%swap3A, %swap3A_13] : memref<1024x128xf32, #tpu.memory_space<vmem>>, vector<1024x128xf32>
    tpu.vector_store %arg4[%swap3A, %swap3A_13], %mul3A_12 {strides = array<i32>} : memref<1024x128xf32, #tpu.memory_space<vmem>>, vector<1024x128xf32>,
    %swap3A_15 = arith.constant 0 : index
    %swap3A_16 = arith.constant 0 : index
    %swap3A_17 = vector.load %arg5[%swap3A_15, %swap3A_16] : memref<1024x1xf32, #tpu.memory_space<vmem>>, vector<1024x1xf32>
    tpu.vector_store %arg5[%swap3A_15, %swap3A_16], %reshape3A {strides = array<i32>} : memref<1024x1xf32, #tpu.memory_space<vmem>>, vector<1024x1xf32>,
    return
  }
  func.func @transform_0(%arg0: i32) -> (i32, i32) {
    %c0_i32 = arith.constant 0 : i32
    %c0_i32_0 = arith.constant 0 : i32
    return %c0_i32, %arg0 : i32, i32
  }
  func.func @transform_1(%arg0: i32) -> (i32, i32) {
    %c0_i32 = arith.constant 0 : i32
    %c0_i32_0 = arith.constant 0 : i32
    return %arg0, %c0_i32 : i32, i32
  }
  func.func @transform_2(%arg0: i32) -> (i32, i32) {
    %c0_i32 = arith.constant 0 : i32
    %c0_i32_0 = arith.constant 0 : i32
    %c0_i32_1 = arith.constant 0 : i32
    return %c0_i32, %c0_i32_0 : i32, i32
  }
  func.func @transform_3(%arg0: i32) -> (i32, i32) {
    %c0_i32 = arith.constant 0 : i32
    %c0_i32_0 = arith.constant 0 : i32
    return %arg0, %c0_i32 : i32, i32
  }
  func.func @transform_4(%arg0: i32) -> (i32, i32) {
    %c0_i32 = arith.constant 0 : i32
    %c0_i32_0 = arith.constant 0 : i32
    return %arg0, %c0_i32 : i32, i32
  }
}

module attributes {stable_mosaic.version = 14 : i64} {
  func.func @body(%arg0: i32, %arg1: memref<1x2x1280x128xf32, #tpu.memory_space<vmem>>, %arg2: memref<1280x128xf32, #tpu.memory_space<vmem>>, %arg3: memref<1280x1xf32, #tpu.memory_space<vmem>>, %arg4: memref<1280x128xf32, #tpu.memory_space<vmem>>, %arg5: memref<2x128xf32, #tpu.memory_space<vmem>>) attributes {dimension_semantics = [#tpu.dimension_semantics<arbitrary>], iteration_bounds = array<i64: 8>, scalar_prefetch = 0 : i64, scratch_operands = 0 : i64, tpu.core_type = #tpu.core_type<tc>, window_params = [{transform_indices = @transform_0, window_bounds = array<i64: 1, 2, 1280, 128>}, {transform_indices = @transform_1, window_bounds = array<i64: 1280, 128>}, {transform_indices = @transform_2, window_bounds = array<i64: 1280, 1>}, {transform_indices = @transform_3, window_bounds = array<i64: 1280, 128>}, {pipeline_mode = #tpu.pipeline_mode<synchronous>, transform_indices = @transform_4, window_bounds = array<i64: 2, 128>}]} {
    %get3A = arith.constant 0 : index
    %get3A_0 = arith.constant 0 : index
    %get3A_1 = arith.constant 0 : index
    %get3A_2 = arith.constant 0 : index
    %get3A_3 = vector.load %arg1[%get3A, %get3A_0, %get3A_1, %get3A_2] : memref<1x2x1280x128xf32, #tpu.memory_space<vmem>>, vector<1x1x1280x128xf32>
    %get3A_4 = vector.shape_cast %get3A_3 : vector<1x1x1280x128xf32> to vector<1280x128xf32>
    %get3A_5 = arith.constant 0 : index
    %get3A_6 = arith.constant 1 : index
    %get3A_7 = arith.constant 0 : index
    %get3A_8 = arith.constant 0 : index
    %get3A_9 = vector.load %arg1[%get3A_5, %get3A_6, %get3A_7, %get3A_8] : memref<1x2x1280x128xf32, #tpu.memory_space<vmem>>, vector<1x1x1280x128xf32>
    %get3A_10 = vector.shape_cast %get3A_9 : vector<1x1x1280x128xf32> to vector<1280x128xf32>
    %add3A = arith.addf %get3A_4, %get3A_10 : vector<1280x128xf32>
    %get3A_11 = arith.constant 0 : index
    %get3A_12 = arith.constant 0 : index
    %get3A_13 = vector.load %arg2[%get3A_11, %get3A_12] : memref<1280x128xf32, #tpu.memory_space<vmem>>, vector<1280x128xf32>
    %add3A_14 = arith.addf %add3A, %get3A_13 : vector<1280x128xf32>
    %get3A_15 = arith.constant 0 : index
    %get3A_16 = arith.constant 0 : index
    %get3A_17 = vector.load %arg3[%get3A_15, %get3A_16] : memref<1280x1xf32, #tpu.memory_space<vmem>>, vector<1280x1xf32>
    %mul3A = vector.broadcast %get3A_17 : vector<1280x1xf32> to vector<1280x128xf32>
    %mul3A_18 = arith.mulf %add3A_14, %mul3A : vector<1280x128xf32>
    %swap3A = arith.constant 0 : index
    %swap3A_19 = arith.constant 0 : index
    %swap3A_20 = vector.load %arg4[%swap3A, %swap3A_19] : memref<1280x128xf32, #tpu.memory_space<vmem>>, vector<1280x128xf32>
    tpu.vector_store %arg4[%swap3A, %swap3A_19], %mul3A_18 {strides = array<i32>} : memref<1280x128xf32, #tpu.memory_space<vmem>>, vector<1280x128xf32>,
    %eq3A = arith.constant 0 : i32
    %eq3A_21 = arith.cmpi eq, %arg0, %eq3A : i32
    %convert_element_type3A = arith.extui %eq3A_21 : i1 to i32
    %cond3A = arith.constant 0 : i32
    %cond3A_22 = arith.cmpi ne, %convert_element_type3A, %cond3A : i32
    scf.if %cond3A_22 {
      %broadcast_in_dim3A_44 = arith.constant 0.000000e+00 : f32
      %broadcast_in_dim3A_45 = vector.broadcast %broadcast_in_dim3A_44 : f32 to vector<2x128xf32>
      %swap3A_46 = arith.constant 0 : index
      %swap3A_47 = arith.constant 0 : index
      %swap3A_48 = vector.load %arg5[%swap3A_46, %swap3A_47] : memref<2x128xf32, #tpu.memory_space<vmem>>, vector<2x128xf32>
      tpu.vector_store %arg5[%swap3A_46, %swap3A_47], %broadcast_in_dim3A_45 {strides = array<i32>} : memref<2x128xf32, #tpu.memory_space<vmem>>, vector<2x128xf32>,
    } else {
    }
    %iota3A = tpu.iota {dimensions = array<i32: 0>} : vector<1280x1xi32>
    %mul3A_23 = arith.constant 1280 : i32
    %mul3A_24 = arith.muli %arg0, %mul3A_23 : i32
    %add3A_25 = vector.broadcast %mul3A_24 : i32 to vector<1280x1xi32>
    %add3A_26 = arith.addi %iota3A, %add3A_25 : vector<1280x1xi32>
    %lt3A = arith.constant 10000 : i32
    %lt3A_27 = vector.broadcast %lt3A : i32 to vector<1280x1xi32>
    %lt3A_28 = arith.cmpi slt, %add3A_26, %lt3A_27 : vector<1280x1xi32>
    %jit3A = arith.constant 0.000000e+00 : f32
    %broadcast_in_dim3A = vector.shape_cast %lt3A_28 : vector<1280x1xi1> to vector<1280x1xi1>
    %broadcast_in_dim3A_29 = vector.broadcast %broadcast_in_dim3A : vector<1280x1xi1> to vector<1280x128xi1>
    %broadcast_in_dim3A_30 = vector.broadcast %jit3A : f32 to vector<1280x128xf32>
    %select_n3A = arith.select %broadcast_in_dim3A_29, %mul3A_18, %broadcast_in_dim3A_30 : vector<1280x128xi1>, vector<1280x128xf32>
    %get3A_31 = arith.constant 0 : index
    %get3A_32 = arith.constant 0 : index
    %get3A_33 = vector.load %arg5[%get3A_31, %get3A_32] : memref<2x128xf32, #tpu.memory_space<vmem>>, vector<2x128xf32>
    %reduce_sum3A = arith.constant dense<0.000000e+00> : vector<128xf32>
    %reduce_sum3A_34 = vector.multi_reduction <add>, %select_n3A, %reduce_sum3A [0] : vector<1280x128xf32> to vector<128xf32>
    %broadcast_in_dim3A_35 = vector.shape_cast %reduce_sum3A_34 : vector<128xf32> to vector<1x128xf32>
    %mul3A_36 = arith.mulf %select_n3A, %select_n3A : vector<1280x128xf32>
    %reduce_sum3A_37 = arith.constant dense<0.000000e+00> : vector<128xf32>
    %reduce_sum3A_38 = vector.multi_reduction <add>, %mul3A_36, %reduce_sum3A_37 [0] : vector<1280x128xf32> to vector<128xf32>
    %broadcast_in_dim3A_39 = vector.shape_cast %reduce_sum3A_38 : vector<128xf32> to vector<1x128xf32>
    %concatenate3A = tpu.concatenate %broadcast_in_dim3A_35, %broadcast_in_dim3A_39 in 0 : vector<1x128xf32>, vector<1x128xf32> -> vector<2x128xf32>
    %add3A_40 = arith.addf %get3A_33, %concatenate3A : vector<2x128xf32>
    %swap3A_41 = arith.constant 0 : index
    %swap3A_42 = arith.constant 0 : index
    %swap3A_43 = vector.load %arg5[%swap3A_41, %swap3A_42] : memref<2x128xf32, #tpu.memory_space<vmem>>, vector<2x128xf32>
    tpu.vector_store %arg5[%swap3A_41, %swap3A_42], %add3A_40 {strides = array<i32>} : memref<2x128xf32, #tpu.memory_space<vmem>>, vector<2x128xf32>,
    return
  }
  func.func @transform_0(%arg0: i32) -> (i32, i32, i32, i32) {
    %jit3A = arith.constant 4 : i32
    %div3A = arith.divsi %arg0, %jit3A : i32
    %sign3A = arith.constant 0 : i32
    %sign3A_0 = arith.cmpi sgt, %arg0, %sign3A : i32
    %sign3A_1 = arith.extui %sign3A_0 : i1 to i32
    %sign3A_2 = arith.constant 0 : i32
    %sign3A_3 = arith.cmpi slt, %arg0, %sign3A_2 : i32
    %sign3A_4 = arith.extui %sign3A_3 : i1 to i32
    %sign3A_5 = arith.subi %sign3A_1, %sign3A_4 : i32
    %sign3A_6 = arith.constant 0 : i32
    %sign3A_7 = arith.cmpi sgt, %jit3A, %sign3A_6 : i32
    %sign3A_8 = arith.extui %sign3A_7 : i1 to i32
    %sign3A_9 = arith.constant 0 : i32
    %sign3A_10 = arith.cmpi slt, %jit3A, %sign3A_9 : i32
    %sign3A_11 = arith.extui %sign3A_10 : i1 to i32
    %sign3A_12 = arith.subi %sign3A_8, %sign3A_11 : i32
    %ne3A = arith.cmpi ne, %sign3A_5, %sign3A_12 : i32
    %rem3A = arith.remsi %arg0, %jit3A : i32
    %ne3A_13 = arith.constant 0 : i32
    %ne3A_14 = arith.cmpi ne, %rem3A, %ne3A_13 : i32
    %and3A = arith.andi %ne3A, %ne3A_14 : i1
    %sub3A = arith.constant 1 : i32
    %sub3A_15 = arith.subi %div3A, %sub3A : i32
    %select_n3A = arith.select %and3A, %sub3A_15, %div3A : i32
    %jit3A_16 = arith.constant 4 : i32
    %eq3A = arith.constant 0 : i32
    %eq3A_17 = arith.cmpi eq, %jit3A_16, %eq3A : i32
    %jit3A_18 = arith.constant 1 : i32
    %select_n3A_19 = arith.select %eq3A_17, %jit3A_18, %jit3A_16 : i32
    %rem3A_20 = arith.remsi %arg0, %select_n3A_19 : i32
    %ne3A_21 = arith.constant 0 : i32
    %ne3A_22 = arith.cmpi ne, %rem3A_20, %ne3A_21 : i32
    %lt3A = arith.constant 0 : i32
    %lt3A_23 = arith.cmpi slt, %rem3A_20, %lt3A : i32
    %lt3A_24 = arith.constant 0 : i32
    %lt3A_25 = arith.cmpi slt, %select_n3A_19, %lt3A_24 : i32
    %ne3A_26 = arith.xori %lt3A_23, %lt3A_25 : i1
    %and3A_27 = arith.andi %ne3A_26, %ne3A_22 : i1
    %add3A = arith.addi %rem3A_20, %select_n3A_19 : i32
    %select_n3A_28 = arith.select %and3A_27, %add3A, %rem3A_20 : i32
    %c0_i32 = arith.constant 0 : i32
    %c0_i32_29 = arith.constant 0 : i32
    %c0_i32_30 = arith.constant 0 : i32
    return %select_n3A, %c0_i32, %select_n3A_28, %c0_i32_29 : i32, i32, i32, i32
  }
  func.func @transform_1(%arg0: i32) -> (i32, i32) {
    %c0_i32 = arith.constant 0 : i32
    %c0_i32_0 = arith.constant 0 : i32
    return %arg0, %c0_i32 : i32, i32
  }
  func.func @transform_2(%arg0: i32) -> (i32, i32) {
    %c0_i32 = arith.constant 0 : i32
    %c0_i32_0 = arith.constant 0 : i32
    return %arg0, %c0_i32 : i32, i32
  }
  func.func @transform_3(%arg0: i32) -> (i32, i32) {
    %c0_i32 = arith.constant 0 : i32
    %c0_i32_0 = arith.constant 0 : i32
    return %arg0, %c0_i32 : i32, i32
  }
  func.func @transform_4(%arg0: i32) -> (i32, i32) {
    %c0_i32 = arith.constant 0 : i32
    %c0_i32_0 = arith.constant 0 : i32
    %c0_i32_1 = arith.constant 0 : i32
    return %c0_i32, %c0_i32_0 : i32, i32
  }
}

module attributes {stable_mosaic.version = 14 : i64} {
  func.func @body(%arg0: i32, %arg1: memref<1000x128xf32, #tpu.memory_space<vmem>>, %arg2: memref<2x128xf32, #tpu.memory_space<vmem>>, %arg3: memref<1x128xf32, #tpu.memory_space<vmem>>, %arg4: memref<1x128xf32, #tpu.memory_space<vmem>>, %arg5: memref<128x128xf32, #tpu.memory_space<vmem>>, %arg6: memref<1000x1xf32, #tpu.memory_space<vmem>>, %arg7: memref<1000x128xf32, #tpu.memory_space<vmem>>) attributes {dimension_semantics = [#tpu.dimension_semantics<arbitrary>], iteration_bounds = array<i64: 10>, scalar_prefetch = 0 : i64, scratch_operands = 0 : i64, tpu.core_type = #tpu.core_type<tc>, window_params = [{transform_indices = @transform_0, window_bounds = array<i64: 1000, 128>}, {pipeline_mode = #tpu.pipeline_mode<synchronous>, transform_indices = @transform_1, window_bounds = array<i64: 2, 128>}, {pipeline_mode = #tpu.pipeline_mode<synchronous>, transform_indices = @transform_2, window_bounds = array<i64: 1, 128>}, {pipeline_mode = #tpu.pipeline_mode<synchronous>, transform_indices = @transform_3, window_bounds = array<i64: 1, 128>}, {pipeline_mode = #tpu.pipeline_mode<synchronous>, transform_indices = @transform_4, window_bounds = array<i64: 128, 128>}, {transform_indices = @transform_5, window_bounds = array<i64: 1000, 1>}, {transform_indices = @transform_6, window_bounds = array<i64: 1000, 128>}]} {
    %get3A = arith.constant 0 : index
    %get3A_0 = arith.constant 0 : index
    %get3A_1 = vector.load %arg2[%get3A, %get3A_0] : memref<2x128xf32, #tpu.memory_space<vmem>>, vector<1x128xf32>
    %mul3A = arith.constant 9.99999974E-5 : f32
    %mul3A_2 = vector.broadcast %mul3A : f32 to vector<1x128xf32>
    %mul3A_3 = arith.mulf %get3A_1, %mul3A_2 : vector<1x128xf32>
    %get3A_4 = arith.constant 1 : index
    %get3A_5 = arith.constant 0 : index
    %get3A_6 = vector.load %arg2[%get3A_4, %get3A_5] : memref<2x128xf32, #tpu.memory_space<vmem>>, vector<1x128xf32>
    %mul3A_7 = arith.constant 9.99999974E-5 : f32
    %mul3A_8 = vector.broadcast %mul3A_7 : f32 to vector<1x128xf32>
    %mul3A_9 = arith.mulf %get3A_6, %mul3A_8 : vector<1x128xf32>
    %mul3A_10 = arith.mulf %mul3A_3, %mul3A_3 : vector<1x128xf32>
    %sub3A = arith.subf %mul3A_9, %mul3A_10 : vector<1x128xf32>
    %add3A = arith.constant 9.99999974E-6 : f32
    %add3A_11 = vector.broadcast %add3A : f32 to vector<1x128xf32>
    %add3A_12 = arith.addf %sub3A, %add3A_11 : vector<1x128xf32>
    %rsqrt3A = math.rsqrt %add3A_12 : vector<1x128xf32>
    %get3A_13 = arith.constant 0 : index
    %get3A_14 = arith.constant 0 : index
    %get3A_15 = vector.load %arg3[%get3A_13, %get3A_14] : memref<1x128xf32, #tpu.memory_space<vmem>>, vector<1x128xf32>
    %mul3A_16 = arith.mulf %rsqrt3A, %get3A_15 : vector<1x128xf32>
    %get3A_17 = arith.constant 0 : index
    %get3A_18 = arith.constant 0 : index
    %get3A_19 = vector.load %arg1[%get3A_17, %get3A_18] : memref<1000x128xf32, #tpu.memory_space<vmem>>, vector<1000x128xf32>
    %sub3A_20 = vector.broadcast %mul3A_3 : vector<1x128xf32> to vector<1000x128xf32>
    %sub3A_21 = arith.subf %get3A_19, %sub3A_20 : vector<1000x128xf32>
    %mul3A_22 = vector.broadcast %mul3A_16 : vector<1x128xf32> to vector<1000x128xf32>
    %mul3A_23 = arith.mulf %sub3A_21, %mul3A_22 : vector<1000x128xf32>
    %get3A_24 = arith.constant 0 : index
    %get3A_25 = arith.constant 0 : index
    %get3A_26 = vector.load %arg4[%get3A_24, %get3A_25] : memref<1x128xf32, #tpu.memory_space<vmem>>, vector<1x128xf32>
    %add3A_27 = vector.broadcast %get3A_26 : vector<1x128xf32> to vector<1000x128xf32>
    %add3A_28 = arith.addf %mul3A_23, %add3A_27 : vector<1000x128xf32>
    %max3A = arith.constant 0.000000e+00 : f32
    %max3A_29 = vector.broadcast %max3A : f32 to vector<1000x128xf32>
    %max3A_30 = arith.maximumf %add3A_28, %max3A_29 : vector<1000x128xf32>
    %get3A_31 = arith.constant 0 : index
    %get3A_32 = arith.constant 0 : index
    %get3A_33 = vector.load %arg5[%get3A_31, %get3A_32] : memref<128x128xf32, #tpu.memory_space<vmem>>, vector<128x128xf32>
    %dot_general3A = arith.constant dense<0.000000e+00> : vector<1000x128xf32>
    %dot_general3A_34 = tpu.matmul %max3A_30, %get3A_33, %dot_general3A {dimension_numbers = #tpu.dot_dimension_numbers<[1], [0], [0], [1], [0, 0, 1, 1], [], []>, transpose_lhs_hint = false} : vector<1000x128xf32>, vector<128x128xf32>, vector<1000x128xf32> -> vector<1000x128xf32>
    %get3A_35 = arith.constant 0 : index
    %get3A_36 = arith.constant 0 : index
    %get3A_37 = vector.load %arg6[%get3A_35, %get3A_36] : memref<1000x1xf32, #tpu.memory_space<vmem>>, vector<1000x1xf32>
    %mul3A_38 = vector.broadcast %get3A_37 : vector<1000x1xf32> to vector<1000x128xf32>
    %mul3A_39 = arith.mulf %dot_general3A_34, %mul3A_38 : vector<1000x128xf32>
    %swap3A = arith.constant 0 : index
    %swap3A_40 = arith.constant 0 : index
    %swap3A_41 = vector.load %arg7[%swap3A, %swap3A_40] : memref<1000x128xf32, #tpu.memory_space<vmem>>, vector<1000x128xf32>
    tpu.vector_store %arg7[%swap3A, %swap3A_40], %mul3A_39 {strides = array<i32>} : memref<1000x128xf32, #tpu.memory_space<vmem>>, vector<1000x128xf32>,
    return
  }
  func.func @transform_0(%arg0: i32) -> (i32, i32) {
    %c0_i32 = arith.constant 0 : i32
    %c0_i32_0 = arith.constant 0 : i32
    return %arg0, %c0_i32 : i32, i32
  }
  func.func @transform_1(%arg0: i32) -> (i32, i32) {
    %c0_i32 = arith.constant 0 : i32
    %c0_i32_0 = arith.constant 0 : i32
    %c0_i32_1 = arith.constant 0 : i32
    return %c0_i32, %c0_i32_0 : i32, i32
  }
  func.func @transform_2(%arg0: i32) -> (i32, i32) {
    %c0_i32 = arith.constant 0 : i32
    %c0_i32_0 = arith.constant 0 : i32
    %c0_i32_1 = arith.constant 0 : i32
    return %c0_i32, %c0_i32_0 : i32, i32
  }
  func.func @transform_3(%arg0: i32) -> (i32, i32) {
    %c0_i32 = arith.constant 0 : i32
    %c0_i32_0 = arith.constant 0 : i32
    %c0_i32_1 = arith.constant 0 : i32
    return %c0_i32, %c0_i32_0 : i32, i32
  }
  func.func @transform_4(%arg0: i32) -> (i32, i32) {
    %c0_i32 = arith.constant 0 : i32
    %c0_i32_0 = arith.constant 0 : i32
    %c0_i32_1 = arith.constant 0 : i32
    return %c0_i32, %c0_i32_0 : i32, i32
  }
  func.func @transform_5(%arg0: i32) -> (i32, i32) {
    %c0_i32 = arith.constant 0 : i32
    %c0_i32_0 = arith.constant 0 : i32
    return %arg0, %c0_i32 : i32, i32
  }
  func.func @transform_6(%arg0: i32) -> (i32, i32) {
    %c0_i32 = arith.constant 0 : i32
    %c0_i32_0 = arith.constant 0 : i32
    return %arg0, %c0_i32 : i32, i32
  }
}

module attributes {stable_mosaic.version = 14 : i64} {
  func.func @body(%arg0: i32, %arg1: memref<1000x128xf32, #tpu.memory_space<vmem>>, %arg2: memref<2x128xf32, #tpu.memory_space<vmem>>, %arg3: memref<1x128xf32, #tpu.memory_space<vmem>>, %arg4: memref<1x128xf32, #tpu.memory_space<vmem>>, %arg5: memref<1000x128xf32, #tpu.memory_space<vmem>>) attributes {dimension_semantics = [#tpu.dimension_semantics<arbitrary>], iteration_bounds = array<i64: 10>, scalar_prefetch = 0 : i64, scratch_operands = 0 : i64, tpu.core_type = #tpu.core_type<tc>, window_params = [{transform_indices = @transform_0, window_bounds = array<i64: 1000, 128>}, {pipeline_mode = #tpu.pipeline_mode<synchronous>, transform_indices = @transform_1, window_bounds = array<i64: 2, 128>}, {pipeline_mode = #tpu.pipeline_mode<synchronous>, transform_indices = @transform_2, window_bounds = array<i64: 1, 128>}, {pipeline_mode = #tpu.pipeline_mode<synchronous>, transform_indices = @transform_3, window_bounds = array<i64: 1, 128>}, {transform_indices = @transform_4, window_bounds = array<i64: 1000, 128>}]} {
    %get3A = arith.constant 0 : index
    %get3A_0 = arith.constant 0 : index
    %get3A_1 = vector.load %arg2[%get3A, %get3A_0] : memref<2x128xf32, #tpu.memory_space<vmem>>, vector<1x128xf32>
    %mul3A = arith.constant 9.99999974E-5 : f32
    %mul3A_2 = vector.broadcast %mul3A : f32 to vector<1x128xf32>
    %mul3A_3 = arith.mulf %get3A_1, %mul3A_2 : vector<1x128xf32>
    %get3A_4 = arith.constant 1 : index
    %get3A_5 = arith.constant 0 : index
    %get3A_6 = vector.load %arg2[%get3A_4, %get3A_5] : memref<2x128xf32, #tpu.memory_space<vmem>>, vector<1x128xf32>
    %mul3A_7 = arith.constant 9.99999974E-5 : f32
    %mul3A_8 = vector.broadcast %mul3A_7 : f32 to vector<1x128xf32>
    %mul3A_9 = arith.mulf %get3A_6, %mul3A_8 : vector<1x128xf32>
    %mul3A_10 = arith.mulf %mul3A_3, %mul3A_3 : vector<1x128xf32>
    %sub3A = arith.subf %mul3A_9, %mul3A_10 : vector<1x128xf32>
    %add3A = arith.constant 9.99999974E-6 : f32
    %add3A_11 = vector.broadcast %add3A : f32 to vector<1x128xf32>
    %add3A_12 = arith.addf %sub3A, %add3A_11 : vector<1x128xf32>
    %rsqrt3A = math.rsqrt %add3A_12 : vector<1x128xf32>
    %get3A_13 = arith.constant 0 : index
    %get3A_14 = arith.constant 0 : index
    %get3A_15 = vector.load %arg3[%get3A_13, %get3A_14] : memref<1x128xf32, #tpu.memory_space<vmem>>, vector<1x128xf32>
    %mul3A_16 = arith.mulf %rsqrt3A, %get3A_15 : vector<1x128xf32>
    %get3A_17 = arith.constant 0 : index
    %get3A_18 = arith.constant 0 : index
    %get3A_19 = vector.load %arg1[%get3A_17, %get3A_18] : memref<1000x128xf32, #tpu.memory_space<vmem>>, vector<1000x128xf32>
    %sub3A_20 = vector.broadcast %mul3A_3 : vector<1x128xf32> to vector<1000x128xf32>
    %sub3A_21 = arith.subf %get3A_19, %sub3A_20 : vector<1000x128xf32>
    %mul3A_22 = vector.broadcast %mul3A_16 : vector<1x128xf32> to vector<1000x128xf32>
    %mul3A_23 = arith.mulf %sub3A_21, %mul3A_22 : vector<1000x128xf32>
    %get3A_24 = arith.constant 0 : index
    %get3A_25 = arith.constant 0 : index
    %get3A_26 = vector.load %arg4[%get3A_24, %get3A_25] : memref<1x128xf32, #tpu.memory_space<vmem>>, vector<1x128xf32>
    %add3A_27 = vector.broadcast %get3A_26 : vector<1x128xf32> to vector<1000x128xf32>
    %add3A_28 = arith.addf %mul3A_23, %add3A_27 : vector<1000x128xf32>
    %max3A = arith.constant 0.000000e+00 : f32
    %max3A_29 = vector.broadcast %max3A : f32 to vector<1000x128xf32>
    %max3A_30 = arith.maximumf %add3A_28, %max3A_29 : vector<1000x128xf32>
    %swap3A = arith.constant 0 : index
    %swap3A_31 = arith.constant 0 : index
    %swap3A_32 = vector.load %arg5[%swap3A, %swap3A_31] : memref<1000x128xf32, #tpu.memory_space<vmem>>, vector<1000x128xf32>
    tpu.vector_store %arg5[%swap3A, %swap3A_31], %max3A_30 {strides = array<i32>} : memref<1000x128xf32, #tpu.memory_space<vmem>>, vector<1000x128xf32>,
    return
  }
  func.func @transform_0(%arg0: i32) -> (i32, i32) {
    %c0_i32 = arith.constant 0 : i32
    %c0_i32_0 = arith.constant 0 : i32
    return %arg0, %c0_i32 : i32, i32
  }
  func.func @transform_1(%arg0: i32) -> (i32, i32) {
    %c0_i32 = arith.constant 0 : i32
    %c0_i32_0 = arith.constant 0 : i32
    %c0_i32_1 = arith.constant 0 : i32
    return %c0_i32, %c0_i32_0 : i32, i32
  }
  func.func @transform_2(%arg0: i32) -> (i32, i32) {
    %c0_i32 = arith.constant 0 : i32
    %c0_i32_0 = arith.constant 0 : i32
    %c0_i32_1 = arith.constant 0 : i32
    return %c0_i32, %c0_i32_0 : i32, i32
  }
  func.func @transform_3(%arg0: i32) -> (i32, i32) {
    %c0_i32 = arith.constant 0 : i32
    %c0_i32_0 = arith.constant 0 : i32
    %c0_i32_1 = arith.constant 0 : i32
    return %c0_i32, %c0_i32_0 : i32, i32
  }
  func.func @transform_4(%arg0: i32) -> (i32, i32) {
    %c0_i32 = arith.constant 0 : i32
    %c0_i32_0 = arith.constant 0 : i32
    return %arg0, %c0_i32 : i32, i32
  }
}

</mosaic_0001>

<sc_bundles>
// kernel: kernel.10.cloned.1.call-start
scs
__scs_entry_jumppad:
0x0: {  	(pc) =	sbr.rel $0x88, $3  }
0x1: {  	(tag) =	ssettag $0x0;
	lr =	simm.s32 $0x1  }
0x2: {  	[smem:$0x3F99] =	sst lr;
	_ =	strace $0xD0000000  }
0x3: {  	_ = 	snop  }
0x4: {  	_ = 	snop  }
0x5: {  	_ = 	snop  }
0x6: {  	_ = 	snop  }
0x7: {  	_ = 	snop  }
__scs_overlays_trampoline_lowered:
0x8: {  	[smem:$0x3FA8] =	sst s0  }
0x9: {  	[smem:$0x3FA9] =	sst s1  }
0xa: {  	[smem:$0x3FAA] =	sst s2  }
0xb: {  	[smem:$0x3FAB] =	sst s3  }
0xc: {  	[smem:$0x3FAC] =	sst s4  }
0xd: {  	[smem:$0x3FAD] =	sst s5  }
0xe: {  	[smem:$0x3FAE] =	sst s6  }
0xf: {  	[smem:$0x3FAF] =	sst s7  }
0x10: {  	[smem:$0x3FB0] =	sst s8  }
0x11: {  	[smem:$0x3FB1] =	sst s9;
	s0 =	simm.s32 @!p0 $0x0  }
0x12: {  	s1 =	sld [smem:$0x3F97];
	s0 =	simm.s32 @p0 $0x1  }
0x13: {  	[smem:$0x3FB2] =	sst s0;
	s0 =	simm.s32 @!p1 $0x0  }
0x14: {  	s2 =	sld [smem:$0x3F96];
	s0 =	simm.s32 @p1 $0x1  }
0x15: {  	[smem:$0x3FB3] =	sst s0;
	s0 =	simm.s32 @!p2 $0x0  }
0x16: {  	s3 =	sld [smem:$0x3FDB];
	s0 =	simm.s32 @p2 $0x1  }
0x17: {  	s4 =	simm.s32 $0x1BF5;
	[smem:$0x3FB5] =	sst s0  }
0x18: {  	s0 =	sld [smem:$0x3F98];
	_ =	swait.ge [sflag:s4], $0x0  }
0x19: {  	s7 =	sld [smem:$0x3F99]  }
0x1a: {  	s8 =	sadd.s32 $0xFFFFE003, lr  }
0x1b: {  	s9 =	sadd.s32 $0xFFFFFEF7, lr;
	s5 =	simm.s32 $0xFFFFFFFF;
	p2 =	slt.u32 s8, $0xFFFFF086  }
0x1c: {  	p1 =	slt.u32 s9, $0xF7A;
	s5 =	simm.s32 @!p2 $0x0  }
0x1d: {  	s5 =	simm.s32 @p1 $0x1;
	p0 =	seq.s32 s7, s2  }
0x1e: {  	s7 =	smul.u32 @!p0 $0xF7A, s2;
	p2 =	seq.s32 @!p0 s5, $0x0  }
0x1f: {  	s9 =	smul.u32 $0xF7A, s1;
	s8 =	simm.s32 @!p0 $0x1BF5;
	p2 =	por !p2, p0  }
0x20: {  	[sflag:s8] =	ssyncset.s32 @!p0 $0xFFFFF086;
	s6 =	sadd.s32 @!p0 s3, s7;
	s7 =	simm.s32 @!p0 $0x108  }
0x21: {  	s3 =	sadd.s32 s3, s9;
	s6 =	sadd.s32 @!p0 $0x88, s6;
	s7 =	simm.s32 @p2 $0x1082  }
0x22: {  	[simem:s7], [sflag:s8] =	dma.local @!p0 [hbm:s6], $0xF7A  }
0x23: {  	s9 =	sor.u32 $0xD0000000, s2;
	s6 =	simm.s32 $0x108;
	_ =	swait.ge @!p0 [sflag:s8], $0x0  }
0x24: {  	s3 =	sadd.s32 $0x88, s3;
	s6 =	simm.s32 @!p1 $0x1082;
	[sflag:s4] =	ssyncset.s32 $0xFFFFF086  }
0x25: {  	[simem:s6], [sflag:s4] =	dma.local [hbm:s3], $0xF7A  }
0x26: {  	[smem:$0x3F99] =	sst s1;
	(tag) =	ssettag s2;
	_ =	strace s9  }
0x27: {  	s1 =	sld [smem:$0x3FA9]  }
0x28: {  	s2 =	sld [smem:$0x3FAA]  }
0x29: {  	s4 =	sld [smem:$0x3FAC]  }
0x2a: {  	p0 =	seq.s32 s5, $0x0;
	s5 =	sld [smem:$0x3FAD]  }
0x2b: {  	s6 =	sld [smem:$0x3FAE]  }
0x2c: {  	s7 =	sld [smem:$0x3FAF]  }
0x2d: {  	s3 =	simm.s32 $0x108;
	s8 =	sld [smem:$0x3FB0]  }
0x2e: {  	s3 =	simm.s32 @!p0 $0x1082;
	s9 =	sld [smem:$0x3FB1]  }
0x2f: {  	lr =	sadd.s32 s0, s3;
	s0 =	sld [smem:$0x3FA8]  }
0x30: {  	s3 =	sld [smem:$0x3FAB]  }
0x31: {  	[smem:$0x3FB4] =	sst s10  }
0x32: {  	s10 =	sld [smem:$0x3FB2];
	_ =	sdelay $0x3  }
0x33: {  	p0 =	seq.s32 s10, $0x1;
	s10 =	sld [smem:$0x3FB4];
	_ =	sdelay $0x3  }
0x34: {  	[smem:$0x3FB4] =	sst s10  }
0x35: {  	s10 =	sld [smem:$0x3FB3];
	_ =	sdelay $0x3  }
0x36: {  	p1 =	seq.s32 s10, $0x1;
	s10 =	sld [smem:$0x3FB4];
	_ =	sdelay $0x3  }
0x37: {  	[smem:$0x3FB4] =	sst s10  }
0x38: {  	s10 =	sld [smem:$0x3FB5]  }
0x39: {  	_ = 	snop;
	(pc) =	sbr.ind lr, $3  }
0x3a: {  	_ = 	snop  }
0x3b: {  	_ = 	snop  }
0x3c: {  	p2 =	seq.s32 s10, $0x1;
	s10 =	sld [smem:$0x3FB4]  }
0x3d: {  	_ =	shalt  }
0x3e: {  	_ =	shalt  }
0x3f: {  	_ =	shalt  }
0x40: {  	_ =	shalt  }
0x41: {  	_ =	shalt  }
0x42: {  	_ =	shalt  }
0x43: {  	_ =	shalt  }
0x44: {  	_ =	shalt  }
0x45: {  	_ =	shalt  }
0x46: {  	_ =	shalt  }
0x47: {  	_ =	shalt  }
0x48: {  	_ =	shalt  }
0x49: {  	_ =	shalt  }
0x4a: {  	_ =	shalt  }
0x4b: {  	_ =	shalt  }
0x4c: {  	_ =	shalt  }
0x4d: {  	_ =	shalt  }
0x4e: {  	_ =	shalt  }
0x4f: {  	_ =	shalt  }
0x50: {  	_ =	shalt  }
0x51: {  	_ =	shalt  }
0x52: {  	_ =	shalt  }
0x53: {  	_ =	shalt  }
0x54: {  	_ =	shalt  }
0x55: {  	_ =	shalt  }
0x56: {  	_ =	shalt  }
0x57: {  	_ =	shalt  }
0x58: {  	_ =	shalt  }
0x59: {  	_ =	shalt  }
0x5a: {  	_ =	shalt  }
0x5b: {  	_ =	shalt  }
0x5c: {  	_ =	shalt  }
0x5d: {  	_ =	shalt  }
0x5e: {  	_ =	shalt  }
0x5f: {  	_ =	shalt  }
0x60: {  	_ =	shalt  }
0x61: {  	_ =	shalt  }
0x62: {  	_ =	shalt  }
0x63: {  	_ =	shalt  }
0x64: {  	_ =	shalt  }
0x65: {  	_ =	shalt  }
0x66: {  	_ =	shalt  }
0x67: {  	_ =	shalt  }
0x68: {  	_ =	shalt  }
0x69: {  	_ =	shalt  }
0x6a: {  	_ =	shalt  }
0x6b: {  	_ =	shalt  }
0x6c: {  	_ =	shalt  }
0x6d: {  	_ =	shalt  }
0x6e: {  	_ =	shalt  }
0x6f: {  	_ =	shalt  }
0x70: {  	_ =	shalt  }
0x71: {  	_ =	shalt  }
0x72: {  	_ =	shalt  }
0x73: {  	_ =	shalt  }
0x74: {  	_ =	shalt  }
0x75: {  	_ =	shalt  }
0x76: {  	_ =	shalt  }
0x77: {  	_ =	shalt  }
0x78: {  	_ =	shalt  }
0x79: {  	_ =	shalt  }
0x7a: {  	_ =	shalt  }
0x7b: {  	_ =	shalt  }
0x7c: {  	_ =	shalt  }
0x7d: {  	_ =	shalt  }
0x7e: {  	_ =	shalt  }
0x7f: {  	_ =	shalt  }
0x80: {  	_ =	shalt  }
0x81: {  	_ =	shalt  }
0x82: {  	_ =	shalt  }
0x83: {  	_ =	shalt  }
0x84: {  	_ =	shalt  }
0x85: {  	_ =	shalt  }
0x86: {  	_ =	shalt  }
0x87: {  	_ =	shalt  }
.Lfunc_end0:
.L_simem_size_0:
called_computation_lowered:
.L_overlay_start_0:
0x88: {  	s2 =	sld [smem:$0x3FD9]  }
0x89: {  	s3 =	sld [smem:$0x3FFE];
	_ =	sdelay $0x1  }
0x8a: {  	s1 =	srdreg.scid  }
0x8b: {  	s0 =	sand.u32 $0x1, s1  }
0x8c: {  	s17 =	sshll.u32 s0, $0xA;
	s2 =	sadd.s32 s3, s2  }
0x8d: {  	s2 =	sadd.s32 s2, s17  }
0x8e: {  	[smem:$0x3FC0] =	sst s2  }
0x8f: {  	_ = 	snop  }
0x90: {  	s2 =	sld [smem:$0x3FD0];
	(tm) =	ssettm $0x1  }
0x91: {  	s18 =	sld [smem:$0x3FFB];
	_ =	sdelay $0x3  }
0x92: {  	_ =	strace s18  }
0x93: {  	s3 =	sld [smem:$0x3FFC];
	_ =	sdelay $0x3  }
0x94: {  	_ =	strace s3  }
0x95: {  	s3 =	sld [smem:$0x3FFD];
	_ =	sdelay $0x3  }
0x96: {  	_ =	strace s3  }
0x97: {  	_ =	strace $0x8FFFFFFF  }
0x98: {  	s19 =	sld [smem:$0x3FDB];
	_ =	sdelay $0x1  }
0x99: {  	s4 =	simm.s32 $_scs_section_size  }
0x9a: {  	s5 =	simm.s32 $_size__tile_overlayer_lowered;
	s6 =	simm.s32 $_tile_overlayer_lowered  }
0x9b: {  	s22 =	simm.s32 $0x1BFF;
	s21 =	sshll.u32 s6, $0x1;
	s3 =	sadd.s32 s4, s19  }
0x9c: {  	s7 =	simm.s32 $0x0;
	s20 =	sshll.u32 s5, $0x1;
	s5 =	sadd.s32 s21, s3  }
0x9d: {  	[timem:s7], [sflag:s22] =	dma.local [hbm:s5], s20  }
0x9e: {  	_ =	swait.ge [sflag:s22], s20  }
0x9f: {  	s4 =	ssub.s32 $0x0, s20;
	[sflag:s22] =	ssyncset.done $0x0  }
0xa0: {  	[sflag:s22] =	ssyncadd.s32 s4;
	_ =	sdelay $0x1  }
0xa1: {  	s23 =	simm.s32 $0x1B8B  }
0xa2: {  	_ =	swait.ge [sflag:s23], $0x1  }
0xa3: {  	[sflag:s23] =	ssyncset.done $0x0  }
0xa4: {  	s25 =	simm.s32 $0x1B8E;
	s24 =	sld [smem:$0x3FFE];
	[sflag:s23] =	ssyncadd.s32 $0xFFFFFFFF  }
0xa5: {  	s26 =	simm.s32 $execute0_lowered;
	[smem:$0x3FD2] =	sst s25  }
0xa6: {  	s5 =	sshll.u32 s26, $0x1;
	_ =	strace $0x80000046;
	[dreg:$0x1] =	wrdreg $0xFFFFFFFF  }
0xa7: {  	s28 =	simm.s32 $_size_execute0_lowered;
	s3 =	sadd.s32 s3, s5;
	[dreg:$0x0] =	wrdreg $0x0  }
0xa8: {  	s5 =	sshll.u32 s28, $0x1;
	[dreg:$0x2] =	wrdreg s3  }
0xa9: {  	[dreg:$0x3] =	wrdreg s5  }
0xaa: {  	[dreg:$0x4] =	wrdreg $0xC0  }
0xab: {  	_ =	task [dreg:s7], $0x5FFFF  }
0xac: {  	[dreg:$0x1] =	wrdreg $0xFFFFFFFF  }
0xad: {  	[dreg:$0x0] =	wrdreg $0x60  }
0xae: {  	[dreg:$0x2] =	wrdreg s2  }
0xaf: {  	[dreg:$0x3] =	wrdreg s24  }
0xb0: {  	[dreg:$0x4] =	wrdreg $0x9  }
0xb1: {  	_ =	task.clear_ibuf [dreg:s7], $0x5FFFF;
	_ =	strace $0x90000046  }
0xb2: {  	s29 =	simm.s32 $0x9;
	_ =	strace $0x80000048  }
0xb3: {  	_ =	swait.ge [sflag:s29], $0x1  }
0xb4: {  	[sflag:s29] =	ssyncadd.s32 $0xFFFFFFFF  }
0xb5: {  	_ =	strace $0x90000048  }
0xb6: {  	_ =	sfence  }
0xb7: {  	s30 =	sld [smem:$0x0];
	_ =	sdelay $0x2  }
0xb8: {  	s31 =	sshll.u32 s1, $0xD;
	s1 =	sshrl.u32 s1, $0x2  }
0xb9: {  	s3 =	sand.u32 $0x4000, s31;
	s1 =	sadd.s32 s1, s30  }
0xba: {  	s0 =	sor.u32 s3, s0;
	s1 =	sshll.u32 s1, $0x11  }
0xbb: {  	s0 =	sor.u32 s1, s0  }
0xbc: {  	s0 =	sadd.s32 $0x8F2B, s0  }
0xbd: {  	[sflag:s0] =	ssyncadd.remote.s32 $0x1  }
0xbe: {  	_ =	sfence.sel $0xFFFF  }
0xbf: {  	[dreg:$0x0] =	wrdreg $0xFFFFFFFF;
	(pc) =	sbr.abs _section_cstart, $3  }
0xc0: {  	[dreg:$0x1] =	wrdreg $0xFFFFFFFF  }
0xc1: {  	_ =	task.clear_ibuf [dreg:s7], $0x2FFFF;
	_ =	strace $0x9FFFFFFF  }
0xc2: {  	(tm) =	ssettm $0x7FFFFFFF  }
0xc3: {  	_ =	shalt  }
tec
execute0_lowered:
.L_overlay_start_1:
0x0: {  	(tag) =	ssettag $0x1  }
0x1: {  	s0 =	srdreg.scid  }
0x2: {  	s1 =	rddreg [dreg:$0x0];
	s5 =	stileid.u32  }
0x3: {  	s3 =	rddreg [dreg:$0x1];
	s6 =	simm.s32 $0x0;
	s19 =	simm.s32 $0x80  }
0x4: {  	s20 =	simm.s32 $0x400;
	s21 =	simm.s32 $0x1;
	s28 =	simm.s32 $0x2800  }
0x5: {  	s29 =	simm.s32 $0x2C00;
	s30 =	simm.s32 $0x3000;
	s0 =	sand.u32 $0x1, s0  }
0x6: {  	s31 =	simm.s32 $0x3400;
	[smem:$0x7FF] =	sst s6;
	s2 =	sshll.u32 s0, $0x4  }
0x7: {  	s14 =	sadd.s32 $0x2400, s3;
	s18 =	sadd.s32 $0x2410, s3;
	s2 =	sor.u32 s5, s2  }
0x8: {  	s0 =	ssub.s32 $0x2, s0;
	s4 =	sshrl.u32 s2, $0x3;
	s2 =	smul.u32 $0x2800, s2  }
0x9: {  	s5 =	sshll.u32 s5, $0x7;
	s24 =	sshrl.u32 s0, $0x1;
	s4 =	smul.u32 $0x14000, s4  }
0xa: {  	_ =	strace $0x80000047;
	s5 =	sand.u32 $0x380, s5;
	s0 =	ssub.s32 s0, s24  }
0xb: {  	s2 =	sshrl.u32 s2, $0x3;
	s4 =	sor.u32 s5, s4;
	s5 =	smax.u32 s0, $0x1  }
0xc: {  	s25 =	sadd.s32 $0x100, s2;
	s10 =	sadd.s32 s14, s2;
	s26 =	sadd.s32 $0x200, s2  }
0xd: {  	s17 =	sadd.s32 $0x300, s2;
	s0 =	simm.s32 $0x0;
	s4 =	sshrl.u32 s4, $0x3  }
0xe: {  	s11 =	sadd.s32 s14, s25;
	s12 =	sadd.s32 s14, s26;
	s13 =	sadd.s32 s14, s17  }
0xf: {  	s15 =	sadd.s32 s25, s18;
	s16 =	sadd.s32 s26, s18;
	s17 =	sadd.s32 s17, s18  }
0x10: {  	v0 =	vlaneseq.u32;
	s25 =	simm.s32 $0x2000;
	s26 =	simm.s32 $0x100;
	s3 =	sadd.s32 s1, s4  }
0x11: {  	v0 =	vmul.u32 $0x1400, v0;
	s4 =	sadd.s32 s2, s18;
	s2 =	sadd.s32 $0x400, s2;
	s1 =	simm.s32 $0x3800  }
0x12: {  	s6 =	sadd.s32 $0x800, s3;
	s7 =	sadd.s32 $0x1000, s3;
	s8 =	sadd.s32 $0x1800, s3  }
0x13: {  	v1 =	vimm.f32 $0.0e+00;
	v2 =	vimm.f32 $1.000000000e+00;
	v3 =	vadd.s32 $0xFFFFEC00, v0;
	s9 =	sadd.s32 $0x2000, s3;
	s14 =	sadd.s32 s14, s2;
	s18 =	sadd.s32 s2, s18  }
.LBB2_1:
0x14: {  	s2 =	simm.s32 $0x0  }
0x15: {  	[tilespmem:s2], [sflag:$0x1] =	stream.strided.gather [hbm4b:s3+s19], $0x800, s20, s19, $0x38;
	[tilespmem:$0x16800] =	vst v63  }
0x16: {  	_ =	swait.ge [sflag:s21], $0x800  }
0x17: {  	[sflag:s21] =	ssyncset.done $0x0  }
0x18: {  	s22 =	simm.s32 $0x800;
	[sflag:s21] =	ssyncadd.s32 $0xFFFFF800  }
0x19: {  	[tilespmem:s22], [sflag:$0x1] =	stream.strided.gather [hbm4b:s6+s19], $0x800, s20, s19, $0x38;
	[tilespmem:$0x16800] =	vst v63  }
0x1a: {  	_ =	swait.ge [sflag:s21], $0x800  }
0x1b: {  	[sflag:s21] =	ssyncset.done $0x0  }
0x1c: {  	s23 =	simm.s32 $0x1000;
	[sflag:s21] =	ssyncadd.s32 $0xFFFFF800  }
0x1d: {  	[tilespmem:s23], [sflag:$0x1] =	stream.strided.gather [hbm4b:s7+s19], $0x800, s20, s19, $0x38;
	[tilespmem:$0x16800] =	vst v63  }
0x1e: {  	_ =	swait.ge [sflag:s21], $0x800  }
0x1f: {  	[sflag:s21] =	ssyncset.done $0x0  }
0x20: {  	s24 =	simm.s32 $0x1800;
	[sflag:s21] =	ssyncadd.s32 $0xFFFFF800  }
0x21: {  	[tilespmem:s24], [sflag:$0x1] =	stream.strided.gather [hbm4b:s8+s19], $0x800, s20, s19, $0x38;
	[tilespmem:$0x16800] =	vst v63  }
0x22: {  	_ =	swait.ge [sflag:s21], $0x800  }
0x23: {  	[sflag:s21] =	ssyncset.done $0x0  }
0x24: {  	[sflag:s21] =	ssyncadd.s32 $0xFFFFF800  }
0x25: {  	[tilespmem:s25], [sflag:$0x1] =	stream.strided.gather [hbm4b:s9+s19], $0x800, s20, s19, $0x38;
	[tilespmem:$0x16800] =	vst v63  }
0x26: {  	_ =	swait.ge [sflag:s21], $0x800  }
0x27: {  	[sflag:s21] =	ssyncset.done $0x0  }
0x28: {  	s2 =	simm.s32 $0x40;
	s22 =	simm.s32 $0x0;
	[sflag:s21] =	ssyncadd.s32 $0xFFFFF800  }
.LBB2_2:
0x29: {  	p0 =	sne.s32 s2, $0x4FFC0;
	[tilespmem:s22+$0x2800] =	vst v1;
	s22 =	smov.u32 s2;
	s2 =	sadd.s32 $0x40, s2  }
.Ltmp0:
0x2a: {  	(pc) =	sbr.rel @p0 .LBB2_2-.Ltmp0, $2  }
0x2b: {  	_ =	sdelay $0x2  }
0x2c: {  	s22 =	sshra.s32 s22, $0x2  }
0x2d: {  	[tilespmem:s22+$0x2800] =	vst v1;
	s22 =	simm.s32 $0x0;
	s24 =	simm.s32 $0x0;
	s23 =	simm.s32 $0x40  }
.LBB2_4:
0x2e: {  	p0 =	seq.s32 s23, $0x9FC0;
	v4 =	vld [tilespmem:s24+$0x0];
	_ =	sdelay $0x4  }
0x2f: {  	vm0 =	vlt.u32 v4, $0x1400;
	v4 =	vadd.s32 v0, v4  }
0x30: {  	v4 =	vsel vm0, v4, v0  }
.Ltmp1:
0x31: {  	(pc) =	sbr.rel @!p0 .LBB2_4-.Ltmp1, $3  }
0x32: {  	_ =	sdelay $0x1  }
0x33: {  	s2 =	simm.s32 $0x2800  }
0x34: {  	s24 =	sshra.s32 s23, $0x2;
	s23 =	sadd.s32 $0x40, s23;
	[tilespmem:v4+s2+$0x0] =	vst.idx.add.f32.msk vm0, v2  }
0x35: {  	v4 =	vld [tilespmem:s24+$0x0];
	_ =	sdelay $0x4  }
0x36: {  	vm0 =	vlt.u32 v4, $0x1400;
	v4 =	vadd.s32 v0, v4  }
0x37: {  	v4 =	vsel vm0, v4, v0;
	_ =	sdelay $0x4  }
0x38: {  	s22 =	sand.u32 $0x1FF0, s22;
	[tilespmem:v4+s2+$0x0] =	vst.idx.add.f32.msk vm0, v2  }
0x39: {  	s23 =	simm.s32 $0x10;
	v4 =	vld [tilespmem:s22+$0x3C00]  }
.LBB2_6:
0x3a: {  	p0 =	seq.s32 s23, $0x13F0;
	v5 =	vld [tilespmem:s2+$0x0];
	_ =	sdelay $0x1  }
0x3b: {  	v6 =	vld [tilespmem:s22+$0x5000];
	_ =	sdelay $0x1  }
0x3c: {  	v7 =	vld [tilespmem:s22+$0x6400]  }
0x3d: {  	v4 =	vadd.f32 v4, v5  }
0x3e: {  	v5 =	vld [tilespmem:s22+$0x7800]  }
0x3f: {  	v4 =	vadd.f32 v6, v4  }
0x40: {  	v6 =	vld [tilespmem:s22+$0x8C00]  }
0x41: {  	v4 =	vadd.f32 v7, v4  }
0x42: {  	v7 =	vld [tilespmem:s22+$0xA000]  }
0x43: {  	v4 =	vadd.f32 v5, v4  }
0x44: {  	v5 =	vld [tilespmem:s22+$0xB400]  }
0x45: {  	v4 =	vadd.f32 v6, v4  }
0x46: {  	v6 =	vld [tilespmem:s22+$0xC800]  }
0x47: {  	v4 =	vadd.f32 v7, v4  }
0x48: {  	v7 =	vld [tilespmem:s22+$0xDC00]  }
0x49: {  	v4 =	vadd.f32 v5, v4  }
0x4a: {  	v5 =	vld [tilespmem:s22+$0xF000]  }
0x4b: {  	v4 =	vadd.f32 v6, v4  }
0x4c: {  	v6 =	vld [tilespmem:s22+$0x10400]  }
0x4d: {  	v4 =	vadd.f32 v7, v4  }
0x4e: {  	v7 =	vld [tilespmem:s22+$0x11800]  }
0x4f: {  	v4 =	vadd.f32 v5, v4  }
0x50: {  	v5 =	vld [tilespmem:s22+$0x12C00]  }
0x51: {  	v4 =	vadd.f32 v6, v4  }
0x52: {  	v6 =	vld [tilespmem:s22+$0x14000]  }
0x53: {  	v4 =	vadd.f32 v7, v4  }
0x54: {  	v7 =	vld [tilespmem:s22+$0x15400]  }
0x55: {  	v4 =	vadd.f32 v5, v4;
	_ =	sdelay $0x1  }
0x56: {  	v4 =	vadd.f32 v6, v4  }
.Ltmp2:
0x57: {  	(pc) =	sbr.rel @!p0 .LBB2_6-.Ltmp2, $3  }
0x58: {  	v4 =	vadd.f32 v7, v4;
	_ =	sdelay $0x1  }
0x59: {  	s22 =	sand.u32 $0x1FF0, s23;
	[tilespmem:s2+$0x0] =	vst v4  }
0x5a: {  	s23 =	sadd.s32 $0x10, s23;
	s2 =	sadd.s32 $0x10, s2;
	v4 =	vld [tilespmem:s22+$0x3C00]  }
0x5b: {  	v5 =	vld [tilespmem:s2+$0x0];
	_ =	sdelay $0x1  }
0x5c: {  	v6 =	vld [tilespmem:s22+$0x5000];
	_ =	sdelay $0x1  }
0x5d: {  	v7 =	vld [tilespmem:s22+$0x6400]  }
0x5e: {  	v4 =	vadd.f32 v4, v5  }
0x5f: {  	v5 =	vld [tilespmem:s22+$0x7800]  }
0x60: {  	v4 =	vadd.f32 v6, v4  }
0x61: {  	v56 =	vld [tilespmem:s22+$0x8C00]  }
0x62: {  	v4 =	vadd.f32 v7, v4  }
0x63: {  	v57 =	vld [tilespmem:s22+$0xA000]  }
0x64: {  	v4 =	vadd.f32 v5, v4  }
0x65: {  	v5 =	vld [tilespmem:s22+$0xB400]  }
0x66: {  	v4 =	vadd.f32 v56, v4  }
0x67: {  	v58 =	vld [tilespmem:s22+$0xC800]  }
0x68: {  	v4 =	vadd.f32 v57, v4  }
0x69: {  	v59 =	vld [tilespmem:s22+$0xDC00]  }
0x6a: {  	v4 =	vadd.f32 v5, v4  }
0x6b: {  	v5 =	vld [tilespmem:s22+$0xF000]  }
0x6c: {  	v4 =	vadd.f32 v58, v4  }
0x6d: {  	v60 =	vld [tilespmem:s22+$0x10400]  }
0x6e: {  	v4 =	vadd.f32 v59, v4  }
0x6f: {  	v61 =	vld [tilespmem:s22+$0x11800]  }
0x70: {  	v4 =	vadd.f32 v5, v4  }
0x71: {  	v5 =	vld [tilespmem:s22+$0x12C00]  }
0x72: {  	v4 =	vadd.f32 v60, v4  }
0x73: {  	v62 =	vld [tilespmem:s22+$0x14000]  }
0x74: {  	v4 =	vadd.f32 v61, v4  }
0x75: {  	v63 =	vld [tilespmem:s22+$0x15400]  }
0x76: {  	v4 =	vadd.f32 v5, v4;
	_ =	sdelay $0x1  }
0x77: {  	v4 =	vadd.f32 v62, v4;
	_ =	sdelay $0x1  }
0x78: {  	v4 =	vadd.f32 v63, v4;
	_ =	sdelay $0x1  }
0x79: {  	[tilespmem:s2+$0x0] =	vst v4  }
0x7a: {  	[hbm4b:s10+s19] =	stream.strided.scatter [tilespmem:s28], [sflag:$0x1], $0x400, s26, s19, $0x38;
	[tilespmem:$0x16800] =	vst v63  }
0x7b: {  	_ =	swait.ge [sflag:s21], $0x400  }
0x7c: {  	[sflag:s21] =	ssyncset.done $0x0  }
0x7d: {  	[sflag:s21] =	ssyncadd.s32 $0xFFFFFC00  }
0x7e: {  	[hbm4b:s11+s19] =	stream.strided.scatter [tilespmem:s29], [sflag:$0x1], $0x400, s26, s19, $0x38;
	[tilespmem:$0x16800] =	vst v63  }
0x7f: {  	_ =	swait.ge [sflag:s21], $0x400  }
0x80: {  	[sflag:s21] =	ssyncset.done $0x0  }
0x81: {  	[sflag:s21] =	ssyncadd.s32 $0xFFFFFC00  }
0x82: {  	[hbm4b:s12+s19] =	stream.strided.scatter [tilespmem:s30], [sflag:$0x1], $0x400, s26, s19, $0x38;
	[tilespmem:$0x16800] =	vst v63  }
0x83: {  	_ =	swait.ge [sflag:s21], $0x400  }
0x84: {  	[sflag:s21] =	ssyncset.done $0x0  }
0x85: {  	[sflag:s21] =	ssyncadd.s32 $0xFFFFFC00  }
0x86: {  	[hbm4b:s13+s19] =	stream.strided.scatter [tilespmem:s31], [sflag:$0x1], $0x400, s26, s19, $0x38;
	[tilespmem:$0x16800] =	vst v63  }
0x87: {  	_ =	swait.ge [sflag:s21], $0x400  }
0x88: {  	[sflag:s21] =	ssyncset.done $0x0  }
0x89: {  	[sflag:s21] =	ssyncadd.s32 $0xFFFFFC00  }
0x8a: {  	[hbm4b:s14+s19] =	stream.strided.scatter [tilespmem:s1], [sflag:$0x1], $0x400, s26, s19, $0x38;
	[tilespmem:$0x16800] =	vst v63  }
0x8b: {  	_ =	swait.ge [sflag:s21], $0x400  }
0x8c: {  	s23 =	simm.s32 $0x0;
	[sflag:s21] =	ssyncset.done $0x0  }
0x8d: {  	s22 =	simm.s32 $0x0;
	s2 =	simm.s32 $0x40;
	[sflag:s21] =	ssyncadd.s32 $0xFFFFFC00  }
.LBB2_8:
0x8e: {  	p0 =	sne.s32 s2, $0x4FFC0;
	[tilespmem:s23+$0x2800] =	vst v1;
	s23 =	smov.u32 s2;
	s2 =	sadd.s32 $0x40, s2  }
.Ltmp3:
0x8f: {  	(pc) =	sbr.rel @p0 .LBB2_8-.Ltmp3, $2  }
0x90: {  	_ =	sdelay $0x2  }
0x91: {  	s23 =	sshra.s32 s23, $0x2  }
0x92: {  	[tilespmem:s23+$0x2800] =	vst v1  }
.LBB2_10:
0x93: {  	s2 =	sshra.s32 s22, $0x2  }
0x94: {  	v4 =	vld [tilespmem:s2+$0x0];
	_ =	sdelay $0x4  }
0x95: {  	v5 =	vadd.s32 $0xFFFFEC00, v4  }
0x96: {  	v4 =	vadd.s32 v3, v4;
	vm0 =	vlt.u32 v5, $0x1400  }
0x97: {  	p0 =	seq.s32 s22, $0x9FC0;
	v4 =	vsel vm0, v4, v0  }
.Ltmp4:
0x98: {  	_ = 	snop;
	(pc) =	sbr.rel @!p0 .LBB2_10-.Ltmp4, $3  }
0x99: {  	_ =	sdelay $0x1  }
0x9a: {  	s2 =	simm.s32 $0x2800  }
0x9b: {  	s22 =	sadd.s32 $0x40, s22;
	[tilespmem:v4+s2+$0x0] =	vst.idx.add.f32.msk vm0, v2  }
0x9c: {  	s22 =	simm.s32 $0x0  }
0x9d: {  	s22 =	sand.u32 $0x1FF0, s22  }
0x9e: {  	s23 =	simm.s32 $0x10;
	v4 =	vld [tilespmem:s22+$0x3C00]  }
.LBB2_12:
0x9f: {  	p0 =	seq.s32 s23, $0x13F0;
	v5 =	vld [tilespmem:s2+$0x0];
	_ =	sdelay $0x1  }
0xa0: {  	v6 =	vld [tilespmem:s22+$0x5000];
	_ =	sdelay $0x1  }
0xa1: {  	v7 =	vld [tilespmem:s22+$0x6400]  }
0xa2: {  	v4 =	vadd.f32 v4, v5  }
0xa3: {  	v5 =	vld [tilespmem:s22+$0x7800]  }
0xa4: {  	v4 =	vadd.f32 v6, v4  }
0xa5: {  	v6 =	vld [tilespmem:s22+$0x8C00]  }
0xa6: {  	v4 =	vadd.f32 v7, v4  }
0xa7: {  	v7 =	vld [tilespmem:s22+$0xA000]  }
0xa8: {  	v4 =	vadd.f32 v5, v4  }
0xa9: {  	v5 =	vld [tilespmem:s22+$0xB400]  }
0xaa: {  	v4 =	vadd.f32 v6, v4  }
0xab: {  	v6 =	vld [tilespmem:s22+$0xC800]  }
0xac: {  	v4 =	vadd.f32 v7, v4  }
0xad: {  	v7 =	vld [tilespmem:s22+$0xDC00]  }
0xae: {  	v4 =	vadd.f32 v5, v4  }
0xaf: {  	v5 =	vld [tilespmem:s22+$0xF000]  }
0xb0: {  	v4 =	vadd.f32 v6, v4  }
0xb1: {  	v6 =	vld [tilespmem:s22+$0x10400]  }
0xb2: {  	v4 =	vadd.f32 v7, v4  }
0xb3: {  	v7 =	vld [tilespmem:s22+$0x11800]  }
0xb4: {  	v4 =	vadd.f32 v5, v4  }
0xb5: {  	v5 =	vld [tilespmem:s22+$0x12C00]  }
0xb6: {  	v4 =	vadd.f32 v6, v4  }
0xb7: {  	v6 =	vld [tilespmem:s22+$0x14000]  }
0xb8: {  	v4 =	vadd.f32 v7, v4  }
0xb9: {  	v7 =	vld [tilespmem:s22+$0x15400]  }
0xba: {  	v4 =	vadd.f32 v5, v4;
	_ =	sdelay $0x1  }
0xbb: {  	v4 =	vadd.f32 v6, v4  }
.Ltmp5:
0xbc: {  	(pc) =	sbr.rel @!p0 .LBB2_12-.Ltmp5, $3  }
0xbd: {  	v4 =	vadd.f32 v7, v4;
	_ =	sdelay $0x1  }
0xbe: {  	s22 =	sand.u32 $0x1FF0, s23;
	[tilespmem:s2+$0x0] =	vst v4  }
0xbf: {  	s23 =	sadd.s32 $0x10, s23;
	s2 =	sadd.s32 $0x10, s2;
	v4 =	vld [tilespmem:s22+$0x3C00]  }
0xc0: {  	v5 =	vld [tilespmem:s2+$0x0];
	_ =	sdelay $0x1  }
0xc1: {  	v6 =	vld [tilespmem:s22+$0x5000];
	_ =	sdelay $0x1  }
0xc2: {  	v7 =	vld [tilespmem:s22+$0x6400]  }
0xc3: {  	v4 =	vadd.f32 v4, v5  }
0xc4: {  	v5 =	vld [tilespmem:s22+$0x7800]  }
0xc5: {  	v4 =	vadd.f32 v6, v4  }
0xc6: {  	v56 =	vld [tilespmem:s22+$0x8C00]  }
0xc7: {  	v4 =	vadd.f32 v7, v4  }
0xc8: {  	v57 =	vld [tilespmem:s22+$0xA000]  }
0xc9: {  	v4 =	vadd.f32 v5, v4  }
0xca: {  	v5 =	vld [tilespmem:s22+$0xB400]  }
0xcb: {  	v4 =	vadd.f32 v56, v4  }
0xcc: {  	v58 =	vld [tilespmem:s22+$0xC800]  }
0xcd: {  	v4 =	vadd.f32 v57, v4  }
0xce: {  	v59 =	vld [tilespmem:s22+$0xDC00]  }
0xcf: {  	v4 =	vadd.f32 v5, v4  }
0xd0: {  	v5 =	vld [tilespmem:s22+$0xF000]  }
0xd1: {  	v4 =	vadd.f32 v58, v4  }
0xd2: {  	v60 =	vld [tilespmem:s22+$0x10400]  }
0xd3: {  	v4 =	vadd.f32 v59, v4  }
0xd4: {  	v61 =	vld [tilespmem:s22+$0x11800]  }
0xd5: {  	v4 =	vadd.f32 v5, v4  }
0xd6: {  	v5 =	vld [tilespmem:s22+$0x12C00]  }
0xd7: {  	v4 =	vadd.f32 v60, v4  }
0xd8: {  	v62 =	vld [tilespmem:s22+$0x14000]  }
0xd9: {  	v4 =	vadd.f32 v61, v4  }
0xda: {  	v63 =	vld [tilespmem:s22+$0x15400]  }
0xdb: {  	v4 =	vadd.f32 v5, v4;
	_ =	sdelay $0x1  }
0xdc: {  	v4 =	vadd.f32 v62, v4;
	_ =	sdelay $0x1  }
0xdd: {  	v4 =	vadd.f32 v63, v4;
	_ =	sdelay $0x1  }
0xde: {  	[tilespmem:s2+$0x0] =	vst v4  }
0xdf: {  	[hbm4b:s4+s19] =	stream.strided.scatter [tilespmem:s28], [sflag:$0x1], $0x400, s26, s19, $0x38;
	[tilespmem:$0x16800] =	vst v63  }
0xe0: {  	_ =	swait.ge [sflag:s21], $0x400  }
0xe1: {  	[sflag:s21] =	ssyncset.done $0x0  }
0xe2: {  	[sflag:s21] =	ssyncadd.s32 $0xFFFFFC00  }
0xe3: {  	[hbm4b:s15+s19] =	stream.strided.scatter [tilespmem:s29], [sflag:$0x1], $0x400, s26, s19, $0x38;
	[tilespmem:$0x16800] =	vst v63  }
0xe4: {  	_ =	swait.ge [sflag:s21], $0x400  }
0xe5: {  	[sflag:s21] =	ssyncset.done $0x0  }
0xe6: {  	[sflag:s21] =	ssyncadd.s32 $0xFFFFFC00  }
0xe7: {  	[hbm4b:s16+s19] =	stream.strided.scatter [tilespmem:s30], [sflag:$0x1], $0x400, s26, s19, $0x38;
	[tilespmem:$0x16800] =	vst v63  }
0xe8: {  	_ =	swait.ge [sflag:s21], $0x400  }
0xe9: {  	[sflag:s21] =	ssyncset.done $0x0  }
0xea: {  	[sflag:s21] =	ssyncadd.s32 $0xFFFFFC00  }
0xeb: {  	[hbm4b:s17+s19] =	stream.strided.scatter [tilespmem:s31], [sflag:$0x1], $0x400, s26, s19, $0x38;
	[tilespmem:$0x16800] =	vst v63  }
0xec: {  	s0 =	sadd.s32 $0x1, s0;
	_ =	swait.ge [sflag:s21], $0x400  }
0xed: {  	p0 =	seq.s32 s0, s5;
	[sflag:s21] =	ssyncset.done $0x0  }
.Ltmp6:
0xee: {  	[sflag:s21] =	ssyncadd.s32 $0xFFFFFC00;
	(pc) =	sbr.rel @!p0 .LBB2_1-.Ltmp6, $4  }
0xef: {  	[hbm4b:s18+s19] =	stream.strided.scatter [tilespmem:s1], [sflag:$0x1], $0x400, s26, s19, $0x38;
	[tilespmem:$0x16800] =	vst v63  }
0xf0: {  	_ =	swait.ge [sflag:s21], $0x400  }
0xf1: {  	[sflag:s21] =	ssyncset.done $0x0  }
0xf2: {  	[sflag:s21] =	ssyncadd.s32 $0xFFFFFC00  }
0xf3: {  	_ =	sfence.sel $0x180000  }
0xf4: {  	[bflag:$0x0] =	sbarrier.arrive $0xFFFF  }
0xf5: {  	_ =	strace $0x90000047  }
0xf6: {  	s0 =	stileid.u32;
	[bflag:$0x2] =	sbarrier.arrive $0xFFFF  }
0xf7: {  	p0 =	sne.s32 s0, $0x0;
	s0 =	rddreg [dreg:$0x2]  }
0xf8: {  	s0 =	sadd.s32 @!p0 $0x100000, s0  }
0xf9: {  	[sflag:s0] =	ssyncadd.tile.s32 @!p0 $0x1;
	_ =	shalt  }
.Lfunc_end2:
_tile_overlayer_lowered:
.L_overlay_start_2:
0xfa: {  	(tag) =	ssettag $0x2  }
0xfb: {  	s0 =	rddreg [dreg:$0x0];
	s2 =	stileid.u32  }
0xfc: {  	s1 =	rddreg [dreg:$0x1];
	p0 =	sne.s32 s2, $0x0  }
0xfd: {  	s3 =	rddreg [dreg:$0x2];
	[bflag:$0x3] =	sbarrier.arrive $0xFFFF;
	s2 =	simm.s32 @!p0 $0x1C01  }
0xfe: {  	[timem:s3], [sflag:s2] =	dma.local @!p0 [hbm:s0], s1  }
0xff: {  	s0 =	simm.s32 @!p0 $0x1  }
0x100: {  	_ =	swait.ge @!p0 [sflag:s0], s1  }
0x101: {  	s1 =	ssub.s32 @!p0 $0x0, s1;
	[sflag:s0] =	ssyncset.done @!p0 $0x0  }
0x102: {  	[sflag:s0] =	ssyncadd.s32 @!p0 s1  }
0x103: {  	[bflag:$0x3] =	sbarrier.arrive $0xFFFF  }
0x104: {  	_ =	shalt  }

// kernel: kernel.13.cloned.1.call-start
scs
__scs_entry_jumppad:
0x0: {  	(pc) =	sbr.rel $0x88, $3  }
0x1: {  	(tag) =	ssettag $0x0;
	lr =	simm.s32 $0x1  }
0x2: {  	[smem:$0x3F99] =	sst lr;
	_ =	strace $0xD0000000  }
0x3: {  	_ = 	snop  }
0x4: {  	_ = 	snop  }
0x5: {  	_ = 	snop  }
0x6: {  	_ = 	snop  }
0x7: {  	_ = 	snop  }
__scs_overlays_trampoline_lowered:
0x8: {  	[smem:$0x3FA8] =	sst s0  }
0x9: {  	[smem:$0x3FA9] =	sst s1  }
0xa: {  	[smem:$0x3FAA] =	sst s2  }
0xb: {  	[smem:$0x3FAB] =	sst s3  }
0xc: {  	[smem:$0x3FAC] =	sst s4  }
0xd: {  	[smem:$0x3FAD] =	sst s5  }
0xe: {  	[smem:$0x3FAE] =	sst s6  }
0xf: {  	[smem:$0x3FAF] =	sst s7  }
0x10: {  	[smem:$0x3FB0] =	sst s8  }
0x11: {  	[smem:$0x3FB1] =	sst s9;
	s0 =	simm.s32 @!p0 $0x0  }
0x12: {  	s1 =	sld [smem:$0x3F97];
	s0 =	simm.s32 @p0 $0x1  }
0x13: {  	[smem:$0x3FB2] =	sst s0;
	s0 =	simm.s32 @!p1 $0x0  }
0x14: {  	s2 =	sld [smem:$0x3F96];
	s0 =	simm.s32 @p1 $0x1  }
0x15: {  	[smem:$0x3FB3] =	sst s0;
	s0 =	simm.s32 @!p2 $0x0  }
0x16: {  	s3 =	sld [smem:$0x3FDB];
	s0 =	simm.s32 @p2 $0x1  }
0x17: {  	s4 =	simm.s32 $0x1BF5;
	[smem:$0x3FB5] =	sst s0  }
0x18: {  	s0 =	sld [smem:$0x3F98];
	_ =	swait.ge [sflag:s4], $0x0  }
0x19: {  	s7 =	sld [smem:$0x3F99]  }
0x1a: {  	s8 =	sadd.s32 $0xFFFFE003, lr  }
0x1b: {  	s9 =	sadd.s32 $0xFFFFFEF7, lr;
	s5 =	simm.s32 $0xFFFFFFFF;
	p2 =	slt.u32 s8, $0xFFFFF086  }
0x1c: {  	p1 =	slt.u32 s9, $0xF7A;
	s5 =	simm.s32 @!p2 $0x0  }
0x1d: {  	s5 =	simm.s32 @p1 $0x1;
	p0 =	seq.s32 s7, s2  }
0x1e: {  	s7 =	smul.u32 @!p0 $0xF7A, s2;
	p2 =	seq.s32 @!p0 s5, $0x0  }
0x1f: {  	s9 =	smul.u32 $0xF7A, s1;
	s8 =	simm.s32 @!p0 $0x1BF5;
	p2 =	por !p2, p0  }
0x20: {  	[sflag:s8] =	ssyncset.s32 @!p0 $0xFFFFF086;
	s6 =	sadd.s32 @!p0 s3, s7;
	s7 =	simm.s32 @!p0 $0x108  }
0x21: {  	s3 =	sadd.s32 s3, s9;
	s6 =	sadd.s32 @!p0 $0x88, s6;
	s7 =	simm.s32 @p2 $0x1082  }
0x22: {  	[simem:s7], [sflag:s8] =	dma.local @!p0 [hbm:s6], $0xF7A  }
0x23: {  	s9 =	sor.u32 $0xD0000000, s2;
	s6 =	simm.s32 $0x108;
	_ =	swait.ge @!p0 [sflag:s8], $0x0  }
0x24: {  	s3 =	sadd.s32 $0x88, s3;
	s6 =	simm.s32 @!p1 $0x1082;
	[sflag:s4] =	ssyncset.s32 $0xFFFFF086  }
0x25: {  	[simem:s6], [sflag:s4] =	dma.local [hbm:s3], $0xF7A  }
0x26: {  	[smem:$0x3F99] =	sst s1;
	(tag) =	ssettag s2;
	_ =	strace s9  }
0x27: {  	s1 =	sld [smem:$0x3FA9]  }
0x28: {  	s2 =	sld [smem:$0x3FAA]  }
0x29: {  	s4 =	sld [smem:$0x3FAC]  }
0x2a: {  	p0 =	seq.s32 s5, $0x0;
	s5 =	sld [smem:$0x3FAD]  }
0x2b: {  	s6 =	sld [smem:$0x3FAE]  }
0x2c: {  	s7 =	sld [smem:$0x3FAF]  }
0x2d: {  	s3 =	simm.s32 $0x108;
	s8 =	sld [smem:$0x3FB0]  }
0x2e: {  	s3 =	simm.s32 @!p0 $0x1082;
	s9 =	sld [smem:$0x3FB1]  }
0x2f: {  	lr =	sadd.s32 s0, s3;
	s0 =	sld [smem:$0x3FA8]  }
0x30: {  	s3 =	sld [smem:$0x3FAB]  }
0x31: {  	[smem:$0x3FB4] =	sst s10  }
0x32: {  	s10 =	sld [smem:$0x3FB2];
	_ =	sdelay $0x3  }
0x33: {  	p0 =	seq.s32 s10, $0x1;
	s10 =	sld [smem:$0x3FB4];
	_ =	sdelay $0x3  }
0x34: {  	[smem:$0x3FB4] =	sst s10  }
0x35: {  	s10 =	sld [smem:$0x3FB3];
	_ =	sdelay $0x3  }
0x36: {  	p1 =	seq.s32 s10, $0x1;
	s10 =	sld [smem:$0x3FB4];
	_ =	sdelay $0x3  }
0x37: {  	[smem:$0x3FB4] =	sst s10  }
0x38: {  	s10 =	sld [smem:$0x3FB5]  }
0x39: {  	_ = 	snop;
	(pc) =	sbr.ind lr, $3  }
0x3a: {  	_ = 	snop  }
0x3b: {  	_ = 	snop  }
0x3c: {  	p2 =	seq.s32 s10, $0x1;
	s10 =	sld [smem:$0x3FB4]  }
0x3d: {  	_ =	shalt  }
0x3e: {  	_ =	shalt  }
0x3f: {  	_ =	shalt  }
0x40: {  	_ =	shalt  }
0x41: {  	_ =	shalt  }
0x42: {  	_ =	shalt  }
0x43: {  	_ =	shalt  }
0x44: {  	_ =	shalt  }
0x45: {  	_ =	shalt  }
0x46: {  	_ =	shalt  }
0x47: {  	_ =	shalt  }
0x48: {  	_ =	shalt  }
0x49: {  	_ =	shalt  }
0x4a: {  	_ =	shalt  }
0x4b: {  	_ =	shalt  }
0x4c: {  	_ =	shalt  }
0x4d: {  	_ =	shalt  }
0x4e: {  	_ =	shalt  }
0x4f: {  	_ =	shalt  }
0x50: {  	_ =	shalt  }
0x51: {  	_ =	shalt  }
0x52: {  	_ =	shalt  }
0x53: {  	_ =	shalt  }
0x54: {  	_ =	shalt  }
0x55: {  	_ =	shalt  }
0x56: {  	_ =	shalt  }
0x57: {  	_ =	shalt  }
0x58: {  	_ =	shalt  }
0x59: {  	_ =	shalt  }
0x5a: {  	_ =	shalt  }
0x5b: {  	_ =	shalt  }
0x5c: {  	_ =	shalt  }
0x5d: {  	_ =	shalt  }
0x5e: {  	_ =	shalt  }
0x5f: {  	_ =	shalt  }
0x60: {  	_ =	shalt  }
0x61: {  	_ =	shalt  }
0x62: {  	_ =	shalt  }
0x63: {  	_ =	shalt  }
0x64: {  	_ =	shalt  }
0x65: {  	_ =	shalt  }
0x66: {  	_ =	shalt  }
0x67: {  	_ =	shalt  }
0x68: {  	_ =	shalt  }
0x69: {  	_ =	shalt  }
0x6a: {  	_ =	shalt  }
0x6b: {  	_ =	shalt  }
0x6c: {  	_ =	shalt  }
0x6d: {  	_ =	shalt  }
0x6e: {  	_ =	shalt  }
0x6f: {  	_ =	shalt  }
0x70: {  	_ =	shalt  }
0x71: {  	_ =	shalt  }
0x72: {  	_ =	shalt  }
0x73: {  	_ =	shalt  }
0x74: {  	_ =	shalt  }
0x75: {  	_ =	shalt  }
0x76: {  	_ =	shalt  }
0x77: {  	_ =	shalt  }
0x78: {  	_ =	shalt  }
0x79: {  	_ =	shalt  }
0x7a: {  	_ =	shalt  }
0x7b: {  	_ =	shalt  }
0x7c: {  	_ =	shalt  }
0x7d: {  	_ =	shalt  }
0x7e: {  	_ =	shalt  }
0x7f: {  	_ =	shalt  }
0x80: {  	_ =	shalt  }
0x81: {  	_ =	shalt  }
0x82: {  	_ =	shalt  }
0x83: {  	_ =	shalt  }
0x84: {  	_ =	shalt  }
0x85: {  	_ =	shalt  }
0x86: {  	_ =	shalt  }
0x87: {  	_ =	shalt  }
.Lfunc_end0:
.L_simem_size_0:
called_computation.1_lowered:
.L_overlay_start_0:
0x88: {  	s2 =	sld [smem:$0x3FD9]  }
0x89: {  	s3 =	sld [smem:$0x3FFE];
	_ =	sdelay $0x1  }
0x8a: {  	s1 =	srdreg.scid  }
0x8b: {  	s0 =	sand.u32 $0x1, s1  }
0x8c: {  	s17 =	sshll.u32 s0, $0xA;
	s2 =	sadd.s32 s3, s2  }
0x8d: {  	s2 =	sadd.s32 s2, s17  }
0x8e: {  	[smem:$0x3FC0] =	sst s2  }
0x8f: {  	_ = 	snop  }
0x90: {  	s2 =	sld [smem:$0x3FD0];
	(tm) =	ssettm $0x1  }
0x91: {  	s18 =	sld [smem:$0x3FFB];
	_ =	sdelay $0x3  }
0x92: {  	_ =	strace s18  }
0x93: {  	s3 =	sld [smem:$0x3FFC];
	_ =	sdelay $0x3  }
0x94: {  	_ =	strace s3  }
0x95: {  	s3 =	sld [smem:$0x3FFD];
	_ =	sdelay $0x3  }
0x96: {  	_ =	strace s3  }
0x97: {  	_ =	strace $0x8FFFFFFF  }
0x98: {  	s19 =	sld [smem:$0x3FDB];
	_ =	sdelay $0x1  }
0x99: {  	s4 =	simm.s32 $_scs_section_size  }
0x9a: {  	s5 =	simm.s32 $_size__tile_overlayer_lowered;
	s6 =	simm.s32 $_tile_overlayer_lowered  }
0x9b: {  	s22 =	simm.s32 $0x1BFF;
	s21 =	sshll.u32 s6, $0x1;
	s3 =	sadd.s32 s4, s19  }
0x9c: {  	s7 =	simm.s32 $0x0;
	s20 =	sshll.u32 s5, $0x1;
	s5 =	sadd.s32 s21, s3  }
0x9d: {  	[timem:s7], [sflag:s22] =	dma.local [hbm:s5], s20  }
0x9e: {  	_ =	swait.ge [sflag:s22], s20  }
0x9f: {  	s4 =	ssub.s32 $0x0, s20;
	[sflag:s22] =	ssyncset.done $0x0  }
0xa0: {  	[sflag:s22] =	ssyncadd.s32 s4;
	_ =	sdelay $0x1  }
0xa1: {  	s23 =	simm.s32 $0x1B8B  }
0xa2: {  	_ =	swait.ge [sflag:s23], $0x1  }
0xa3: {  	[sflag:s23] =	ssyncset.done $0x0  }
0xa4: {  	s25 =	simm.s32 $0x1B8E;
	s24 =	sld [smem:$0x3FFE];
	[sflag:s23] =	ssyncadd.s32 $0xFFFFFFFF  }
0xa5: {  	s26 =	simm.s32 $execute0_lowered;
	[smem:$0x3FD2] =	sst s25  }
0xa6: {  	s5 =	sshll.u32 s26, $0x1;
	_ =	strace $0x80000049;
	[dreg:$0x1] =	wrdreg $0xFFFFFFFF  }
0xa7: {  	s28 =	simm.s32 $_size_execute0_lowered;
	s3 =	sadd.s32 s3, s5;
	[dreg:$0x0] =	wrdreg $0x0  }
0xa8: {  	s5 =	sshll.u32 s28, $0x1;
	[dreg:$0x2] =	wrdreg s3  }
0xa9: {  	[dreg:$0x3] =	wrdreg s5  }
0xaa: {  	[dreg:$0x4] =	wrdreg $0xC0  }
0xab: {  	_ =	task [dreg:s7], $0x5FFFF  }
0xac: {  	[dreg:$0x1] =	wrdreg $0xFFFFFFFF  }
0xad: {  	[dreg:$0x0] =	wrdreg $0x60  }
0xae: {  	[dreg:$0x2] =	wrdreg s2  }
0xaf: {  	[dreg:$0x3] =	wrdreg s24  }
0xb0: {  	[dreg:$0x4] =	wrdreg $0x154000  }
0xb1: {  	[dreg:$0x5] =	wrdreg $0x9  }
0xb2: {  	_ =	task.clear_ibuf [dreg:s7], $0x6FFFF;
	_ =	strace $0x90000049  }
0xb3: {  	s29 =	simm.s32 $0x9;
	_ =	strace $0x8000004B  }
0xb4: {  	_ =	swait.ge [sflag:s29], $0x1  }
0xb5: {  	[sflag:s29] =	ssyncadd.s32 $0xFFFFFFFF  }
0xb6: {  	_ =	strace $0x9000004B  }
0xb7: {  	_ =	sfence  }
0xb8: {  	s30 =	sld [smem:$0x0];
	_ =	sdelay $0x2  }
0xb9: {  	s31 =	sshll.u32 s1, $0xD;
	s1 =	sshrl.u32 s1, $0x2  }
0xba: {  	s3 =	sand.u32 $0x4000, s31;
	s1 =	sadd.s32 s1, s30  }
0xbb: {  	s0 =	sor.u32 s3, s0;
	s1 =	sshll.u32 s1, $0x11  }
0xbc: {  	s0 =	sor.u32 s1, s0  }
0xbd: {  	s0 =	sadd.s32 $0x8F2B, s0  }
0xbe: {  	[sflag:s0] =	ssyncadd.remote.s32 $0x1  }
0xbf: {  	_ =	sfence.sel $0xFFFF  }
0xc0: {  	[dreg:$0x0] =	wrdreg $0xFFFFFFFF;
	(pc) =	sbr.abs _section_cstart, $3  }
0xc1: {  	[dreg:$0x1] =	wrdreg $0xFFFFFFFF  }
0xc2: {  	_ =	task.clear_ibuf [dreg:s7], $0x2FFFF;
	_ =	strace $0x9FFFFFFF  }
0xc3: {  	(tm) =	ssettm $0x7FFFFFFF  }
tec
execute0_lowered:
.L_overlay_start_1:
0x0: {  	(tag) =	ssettag $0x1  }
0x1: {  	s1 =	rddreg [dreg:$0x0]  }
0x2: {  	s6 =	rddreg [dreg:$0x1]  }
0x3: {  	s0 =	srdreg.scid;
	s3 =	rddreg [dreg:$0x2]  }
0x4: {  	s28 =	simm.s32 $0x0;
	s13 =	simm.s32 $0x5;
	s14 =	simm.s32 $0x15000  }
0x5: {  	s15 =	simm.s32 $0x6800;
	s16 =	simm.s32 $0xD000;
	s17 =	simm.s32 $0x6880  }
0x6: {  	s18 =	simm.s32 $0x11000;
	s19 =	simm.s32 $0x1;
	s20 =	simm.s32 $0x2  }
0x7: {  	s21 =	simm.s32 $0x3;
	s22 =	simm.s32 $0x4;
	s5 =	sand.u32 $0x1, s0  }
0x8: {  	s23 =	simm.s32 $0xCF00;
	s0 =	stileid.u32;
	s2 =	sshll.u32 s5, $0x4  }
0x9: {  	s24 =	simm.s32 $0xCF80;
	s25 =	simm.s32 $0x0;
	s4 =	sor.u32 s2, s0  }
0xa: {  	[smem:$0x7FF] =	sst s28;
	s9 =	smul.u32 $0x28000, s0;
	s7 =	sshrl.u32 s4, $0x3  }
0xb: {  	s8 =	sshll.u32 s0, $0x7;
	_ =	strace $0x8000004A;
	s7 =	smul.u32 $0x1A000, s7  }
0xc: {  	s29 =	ssub.s32 $0x2, s5;
	s11 =	smul.u32 $0xA0000, s5;
	s8 =	sand.u32 $0x380, s8  }
0xd: {  	s12 =	smul.u32 $0xA000, s0;
	s5 =	sadd.s32 $0x26400, s6;
	s7 =	sor.u32 s8, s7  }
0xe: {  	s30 =	sshrl.u32 s29, $0x1;
	s31 =	sshrl.u32 s9, $0x2;
	s7 =	sshrl.u32 s7, $0x3  }
0xf: {  	s10 =	sadd.s32 s7, s6;
	s7 =	ssub.s32 s29, s30;
	s6 =	sadd.s32 s31, s3  }
0x10: {  	s7 =	smax.u32 s7, $0x1;
	s8 =	sadd.s32 $0xC400, s10;
	s9 =	sadd.s32 $0x19400, s10  }
0x11: {  	v0 =	vimm.f32 $0.0e+00;
	s10 =	sadd.s32 s12, s11;
	s11 =	simm.s32 $0x80;
	s12 =	simm.s32 $0x400  }
.LBB2_1:
0x12: {  	[tilespmem:$0x15000] =	vst v0  }
0x13: {  	[tilespmem:$0x15010] =	vst v0  }
0x14: {  	[tilespmem:$0x15020] =	vst v0  }
0x15: {  	[tilespmem:$0x15030] =	vst v0  }
0x16: {  	[tilespmem:$0x15040] =	vst v0  }
0x17: {  	[tilespmem:$0x15050] =	vst v0  }
0x18: {  	[tilespmem:$0x15060] =	vst v0  }
0x19: {  	[tilespmem:$0x15070] =	vst v0  }
0x1a: {  	[tilespmem:$0x15080] =	vst v0  }
0x1b: {  	[tilespmem:$0x15090] =	vst v0  }
0x1c: {  	[tilespmem:$0x150A0] =	vst v0  }
0x1d: {  	[tilespmem:$0x150B0] =	vst v0  }
0x1e: {  	[tilespmem:$0x150C0] =	vst v0  }
0x1f: {  	[tilespmem:$0x150D0] =	vst v0  }
0x20: {  	[tilespmem:$0x150E0] =	vst v0  }
0x21: {  	[tilespmem:$0x150F0] =	vst v0  }
0x22: {  	[tilespmem:$0x15100] =	vst v0  }
0x23: {  	[tilespmem:$0x15110] =	vst v0  }
0x24: {  	[tilespmem:$0x15120] =	vst v0  }
0x25: {  	[tilespmem:$0x15130] =	vst v0  }
0x26: {  	[tilespmem:$0x15140] =	vst v0  }
0x27: {  	[tilespmem:$0x15150] =	vst v0  }
0x28: {  	[tilespmem:$0x15160] =	vst v0  }
0x29: {  	[tilespmem:$0x15170] =	vst v0  }
0x2a: {  	[tilespmem:$0x15180] =	vst v0  }
0x2b: {  	[tilespmem:$0x15190] =	vst v0  }
0x2c: {  	[tilespmem:$0x151A0] =	vst v0  }
0x2d: {  	[tilespmem:$0x151B0] =	vst v0  }
0x2e: {  	[tilespmem:$0x151C0] =	vst v0  }
0x2f: {  	[tilespmem:$0x151D0] =	vst v0  }
0x30: {  	[tilespmem:$0x151E0] =	vst v0  }
0x31: {  	[tilespmem:$0x151F0] =	vst v0  }
0x32: {  	[tilespmem:$0x15200] =	vst v0  }
0x33: {  	[tilespmem:$0x15210] =	vst v0  }
0x34: {  	[tilespmem:$0x15220] =	vst v0  }
0x35: {  	[tilespmem:$0x15230] =	vst v0  }
0x36: {  	[tilespmem:$0x15240] =	vst v0  }
0x37: {  	[tilespmem:$0x15250] =	vst v0  }
0x38: {  	[tilespmem:$0x15260] =	vst v0  }
0x39: {  	[tilespmem:$0x15270] =	vst v0  }
0x3a: {  	[tilespmem:$0x15280] =	vst v0  }
0x3b: {  	[tilespmem:$0x15290] =	vst v0  }
0x3c: {  	[tilespmem:$0x152A0] =	vst v0  }
0x3d: {  	[tilespmem:$0x152B0] =	vst v0  }
0x3e: {  	[tilespmem:$0x152C0] =	vst v0  }
0x3f: {  	[tilespmem:$0x152D0] =	vst v0  }
0x40: {  	[tilespmem:$0x152E0] =	vst v0  }
0x41: {  	[tilespmem:$0x152F0] =	vst v0  }
0x42: {  	[tilespmem:$0x15300] =	vst v0  }
0x43: {  	[tilespmem:$0x15310] =	vst v0  }
0x44: {  	[tilespmem:$0x15320] =	vst v0  }
0x45: {  	[tilespmem:$0x15330] =	vst v0  }
0x46: {  	[tilespmem:$0x15340] =	vst v0  }
0x47: {  	[tilespmem:$0x15350] =	vst v0  }
0x48: {  	[tilespmem:$0x15360] =	vst v0  }
0x49: {  	[tilespmem:$0x15370] =	vst v0  }
0x4a: {  	[tilespmem:$0x15380] =	vst v0  }
0x4b: {  	[tilespmem:$0x15390] =	vst v0  }
0x4c: {  	[tilespmem:$0x153A0] =	vst v0  }
0x4d: {  	[tilespmem:$0x153B0] =	vst v0  }
0x4e: {  	[tilespmem:$0x153C0] =	vst v0  }
0x4f: {  	[tilespmem:$0x153D0] =	vst v0  }
0x50: {  	[tilespmem:$0x153E0] =	vst v0  }
0x51: {  	[tilespmem:$0x153F0] =	vst v0;
	s26 =	sadd.s32 $0x0, s9;
	s2 =	simm.s32 $0x0  }
0x52: {  	[tilespmem:s2], [sflag:$0x5] =	stream.strided.gather [hbm4b:s26+s11], $0x400, s12, s11, $0x38;
	[tilespmem:$0x1F400] =	vst v63  }
0x53: {  	_ =	swait.ge [sflag:s13], $0x400  }
0x54: {  	[sflag:s13] =	ssyncset.done $0x0  }
0x55: {  	s31 =	simm.s32 $0x3400;
	s28 =	sadd.s32 $0x0, s8;
	[sflag:s13] =	ssyncadd.s32 $0xFFFFFC00  }
0x56: {  	[tilespmem:s31], [sflag:$0x5] =	stream.strided.gather [hbm4b:s28+s11], $0x400, s12, s11, $0x38;
	[tilespmem:$0x1F400] =	vst v63  }
0x57: {  	s30 =	simm.s32 $0x800;
	s29 =	simm.s32 $0x400;
	_ =	swait.ge [sflag:s13], $0x400  }
0x58: {  	s26 =	simm.s32 $0x400;
	s28 =	simm.s32 $0x3800;
	[sflag:s13] =	ssyncset.done $0x0  }
.LBB2_2:
0x59: {  	s31 =	sadd.s32 s26, s9  }
0x5a: {  	[sflag:s13] =	ssyncadd.s32 $0xFFFFFC00;
	s2 =	smov.u32 s30;
	s4 =	sadd.s32 $0x400, s30  }
0x5b: {  	[tilespmem:s29], [sflag:$0x5] =	stream.strided.gather [hbm4b:s31+s11], $0x400, s12, s11, $0x38;
	[tilespmem:$0x1F400] =	vst v63  }
0x5c: {  	p0 =	sne.s32 s30, $0x3000;
	_ =	swait.ge [sflag:s13], $0x400  }
.Ltmp0:
0x5d: {  	[sflag:s13] =	ssyncset.done $0x0;
	(pc) =	sbr.rel @p0 .LBB2_2-.Ltmp0, $4  }
0x5e: {  	s30 =	sadd.s32 s26, s8;
	s26 =	smov.u32 s2;
	[sflag:s13] =	ssyncadd.s32 $0xFFFFFC00  }
0x5f: {  	[tilespmem:s28], [sflag:$0x5] =	stream.strided.gather [hbm4b:s30+s11], $0x400, s12, s11, $0x38;
	[tilespmem:$0x1F400] =	vst v63  }
0x60: {  	s29 =	sadd.s32 $0x400, s29;
	_ =	swait.ge [sflag:s13], $0x400  }
0x61: {  	s28 =	sadd.s32 $0x400, s28;
	s30 =	smov.u32 s4;
	[sflag:s13] =	ssyncset.done $0x0  }
0x62: {  	s2 =	sadd.s32 s26, s9;
	[sflag:s13] =	ssyncadd.s32 $0xFFFFFC00  }
0x63: {  	[tilespmem:s29], [sflag:$0x5] =	stream.strided.gather [hbm4b:s2+s11], $0x400, s12, s11, $0x38;
	[tilespmem:$0x1F400] =	vst v63  }
0x64: {  	_ =	swait.ge [sflag:s13], $0x400  }
0x65: {  	[sflag:s13] =	ssyncset.done $0x0  }
0x66: {  	s31 =	sadd.s32 s26, s8;
	[sflag:s13] =	ssyncadd.s32 $0xFFFFFC00  }
0x67: {  	[tilespmem:s28], [sflag:$0x5] =	stream.strided.gather [hbm4b:s31+s11], $0x400, s12, s11, $0x38;
	[tilespmem:$0x1F400] =	vst v63  }
0x68: {  	_ =	swait.ge [sflag:s13], $0x400  }
0x69: {  	[sflag:s13] =	ssyncset.done $0x0  }
0x6a: {  	s26 =	simm.s32 $0x0;
	p1 =	por $0x1, $0x1;
	[sflag:s13] =	ssyncadd.s32 $0xFFFFFC00  }
.LBB2_4:
0x6b: {  	s28 =	simm.s32 $0x0  }
0x6c: {  	v2 =	vld [tilespmem:s28+$0x3400]  }
0x6d: {  	s2 =	smul.u32 $0xFFFFEC00, s26  }
0x6e: {  	v3 =	vld [tilespmem:s28+$0x0]  }
0x6f: {  	p0 =	por p1, p1;
	s29 =	simm.s32 $0x40;
	v1 =	vmov s2  }
.LBB2_5:
0x70: {  	p1 =	sne.s32 s29, $0xCFC0  }
.Ltmp1:
0x71: {  	s2 =	sshra.s32 s29, $0x2;
	s29 =	sadd.s32 $0x40, s29;
	v4 =	vadd.s32 v1, v2;
	(pc) =	sbr.rel @p1 .LBB2_5-.Ltmp1, $4  }
0x72: {  	v2 =	vld [tilespmem:s2+$0x3400];
	vm0 =	vlt.u32 v4, $0x1400  }
0x73: {  	v5 =	vnsel vm0, $0xFFFFFFFF, v3;
	v3 =	vld [tilespmem:s2+$0x0];
	v4 =	vnsel vm0, $0xFFFFFFFF, v4  }
0x74: {  	[tilespmem:s28+$0x9C00] =	vst v4  }
0x75: {  	[tilespmem:s28+$0x6800] =	vst v5;
	s28 =	smov.u32 s2  }
0x76: {  	_ = 	snop  }
0x77: {  	v1 =	vadd.s32 v1, v2  }
0x78: {  	vm0 =	vlt.u32 v1, $0x1400  }
0x79: {  	v1 =	vnsel vm0, $0xFFFFFFFF, v1  }
0x7a: {  	v2 =	vnsel vm0, $0xFFFFFFFF, v3;
	[tilespmem:s28+$0x9C00] =	vst v1  }
0x7b: {  	s2 =	sadd.s32 $0x0, s6;
	[tilespmem:s28+$0x6800] =	vst v2  }
0x7c: {  	[spmem:s2] =	stream.linear.scatter [tilespmem:s14], [sflag:$0x5], $0x400, $0x38;
	[tilespmem:$0x1F400] =	vst v63  }
0x7d: {  	s28 =	simm.s32 $0x1000;
	_ =	swait.ge [sflag:s13], $0x400  }
.LBB2_7:
0x7e: {  	s2 =	sshra.s32 s28, $0x2;
	[sflag:s13] =	ssyncset.done $0x0;
	p1 =	sne.s32 s28, $0x27000  }
.Ltmp2:
0x7f: {  	s2 =	sadd.s32 s2, s6;
	[sflag:s13] =	ssyncadd.s32 $0xFFFFFC00;
	(pc) =	sbr.rel @p1 .LBB2_7-.Ltmp2, $3  }
0x80: {  	[spmem:s2] =	stream.linear.scatter [tilespmem:s14], [sflag:$0x5], $0x400, $0x38;
	[tilespmem:$0x1F400] =	vst v63  }
0x81: {  	s28 =	sadd.s32 $0x1000, s28;
	_ =	sdelay $0x1  }
0x82: {  	_ =	swait.ge [sflag:s13], $0x400  }
0x83: {  	[sflag:s13] =	ssyncset.done $0x0  }
0x84: {  	[sflag:s13] =	ssyncadd.s32 $0xFFFFFC00  }
0x85: {  	[bflag:$0x0] =	sbarrier.arrive $0xFFFF  }
0x86: {  	(ifvalue) =	ssetifvalue $0xFFFFFFFF  }
0x87: {  	(ifvalue) =	ssetifvalue $0xFFFFFFFF  }
0x88: {  	[tilespmem:s16], [sflag:$0x1] =	stream.indirect.gather [hbm4b:s1+s11], $0x80, s15, s11, $0x40b8;
	[tilespmem:$0x1F400] =	vst v63  }
0x89: {  	(ifvalue) =	ssetifvalue $0xFFFFFFFF  }
0x8a: {  	(ifvalue) =	ssetifvalue $0xFFFFFFFF  }
0x8b: {  	[tilespmem:s18], [sflag:$0x2] =	stream.indirect.gather [hbm4b:s1+s11], $0x80, s17, s11, $0x40b8;
	[tilespmem:$0x1F400] =	vst v63  }
0x8c: {  	_ =	swait.ge [sflag:s19], $0x4000  }
0x8d: {  	[sflag:s19] =	ssyncset.done $0x0  }
0x8e: {  	s2 =	simm.s32 $0x9C00;
	[sflag:s19] =	ssyncadd.s32 $0xFFFFC000;
	(ifvalue) =	ssetifvalue $0xFFFFFFFF  }
0x8f: {  	[spmem:s3] =	stream.indirect.scatter.add.f32 [tilespmem:s16], [sflag:$0x3], $0x80, s2, s11, $0x40b8;
	[tilespmem:$0x1F400] =	vst v63  }
0x90: {  	_ =	swait.ge [sflag:s20], $0x4000  }
0x91: {  	[sflag:s20] =	ssyncset.done $0x0  }
0x92: {  	s30 =	simm.s32 $0x9C80;
	[sflag:s20] =	ssyncadd.s32 $0xFFFFC000;
	(ifvalue) =	ssetifvalue $0xFFFFFFFF  }
0x93: {  	[spmem:s3] =	stream.indirect.scatter.add.f32 [tilespmem:s18], [sflag:$0x4], $0x80, s30, s11, $0x40b8;
	[tilespmem:$0x1F400] =	vst v63  }
0x94: {  	_ =	swait.ge [sflag:s21], $0x4000  }
0x95: {  	[sflag:s21] =	ssyncset.done $0x0  }
0x96: {  	[sflag:s21] =	ssyncadd.s32 $0xFFFFC000;
	(ifvalue) =	ssetifvalue $0xFFFFFFFF  }
0x97: {  	s31 =	simm.s32 $0x6900;
	(ifvalue) =	ssetifvalue $0xFFFFFFFF  }
0x98: {  	[tilespmem:s16], [sflag:$0x1] =	stream.indirect.gather [hbm4b:s1+s11], $0x80, s31, s11, $0x40b8;
	[tilespmem:$0x1F400] =	vst v63  }
0x99: {  	_ =	swait.ge [sflag:s22], $0x4000  }
0x9a: {  	[sflag:s22] =	ssyncset.done $0x0  }
0x9b: {  	[sflag:s22] =	ssyncadd.s32 $0xFFFFC000;
	(ifvalue) =	ssetifvalue $0xFFFFFFFF  }
0x9c: {  	s28 =	simm.s32 $0x400;
	s29 =	simm.s32 $0x6980;
	(ifvalue) =	ssetifvalue $0xFFFFFFFF  }
.LBB2_9:
0x9d: {  	[tilespmem:s18], [sflag:$0x2] =	stream.indirect.gather [hbm4b:s1+s11], $0x80, s29, s11, $0x40b8;
	[tilespmem:$0x1F400] =	vst v63  }
0x9e: {  	s2 =	smov.u32 s28  }
0x9f: {  	p1 =	sne.s32 s28, $0xC800;
	s28 =	sadd.s32 $0x400, s28;
	_ =	swait.ge [sflag:s19], $0x4000  }
0xa0: {  	[sflag:s19] =	ssyncset.done $0x0  }
0xa1: {  	s2 =	sshra.s32 s2, $0x2;
	[sflag:s19] =	ssyncadd.s32 $0xFFFFC000  }
0xa2: {  	s4 =	sadd.s32 $0x9C00, s2;
	(ifvalue) =	ssetifvalue $0xFFFFFFFF  }
0xa3: {  	[spmem:s3] =	stream.indirect.scatter.add.f32 [tilespmem:s16], [sflag:$0x3], $0x80, s4, s11, $0x40b8;
	[tilespmem:$0x1F400] =	vst v63  }
0xa4: {  	_ =	swait.ge [sflag:s20], $0x4000  }
0xa5: {  	[sflag:s20] =	ssyncset.done $0x0  }
0xa6: {  	[sflag:s20] =	ssyncadd.s32 $0xFFFFC000  }
0xa7: {  	s4 =	sadd.s32 $0x9C80, s2;
	(ifvalue) =	ssetifvalue $0xFFFFFFFF  }
0xa8: {  	[spmem:s3] =	stream.indirect.scatter.add.f32 [tilespmem:s18], [sflag:$0x4], $0x80, s4, s11, $0x40b8;
	[tilespmem:$0x1F400] =	vst v63  }
0xa9: {  	_ =	swait.ge [sflag:s21], $0x4000  }
0xaa: {  	[sflag:s21] =	ssyncset.done $0x0  }
0xab: {  	[sflag:s21] =	ssyncadd.s32 $0xFFFFC000  }
0xac: {  	(ifvalue) =	ssetifvalue $0xFFFFFFFF  }
0xad: {  	s4 =	sadd.s32 $0x6900, s2;
	(ifvalue) =	ssetifvalue $0xFFFFFFFF  }
0xae: {  	[tilespmem:s16], [sflag:$0x1] =	stream.indirect.gather [hbm4b:s1+s11], $0x80, s4, s11, $0x40b8;
	[tilespmem:$0x1F400] =	vst v63  }
.Ltmp3:
0xaf: {  	_ =	swait.ge [sflag:s22], $0x4000;
	(pc) =	sbr.rel @p1 .LBB2_9-.Ltmp3, $4  }
0xb0: {  	[sflag:s22] =	ssyncset.done $0x0  }
0xb1: {  	[sflag:s22] =	ssyncadd.s32 $0xFFFFC000  }
0xb2: {  	(ifvalue) =	ssetifvalue $0xFFFFFFFF  }
0xb3: {  	s29 =	sadd.s32 $0x6980, s2;
	(ifvalue) =	ssetifvalue $0xFFFFFFFF  }
0xb4: {  	[tilespmem:s18], [sflag:$0x2] =	stream.indirect.gather [hbm4b:s1+s11], $0x80, s29, s11, $0x40b8;
	[tilespmem:$0x1F400] =	vst v63  }
0xb5: {  	_ =	swait.ge [sflag:s19], $0x4000  }
0xb6: {  	[sflag:s19] =	ssyncset.done $0x0  }
0xb7: {  	[sflag:s19] =	ssyncadd.s32 $0xFFFFC000;
	(ifvalue) =	ssetifvalue $0xFFFFFFFF  }
0xb8: {  	[spmem:s3] =	stream.indirect.scatter.add.f32 [tilespmem:s16], [sflag:$0x3], $0x80, s23, s11, $0x40b8;
	[tilespmem:$0x1F400] =	vst v63  }
0xb9: {  	_ =	swait.ge [sflag:s20], $0x4000  }
0xba: {  	[sflag:s20] =	ssyncset.done $0x0  }
0xbb: {  	[sflag:s20] =	ssyncadd.s32 $0xFFFFC000;
	(ifvalue) =	ssetifvalue $0xFFFFFFFF  }
0xbc: {  	[spmem:s3] =	stream.indirect.scatter.add.f32 [tilespmem:s18], [sflag:$0x4], $0x80, s24, s11, $0x40b8;
	[tilespmem:$0x1F400] =	vst v63  }
0xbd: {  	_ =	swait.ge [sflag:s21], $0x4000  }
0xbe: {  	s2 =	smul.u32 $0x140000, s26;
	[sflag:s21] =	ssyncset.done $0x0  }
0xbf: {  	[sflag:s21] =	ssyncadd.s32 $0xFFFFC000  }
0xc0: {  	s2 =	sadd.s32 s2, s10;
	_ =	swait.ge [sflag:s22], $0x4000  }
0xc1: {  	s31 =	sshll.u32 s0, $0x6;
	s2 =	sshrl.u32 s2, $0x3;
	[sflag:s22] =	ssyncset.done $0x0  }
0xc2: {  	s28 =	sor.u32 $0x1C05, s31;
	s26 =	sadd.s32 s2, s5;
	[sflag:s22] =	ssyncadd.s32 $0xFFFFC000  }
0xc3: {  	s31 =	sshrl.u32 s6, $0x3;
	s4 =	sadd.s32 $0x0, s26;
	[bflag:$0x0] =	sbarrier.arrive $0xFFFF  }
0xc4: {  	[hbm:s4], [sflag:s28] =	dma.local [spmem:s31], $0x80  }
0xc5: {  	s29 =	simm.s32 $0x80;
	s30 =	sadd.s32 $0x400, s6;
	_ =	swait.ge [sflag:s13], $0x80  }
.LBB2_11:
0xc6: {  	s2 =	sadd.s32 s29, s26;
	[sflag:s13] =	ssyncset.done $0x0;
	p1 =	sne.s32 s29, $0x1380  }
.Ltmp4:
0xc7: {  	s4 =	sshrl.u32 s30, $0x3;
	[sflag:s13] =	ssyncadd.s32 $0xFFFFFF80;
	(pc) =	sbr.rel @p1 .LBB2_11-.Ltmp4, $3  }
0xc8: {  	[hbm:s2], [sflag:s28] =	dma.local [spmem:s4], $0x80  }
0xc9: {  	s29 =	sadd.s32 $0x80, s29;
	_ =	sdelay $0x1  }
0xca: {  	s30 =	sadd.s32 $0x400, s30;
	_ =	swait.ge [sflag:s13], $0x80  }
.Ltmp5:
0xcb: {  	(pc) =	sbr.rel @p0 .LBB2_4-.Ltmp5, $3  }
0xcc: {  	_ =	sdelay $0x1  }
0xcd: {  	[sflag:s13] =	ssyncset.done $0x0  }
0xce: {  	s26 =	simm.s32 $0x1;
	p1 =	por $0x0, $0x0;
	[sflag:s13] =	ssyncadd.s32 $0xFFFFFF80  }
0xcf: {  	s25 =	sadd.s32 $0x1, s25  }
0xd0: {  	p0 =	sne.s32 s25, s7  }
.Ltmp6:
0xd1: {  	_ = 	snop;
	(pc) =	sbr.rel @p0 .LBB2_1-.Ltmp6, $1  }
0xd2: {  	_ =	sdelay $0x3  }
0xd3: {  	_ =	sfence.sel $0x180000  }
0xd4: {  	[bflag:$0x0] =	sbarrier.arrive $0xFFFF  }
0xd5: {  	_ =	strace $0x9000004A  }
0xd6: {  	[bflag:$0x2] =	sbarrier.arrive $0xFFFF  }
0xd7: {  	p0 =	sne.s32 s0, $0x0;
	s0 =	rddreg [dreg:$0x3]  }
0xd8: {  	s0 =	sadd.s32 @!p0 $0x100000, s0  }
0xd9: {  	[sflag:s0] =	ssyncadd.tile.s32 @!p0 $0x1;
	_ =	shalt  }
.Lfunc_end2:
_tile_overlayer_lowered:
.L_overlay_start_2:
0xda: {  	(tag) =	ssettag $0x2  }
0xdb: {  	s0 =	rddreg [dreg:$0x0];
	s2 =	stileid.u32  }
0xdc: {  	s1 =	rddreg [dreg:$0x1];
	p0 =	sne.s32 s2, $0x0  }
0xdd: {  	s3 =	rddreg [dreg:$0x2];
	[bflag:$0x3] =	sbarrier.arrive $0xFFFF;
	s2 =	simm.s32 @!p0 $0x1C05  }
0xde: {  	[timem:s3], [sflag:s2] =	dma.local @!p0 [hbm:s0], s1  }
0xdf: {  	s0 =	simm.s32 @!p0 $0x5  }
0xe0: {  	_ =	swait.ge @!p0 [sflag:s0], s1  }
0xe1: {  	s1 =	ssub.s32 @!p0 $0x0, s1;
	[sflag:s0] =	ssyncset.done @!p0 $0x0  }
0xe2: {  	[sflag:s0] =	ssyncadd.s32 @!p0 s1  }
0xe3: {  	[bflag:$0x3] =	sbarrier.arrive $0xFFFF  }
0xe4: {  	_ =	shalt  }

// kernel: kernel.16.cloned.1.call-start
scs
__scs_entry_jumppad:
0x0: {  	(pc) =	sbr.rel $0x88, $3  }
0x1: {  	(tag) =	ssettag $0x0;
	lr =	simm.s32 $0x1  }
0x2: {  	[smem:$0x3F99] =	sst lr;
	_ =	strace $0xD0000000  }
0x3: {  	_ = 	snop  }
0x4: {  	_ = 	snop  }
0x5: {  	_ = 	snop  }
0x6: {  	_ = 	snop  }
0x7: {  	_ = 	snop  }
__scs_overlays_trampoline_lowered:
0x8: {  	[smem:$0x3FA8] =	sst s0  }
0x9: {  	[smem:$0x3FA9] =	sst s1  }
0xa: {  	[smem:$0x3FAA] =	sst s2  }
0xb: {  	[smem:$0x3FAB] =	sst s3  }
0xc: {  	[smem:$0x3FAC] =	sst s4  }
0xd: {  	[smem:$0x3FAD] =	sst s5  }
0xe: {  	[smem:$0x3FAE] =	sst s6  }
0xf: {  	[smem:$0x3FAF] =	sst s7  }
0x10: {  	[smem:$0x3FB0] =	sst s8  }
0x11: {  	[smem:$0x3FB1] =	sst s9;
	s0 =	simm.s32 @!p0 $0x0  }
0x12: {  	s1 =	sld [smem:$0x3F97];
	s0 =	simm.s32 @p0 $0x1  }
0x13: {  	[smem:$0x3FB2] =	sst s0;
	s0 =	simm.s32 @!p1 $0x0  }
0x14: {  	s2 =	sld [smem:$0x3F96];
	s0 =	simm.s32 @p1 $0x1  }
0x15: {  	[smem:$0x3FB3] =	sst s0;
	s0 =	simm.s32 @!p2 $0x0  }
0x16: {  	s3 =	sld [smem:$0x3FDB];
	s0 =	simm.s32 @p2 $0x1  }
0x17: {  	s4 =	simm.s32 $0x1BF5;
	[smem:$0x3FB5] =	sst s0  }
0x18: {  	s0 =	sld [smem:$0x3F98];
	_ =	swait.ge [sflag:s4], $0x0  }
0x19: {  	s7 =	sld [smem:$0x3F99]  }
0x1a: {  	s8 =	sadd.s32 $0xFFFFE003, lr  }
0x1b: {  	s9 =	sadd.s32 $0xFFFFFEF7, lr;
	s5 =	simm.s32 $0xFFFFFFFF;
	p2 =	slt.u32 s8, $0xFFFFF086  }
0x1c: {  	p1 =	slt.u32 s9, $0xF7A;
	s5 =	simm.s32 @!p2 $0x0  }
0x1d: {  	s5 =	simm.s32 @p1 $0x1;
	p0 =	seq.s32 s7, s2  }
0x1e: {  	s7 =	smul.u32 @!p0 $0xF7A, s2;
	p2 =	seq.s32 @!p0 s5, $0x0  }
0x1f: {  	s9 =	smul.u32 $0xF7A, s1;
	s8 =	simm.s32 @!p0 $0x1BF5;
	p2 =	por !p2, p0  }
0x20: {  	[sflag:s8] =	ssyncset.s32 @!p0 $0xFFFFF086;
	s6 =	sadd.s32 @!p0 s3, s7;
	s7 =	simm.s32 @!p0 $0x108  }
0x21: {  	s3 =	sadd.s32 s3, s9;
	s6 =	sadd.s32 @!p0 $0x88, s6;
	s7 =	simm.s32 @p2 $0x1082  }
0x22: {  	[simem:s7], [sflag:s8] =	dma.local @!p0 [hbm:s6], $0xF7A  }
0x23: {  	s9 =	sor.u32 $0xD0000000, s2;
	s6 =	simm.s32 $0x108;
	_ =	swait.ge @!p0 [sflag:s8], $0x0  }
0x24: {  	s3 =	sadd.s32 $0x88, s3;
	s6 =	simm.s32 @!p1 $0x1082;
	[sflag:s4] =	ssyncset.s32 $0xFFFFF086  }
0x25: {  	[simem:s6], [sflag:s4] =	dma.local [hbm:s3], $0xF7A  }
0x26: {  	[smem:$0x3F99] =	sst s1;
	(tag) =	ssettag s2;
	_ =	strace s9  }
0x27: {  	s1 =	sld [smem:$0x3FA9]  }
0x28: {  	s2 =	sld [smem:$0x3FAA]  }
0x29: {  	s4 =	sld [smem:$0x3FAC]  }
0x2a: {  	p0 =	seq.s32 s5, $0x0;
	s5 =	sld [smem:$0x3FAD]  }
0x2b: {  	s6 =	sld [smem:$0x3FAE]  }
0x2c: {  	s7 =	sld [smem:$0x3FAF]  }
0x2d: {  	s3 =	simm.s32 $0x108;
	s8 =	sld [smem:$0x3FB0]  }
0x2e: {  	s3 =	simm.s32 @!p0 $0x1082;
	s9 =	sld [smem:$0x3FB1]  }
0x2f: {  	lr =	sadd.s32 s0, s3;
	s0 =	sld [smem:$0x3FA8]  }
0x30: {  	s3 =	sld [smem:$0x3FAB]  }
0x31: {  	[smem:$0x3FB4] =	sst s10  }
0x32: {  	s10 =	sld [smem:$0x3FB2];
	_ =	sdelay $0x3  }
0x33: {  	p0 =	seq.s32 s10, $0x1;
	s10 =	sld [smem:$0x3FB4];
	_ =	sdelay $0x3  }
0x34: {  	[smem:$0x3FB4] =	sst s10  }
0x35: {  	s10 =	sld [smem:$0x3FB3];
	_ =	sdelay $0x3  }
0x36: {  	p1 =	seq.s32 s10, $0x1;
	s10 =	sld [smem:$0x3FB4];
	_ =	sdelay $0x3  }
0x37: {  	[smem:$0x3FB4] =	sst s10  }
0x38: {  	s10 =	sld [smem:$0x3FB5]  }
0x39: {  	_ = 	snop;
	(pc) =	sbr.ind lr, $3  }
0x3a: {  	_ = 	snop  }
0x3b: {  	_ = 	snop  }
0x3c: {  	p2 =	seq.s32 s10, $0x1;
	s10 =	sld [smem:$0x3FB4]  }
0x3d: {  	_ =	shalt  }
0x3e: {  	_ =	shalt  }
0x3f: {  	_ =	shalt  }
0x40: {  	_ =	shalt  }
0x41: {  	_ =	shalt  }
0x42: {  	_ =	shalt  }
0x43: {  	_ =	shalt  }
0x44: {  	_ =	shalt  }
0x45: {  	_ =	shalt  }
0x46: {  	_ =	shalt  }
0x47: {  	_ =	shalt  }
0x48: {  	_ =	shalt  }
0x49: {  	_ =	shalt  }
0x4a: {  	_ =	shalt  }
0x4b: {  	_ =	shalt  }
0x4c: {  	_ =	shalt  }
0x4d: {  	_ =	shalt  }
0x4e: {  	_ =	shalt  }
0x4f: {  	_ =	shalt  }
0x50: {  	_ =	shalt  }
0x51: {  	_ =	shalt  }
0x52: {  	_ =	shalt  }
0x53: {  	_ =	shalt  }
0x54: {  	_ =	shalt  }
0x55: {  	_ =	shalt  }
0x56: {  	_ =	shalt  }
0x57: {  	_ =	shalt  }
0x58: {  	_ =	shalt  }
0x59: {  	_ =	shalt  }
0x5a: {  	_ =	shalt  }
0x5b: {  	_ =	shalt  }
0x5c: {  	_ =	shalt  }
0x5d: {  	_ =	shalt  }
0x5e: {  	_ =	shalt  }
0x5f: {  	_ =	shalt  }
0x60: {  	_ =	shalt  }
0x61: {  	_ =	shalt  }
0x62: {  	_ =	shalt  }
0x63: {  	_ =	shalt  }
0x64: {  	_ =	shalt  }
0x65: {  	_ =	shalt  }
0x66: {  	_ =	shalt  }
0x67: {  	_ =	shalt  }
0x68: {  	_ =	shalt  }
0x69: {  	_ =	shalt  }
0x6a: {  	_ =	shalt  }
0x6b: {  	_ =	shalt  }
0x6c: {  	_ =	shalt  }
0x6d: {  	_ =	shalt  }
0x6e: {  	_ =	shalt  }
0x6f: {  	_ =	shalt  }
0x70: {  	_ =	shalt  }
0x71: {  	_ =	shalt  }
0x72: {  	_ =	shalt  }
0x73: {  	_ =	shalt  }
0x74: {  	_ =	shalt  }
0x75: {  	_ =	shalt  }
0x76: {  	_ =	shalt  }
0x77: {  	_ =	shalt  }
0x78: {  	_ =	shalt  }
0x79: {  	_ =	shalt  }
0x7a: {  	_ =	shalt  }
0x7b: {  	_ =	shalt  }
0x7c: {  	_ =	shalt  }
0x7d: {  	_ =	shalt  }
0x7e: {  	_ =	shalt  }
0x7f: {  	_ =	shalt  }
0x80: {  	_ =	shalt  }
0x81: {  	_ =	shalt  }
0x82: {  	_ =	shalt  }
0x83: {  	_ =	shalt  }
0x84: {  	_ =	shalt  }
0x85: {  	_ =	shalt  }
0x86: {  	_ =	shalt  }
0x87: {  	_ =	shalt  }
.Lfunc_end0:
.L_simem_size_0:
called_computation.2_lowered:
.L_overlay_start_0:
0x88: {  	s2 =	sld [smem:$0x3FD9]  }
0x89: {  	s3 =	sld [smem:$0x3FFE];
	_ =	sdelay $0x1  }
0x8a: {  	s1 =	srdreg.scid  }
0x8b: {  	s0 =	sand.u32 $0x1, s1  }
0x8c: {  	s17 =	sshll.u32 s0, $0xA;
	s2 =	sadd.s32 s3, s2  }
0x8d: {  	s2 =	sadd.s32 s2, s17  }
0x8e: {  	[smem:$0x3FC0] =	sst s2  }
0x8f: {  	_ = 	snop  }
0x90: {  	s2 =	sld [smem:$0x3FD0];
	(tm) =	ssettm $0x1  }
0x91: {  	s18 =	sld [smem:$0x3FFB];
	_ =	sdelay $0x3  }
0x92: {  	_ =	strace s18  }
0x93: {  	s3 =	sld [smem:$0x3FFC];
	_ =	sdelay $0x3  }
0x94: {  	_ =	strace s3  }
0x95: {  	s3 =	sld [smem:$0x3FFD];
	_ =	sdelay $0x3  }
0x96: {  	_ =	strace s3  }
0x97: {  	_ =	strace $0x8FFFFFFF  }
0x98: {  	s19 =	sld [smem:$0x3FDB];
	_ =	sdelay $0x1  }
0x99: {  	s4 =	simm.s32 $_scs_section_size  }
0x9a: {  	s5 =	simm.s32 $_size__tile_overlayer_lowered;
	s6 =	simm.s32 $_tile_overlayer_lowered  }
0x9b: {  	s22 =	simm.s32 $0x1BFF;
	s21 =	sshll.u32 s6, $0x1;
	s3 =	sadd.s32 s4, s19  }
0x9c: {  	s7 =	simm.s32 $0x0;
	s20 =	sshll.u32 s5, $0x1;
	s5 =	sadd.s32 s21, s3  }
0x9d: {  	[timem:s7], [sflag:s22] =	dma.local [hbm:s5], s20  }
0x9e: {  	_ =	swait.ge [sflag:s22], s20  }
0x9f: {  	s4 =	ssub.s32 $0x0, s20;
	[sflag:s22] =	ssyncset.done $0x0  }
0xa0: {  	[sflag:s22] =	ssyncadd.s32 s4;
	_ =	sdelay $0x1  }
0xa1: {  	s23 =	simm.s32 $0x1B8B  }
0xa2: {  	_ =	swait.ge [sflag:s23], $0x1  }
0xa3: {  	[sflag:s23] =	ssyncset.done $0x0  }
0xa4: {  	s25 =	simm.s32 $0x1B8E;
	s24 =	sld [smem:$0x3FFE];
	[sflag:s23] =	ssyncadd.s32 $0xFFFFFFFF  }
0xa5: {  	s26 =	simm.s32 $execute0_lowered;
	[smem:$0x3FD2] =	sst s25  }
0xa6: {  	s5 =	sshll.u32 s26, $0x1;
	_ =	strace $0x8000004C;
	[dreg:$0x1] =	wrdreg $0xFFFFFFFF  }
0xa7: {  	s28 =	simm.s32 $_size_execute0_lowered;
	s3 =	sadd.s32 s3, s5;
	[dreg:$0x0] =	wrdreg $0x0  }
0xa8: {  	s5 =	sshll.u32 s28, $0x1;
	[dreg:$0x2] =	wrdreg s3  }
0xa9: {  	[dreg:$0x3] =	wrdreg s5  }
0xaa: {  	[dreg:$0x4] =	wrdreg $0xC0  }
0xab: {  	_ =	task [dreg:s7], $0x5FFFF  }
0xac: {  	[dreg:$0x1] =	wrdreg $0xFFFFFFFF  }
0xad: {  	[dreg:$0x0] =	wrdreg $0x60  }
0xae: {  	[dreg:$0x2] =	wrdreg s2  }
0xaf: {  	[dreg:$0x3] =	wrdreg s24  }
0xb0: {  	[dreg:$0x4] =	wrdreg $0x154000  }
0xb1: {  	[dreg:$0x5] =	wrdreg $0x9  }
0xb2: {  	_ =	task.clear_ibuf [dreg:s7], $0x6FFFF;
	_ =	strace $0x9000004C  }
0xb3: {  	s29 =	simm.s32 $0x9;
	_ =	strace $0x8000004E  }
0xb4: {  	_ =	swait.ge [sflag:s29], $0x1  }
0xb5: {  	[sflag:s29] =	ssyncadd.s32 $0xFFFFFFFF  }
0xb6: {  	_ =	strace $0x9000004E  }
0xb7: {  	_ =	sfence  }
0xb8: {  	s30 =	sld [smem:$0x0];
	_ =	sdelay $0x2  }
0xb9: {  	s31 =	sshll.u32 s1, $0xD;
	s1 =	sshrl.u32 s1, $0x2  }
0xba: {  	s3 =	sand.u32 $0x4000, s31;
	s1 =	sadd.s32 s1, s30  }
0xbb: {  	s0 =	sor.u32 s3, s0;
	s1 =	sshll.u32 s1, $0x11  }
0xbc: {  	s0 =	sor.u32 s1, s0  }
0xbd: {  	s0 =	sadd.s32 $0x8F2B, s0  }
0xbe: {  	[sflag:s0] =	ssyncadd.remote.s32 $0x1  }
0xbf: {  	_ =	sfence.sel $0xFFFF  }
0xc0: {  	[dreg:$0x0] =	wrdreg $0xFFFFFFFF;
	(pc) =	sbr.abs _section_cstart, $3  }
0xc1: {  	[dreg:$0x1] =	wrdreg $0xFFFFFFFF  }
0xc2: {  	_ =	task.clear_ibuf [dreg:s7], $0x2FFFF;
	_ =	strace $0x9FFFFFFF  }
0xc3: {  	(tm) =	ssettm $0x7FFFFFFF  }
tec
execute0_lowered:
.L_overlay_start_1:
0x0: {  	(tag) =	ssettag $0x1  }
0x1: {  	s1 =	rddreg [dreg:$0x0]  }
0x2: {  	s6 =	rddreg [dreg:$0x1]  }
0x3: {  	s0 =	srdreg.scid;
	s3 =	rddreg [dreg:$0x2]  }
0x4: {  	s28 =	simm.s32 $0x0;
	s13 =	simm.s32 $0x5;
	s14 =	simm.s32 $0x15000  }
0x5: {  	s15 =	simm.s32 $0x6800;
	s16 =	simm.s32 $0xD000;
	s17 =	simm.s32 $0x6880  }
0x6: {  	s18 =	simm.s32 $0x11000;
	s19 =	simm.s32 $0x1;
	s20 =	simm.s32 $0x2  }
0x7: {  	s21 =	simm.s32 $0x3;
	s22 =	simm.s32 $0x4;
	s5 =	sand.u32 $0x1, s0  }
0x8: {  	s23 =	simm.s32 $0xCF00;
	s0 =	stileid.u32;
	s2 =	sshll.u32 s5, $0x4  }
0x9: {  	s24 =	simm.s32 $0xCF80;
	s25 =	simm.s32 $0x0;
	s4 =	sor.u32 s2, s0  }
0xa: {  	[smem:$0x7FF] =	sst s28;
	s9 =	smul.u32 $0x28000, s0;
	s7 =	sshrl.u32 s4, $0x3  }
0xb: {  	s8 =	sshll.u32 s0, $0x7;
	_ =	strace $0x8000004D;
	s7 =	smul.u32 $0x1A000, s7  }
0xc: {  	s29 =	ssub.s32 $0x2, s5;
	s11 =	smul.u32 $0xA0000, s5;
	s8 =	sand.u32 $0x380, s8  }
0xd: {  	s12 =	smul.u32 $0xA000, s0;
	s5 =	sadd.s32 $0x26400, s6;
	s7 =	sor.u32 s8, s7  }
0xe: {  	s30 =	sshrl.u32 s29, $0x1;
	s31 =	sshrl.u32 s9, $0x2;
	s7 =	sshrl.u32 s7, $0x3  }
0xf: {  	s10 =	sadd.s32 s7, s6;
	s7 =	ssub.s32 s29, s30;
	s6 =	sadd.s32 s31, s3  }
0x10: {  	s7 =	smax.u32 s7, $0x1;
	s8 =	sadd.s32 $0xC400, s10;
	s9 =	sadd.s32 $0x19400, s10  }
0x11: {  	v0 =	vimm.f32 $0.0e+00;
	s10 =	sadd.s32 s12, s11;
	s11 =	simm.s32 $0x80;
	s12 =	simm.s32 $0x400  }
.LBB2_1:
0x12: {  	[tilespmem:$0x15000] =	vst v0  }
0x13: {  	[tilespmem:$0x15010] =	vst v0  }
0x14: {  	[tilespmem:$0x15020] =	vst v0  }
0x15: {  	[tilespmem:$0x15030] =	vst v0  }
0x16: {  	[tilespmem:$0x15040] =	vst v0  }
0x17: {  	[tilespmem:$0x15050] =	vst v0  }
0x18: {  	[tilespmem:$0x15060] =	vst v0  }
0x19: {  	[tilespmem:$0x15070] =	vst v0  }
0x1a: {  	[tilespmem:$0x15080] =	vst v0  }
0x1b: {  	[tilespmem:$0x15090] =	vst v0  }
0x1c: {  	[tilespmem:$0x150A0] =	vst v0  }
0x1d: {  	[tilespmem:$0x150B0] =	vst v0  }
0x1e: {  	[tilespmem:$0x150C0] =	vst v0  }
0x1f: {  	[tilespmem:$0x150D0] =	vst v0  }
0x20: {  	[tilespmem:$0x150E0] =	vst v0  }
0x21: {  	[tilespmem:$0x150F0] =	vst v0  }
0x22: {  	[tilespmem:$0x15100] =	vst v0  }
0x23: {  	[tilespmem:$0x15110] =	vst v0  }
0x24: {  	[tilespmem:$0x15120] =	vst v0  }
0x25: {  	[tilespmem:$0x15130] =	vst v0  }
0x26: {  	[tilespmem:$0x15140] =	vst v0  }
0x27: {  	[tilespmem:$0x15150] =	vst v0  }
0x28: {  	[tilespmem:$0x15160] =	vst v0  }
0x29: {  	[tilespmem:$0x15170] =	vst v0  }
0x2a: {  	[tilespmem:$0x15180] =	vst v0  }
0x2b: {  	[tilespmem:$0x15190] =	vst v0  }
0x2c: {  	[tilespmem:$0x151A0] =	vst v0  }
0x2d: {  	[tilespmem:$0x151B0] =	vst v0  }
0x2e: {  	[tilespmem:$0x151C0] =	vst v0  }
0x2f: {  	[tilespmem:$0x151D0] =	vst v0  }
0x30: {  	[tilespmem:$0x151E0] =	vst v0  }
0x31: {  	[tilespmem:$0x151F0] =	vst v0  }
0x32: {  	[tilespmem:$0x15200] =	vst v0  }
0x33: {  	[tilespmem:$0x15210] =	vst v0  }
0x34: {  	[tilespmem:$0x15220] =	vst v0  }
0x35: {  	[tilespmem:$0x15230] =	vst v0  }
0x36: {  	[tilespmem:$0x15240] =	vst v0  }
0x37: {  	[tilespmem:$0x15250] =	vst v0  }
0x38: {  	[tilespmem:$0x15260] =	vst v0  }
0x39: {  	[tilespmem:$0x15270] =	vst v0  }
0x3a: {  	[tilespmem:$0x15280] =	vst v0  }
0x3b: {  	[tilespmem:$0x15290] =	vst v0  }
0x3c: {  	[tilespmem:$0x152A0] =	vst v0  }
0x3d: {  	[tilespmem:$0x152B0] =	vst v0  }
0x3e: {  	[tilespmem:$0x152C0] =	vst v0  }
0x3f: {  	[tilespmem:$0x152D0] =	vst v0  }
0x40: {  	[tilespmem:$0x152E0] =	vst v0  }
0x41: {  	[tilespmem:$0x152F0] =	vst v0  }
0x42: {  	[tilespmem:$0x15300] =	vst v0  }
0x43: {  	[tilespmem:$0x15310] =	vst v0  }
0x44: {  	[tilespmem:$0x15320] =	vst v0  }
0x45: {  	[tilespmem:$0x15330] =	vst v0  }
0x46: {  	[tilespmem:$0x15340] =	vst v0  }
0x47: {  	[tilespmem:$0x15350] =	vst v0  }
0x48: {  	[tilespmem:$0x15360] =	vst v0  }
0x49: {  	[tilespmem:$0x15370] =	vst v0  }
0x4a: {  	[tilespmem:$0x15380] =	vst v0  }
0x4b: {  	[tilespmem:$0x15390] =	vst v0  }
0x4c: {  	[tilespmem:$0x153A0] =	vst v0  }
0x4d: {  	[tilespmem:$0x153B0] =	vst v0  }
0x4e: {  	[tilespmem:$0x153C0] =	vst v0  }
0x4f: {  	[tilespmem:$0x153D0] =	vst v0  }
0x50: {  	[tilespmem:$0x153E0] =	vst v0  }
0x51: {  	[tilespmem:$0x153F0] =	vst v0;
	s26 =	sadd.s32 $0x0, s9;
	s2 =	simm.s32 $0x0  }
0x52: {  	[tilespmem:s2], [sflag:$0x5] =	stream.strided.gather [hbm4b:s26+s11], $0x400, s12, s11, $0x38;
	[tilespmem:$0x1F400] =	vst v63  }
0x53: {  	_ =	swait.ge [sflag:s13], $0x400  }
0x54: {  	[sflag:s13] =	ssyncset.done $0x0  }
0x55: {  	s31 =	simm.s32 $0x3400;
	s28 =	sadd.s32 $0x0, s8;
	[sflag:s13] =	ssyncadd.s32 $0xFFFFFC00  }
0x56: {  	[tilespmem:s31], [sflag:$0x5] =	stream.strided.gather [hbm4b:s28+s11], $0x400, s12, s11, $0x38;
	[tilespmem:$0x1F400] =	vst v63  }
0x57: {  	s30 =	simm.s32 $0x800;
	s29 =	simm.s32 $0x400;
	_ =	swait.ge [sflag:s13], $0x400  }
0x58: {  	s26 =	simm.s32 $0x400;
	s28 =	simm.s32 $0x3800;
	[sflag:s13] =	ssyncset.done $0x0  }
.LBB2_2:
0x59: {  	s31 =	sadd.s32 s26, s9  }
0x5a: {  	[sflag:s13] =	ssyncadd.s32 $0xFFFFFC00;
	s2 =	smov.u32 s30;
	s4 =	sadd.s32 $0x400, s30  }
0x5b: {  	[tilespmem:s29], [sflag:$0x5] =	stream.strided.gather [hbm4b:s31+s11], $0x400, s12, s11, $0x38;
	[tilespmem:$0x1F400] =	vst v63  }
0x5c: {  	p0 =	sne.s32 s30, $0x3000;
	_ =	swait.ge [sflag:s13], $0x400  }
.Ltmp0:
0x5d: {  	[sflag:s13] =	ssyncset.done $0x0;
	(pc) =	sbr.rel @p0 .LBB2_2-.Ltmp0, $4  }
0x5e: {  	s30 =	sadd.s32 s26, s8;
	s26 =	smov.u32 s2;
	[sflag:s13] =	ssyncadd.s32 $0xFFFFFC00  }
0x5f: {  	[tilespmem:s28], [sflag:$0x5] =	stream.strided.gather [hbm4b:s30+s11], $0x400, s12, s11, $0x38;
	[tilespmem:$0x1F400] =	vst v63  }
0x60: {  	s29 =	sadd.s32 $0x400, s29;
	_ =	swait.ge [sflag:s13], $0x400  }
0x61: {  	s28 =	sadd.s32 $0x400, s28;
	s30 =	smov.u32 s4;
	[sflag:s13] =	ssyncset.done $0x0  }
0x62: {  	s2 =	sadd.s32 s26, s9;
	[sflag:s13] =	ssyncadd.s32 $0xFFFFFC00  }
0x63: {  	[tilespmem:s29], [sflag:$0x5] =	stream.strided.gather [hbm4b:s2+s11], $0x400, s12, s11, $0x38;
	[tilespmem:$0x1F400] =	vst v63  }
0x64: {  	_ =	swait.ge [sflag:s13], $0x400  }
0x65: {  	[sflag:s13] =	ssyncset.done $0x0  }
0x66: {  	s31 =	sadd.s32 s26, s8;
	[sflag:s13] =	ssyncadd.s32 $0xFFFFFC00  }
0x67: {  	[tilespmem:s28], [sflag:$0x5] =	stream.strided.gather [hbm4b:s31+s11], $0x400, s12, s11, $0x38;
	[tilespmem:$0x1F400] =	vst v63  }
0x68: {  	_ =	swait.ge [sflag:s13], $0x400  }
0x69: {  	[sflag:s13] =	ssyncset.done $0x0  }
0x6a: {  	s26 =	simm.s32 $0x0;
	p1 =	por $0x1, $0x1;
	[sflag:s13] =	ssyncadd.s32 $0xFFFFFC00  }
.LBB2_4:
0x6b: {  	s28 =	simm.s32 $0x0  }
0x6c: {  	v2 =	vld [tilespmem:s28+$0x3400]  }
0x6d: {  	s2 =	smul.u32 $0xFFFFEC00, s26  }
0x6e: {  	v3 =	vld [tilespmem:s28+$0x0]  }
0x6f: {  	p0 =	por p1, p1;
	s29 =	simm.s32 $0x40;
	v1 =	vmov s2  }
.LBB2_5:
0x70: {  	p1 =	sne.s32 s29, $0xCFC0  }
.Ltmp1:
0x71: {  	s2 =	sshra.s32 s29, $0x2;
	s29 =	sadd.s32 $0x40, s29;
	v4 =	vadd.s32 v1, v2;
	(pc) =	sbr.rel @p1 .LBB2_5-.Ltmp1, $4  }
0x72: {  	v2 =	vld [tilespmem:s2+$0x3400];
	vm0 =	vlt.u32 v4, $0x1400  }
0x73: {  	v5 =	vnsel vm0, $0xFFFFFFFF, v3;
	v3 =	vld [tilespmem:s2+$0x0];
	v4 =	vnsel vm0, $0xFFFFFFFF, v4  }
0x74: {  	[tilespmem:s28+$0x9C00] =	vst v4  }
0x75: {  	[tilespmem:s28+$0x6800] =	vst v5;
	s28 =	smov.u32 s2  }
0x76: {  	_ = 	snop  }
0x77: {  	v1 =	vadd.s32 v1, v2  }
0x78: {  	vm0 =	vlt.u32 v1, $0x1400  }
0x79: {  	v1 =	vnsel vm0, $0xFFFFFFFF, v1  }
0x7a: {  	v2 =	vnsel vm0, $0xFFFFFFFF, v3;
	[tilespmem:s28+$0x9C00] =	vst v1  }
0x7b: {  	s2 =	sadd.s32 $0x0, s6;
	[tilespmem:s28+$0x6800] =	vst v2  }
0x7c: {  	[spmem:s2] =	stream.linear.scatter [tilespmem:s14], [sflag:$0x5], $0x400, $0x38;
	[tilespmem:$0x1F400] =	vst v63  }
0x7d: {  	s28 =	simm.s32 $0x1000;
	_ =	swait.ge [sflag:s13], $0x400  }
.LBB2_7:
0x7e: {  	s2 =	sshra.s32 s28, $0x2;
	[sflag:s13] =	ssyncset.done $0x0;
	p1 =	sne.s32 s28, $0x27000  }
.Ltmp2:
0x7f: {  	s2 =	sadd.s32 s2, s6;
	[sflag:s13] =	ssyncadd.s32 $0xFFFFFC00;
	(pc) =	sbr.rel @p1 .LBB2_7-.Ltmp2, $3  }
0x80: {  	[spmem:s2] =	stream.linear.scatter [tilespmem:s14], [sflag:$0x5], $0x400, $0x38;
	[tilespmem:$0x1F400] =	vst v63  }
0x81: {  	s28 =	sadd.s32 $0x1000, s28;
	_ =	sdelay $0x1  }
0x82: {  	_ =	swait.ge [sflag:s13], $0x400  }
0x83: {  	[sflag:s13] =	ssyncset.done $0x0  }
0x84: {  	[sflag:s13] =	ssyncadd.s32 $0xFFFFFC00  }
0x85: {  	[bflag:$0x0] =	sbarrier.arrive $0xFFFF  }
0x86: {  	(ifvalue) =	ssetifvalue $0xFFFFFFFF  }
0x87: {  	(ifvalue) =	ssetifvalue $0xFFFFFFFF  }
0x88: {  	[tilespmem:s16], [sflag:$0x1] =	stream.indirect.gather [hbm4b:s1+s11], $0x80, s15, s11, $0x40b8;
	[tilespmem:$0x1F400] =	vst v63  }
0x89: {  	(ifvalue) =	ssetifvalue $0xFFFFFFFF  }
0x8a: {  	(ifvalue) =	ssetifvalue $0xFFFFFFFF  }
0x8b: {  	[tilespmem:s18], [sflag:$0x2] =	stream.indirect.gather [hbm4b:s1+s11], $0x80, s17, s11, $0x40b8;
	[tilespmem:$0x1F400] =	vst v63  }
0x8c: {  	_ =	swait.ge [sflag:s19], $0x4000  }
0x8d: {  	[sflag:s19] =	ssyncset.done $0x0  }
0x8e: {  	s2 =	simm.s32 $0x9C00;
	[sflag:s19] =	ssyncadd.s32 $0xFFFFC000;
	(ifvalue) =	ssetifvalue $0xFFFFFFFF  }
0x8f: {  	[spmem:s3] =	stream.indirect.scatter.add.f32 [tilespmem:s16], [sflag:$0x3], $0x80, s2, s11, $0x40b8;
	[tilespmem:$0x1F400] =	vst v63  }
0x90: {  	_ =	swait.ge [sflag:s20], $0x4000  }
0x91: {  	[sflag:s20] =	ssyncset.done $0x0  }
0x92: {  	s30 =	simm.s32 $0x9C80;
	[sflag:s20] =	ssyncadd.s32 $0xFFFFC000;
	(ifvalue) =	ssetifvalue $0xFFFFFFFF  }
0x93: {  	[spmem:s3] =	stream.indirect.scatter.add.f32 [tilespmem:s18], [sflag:$0x4], $0x80, s30, s11, $0x40b8;
	[tilespmem:$0x1F400] =	vst v63  }
0x94: {  	_ =	swait.ge [sflag:s21], $0x4000  }
0x95: {  	[sflag:s21] =	ssyncset.done $0x0  }
0x96: {  	[sflag:s21] =	ssyncadd.s32 $0xFFFFC000;
	(ifvalue) =	ssetifvalue $0xFFFFFFFF  }
0x97: {  	s31 =	simm.s32 $0x6900;
	(ifvalue) =	ssetifvalue $0xFFFFFFFF  }
0x98: {  	[tilespmem:s16], [sflag:$0x1] =	stream.indirect.gather [hbm4b:s1+s11], $0x80, s31, s11, $0x40b8;
	[tilespmem:$0x1F400] =	vst v63  }
0x99: {  	_ =	swait.ge [sflag:s22], $0x4000  }
0x9a: {  	[sflag:s22] =	ssyncset.done $0x0  }
0x9b: {  	[sflag:s22] =	ssyncadd.s32 $0xFFFFC000;
	(ifvalue) =	ssetifvalue $0xFFFFFFFF  }
0x9c: {  	s28 =	simm.s32 $0x400;
	s29 =	simm.s32 $0x6980;
	(ifvalue) =	ssetifvalue $0xFFFFFFFF  }
.LBB2_9:
0x9d: {  	[tilespmem:s18], [sflag:$0x2] =	stream.indirect.gather [hbm4b:s1+s11], $0x80, s29, s11, $0x40b8;
	[tilespmem:$0x1F400] =	vst v63  }
0x9e: {  	s2 =	smov.u32 s28  }
0x9f: {  	p1 =	sne.s32 s28, $0xC800;
	s28 =	sadd.s32 $0x400, s28;
	_ =	swait.ge [sflag:s19], $0x4000  }
0xa0: {  	[sflag:s19] =	ssyncset.done $0x0  }
0xa1: {  	s2 =	sshra.s32 s2, $0x2;
	[sflag:s19] =	ssyncadd.s32 $0xFFFFC000  }
0xa2: {  	s4 =	sadd.s32 $0x9C00, s2;
	(ifvalue) =	ssetifvalue $0xFFFFFFFF  }
0xa3: {  	[spmem:s3] =	stream.indirect.scatter.add.f32 [tilespmem:s16], [sflag:$0x3], $0x80, s4, s11, $0x40b8;
	[tilespmem:$0x1F400] =	vst v63  }
0xa4: {  	_ =	swait.ge [sflag:s20], $0x4000  }
0xa5: {  	[sflag:s20] =	ssyncset.done $0x0  }
0xa6: {  	[sflag:s20] =	ssyncadd.s32 $0xFFFFC000  }
0xa7: {  	s4 =	sadd.s32 $0x9C80, s2;
	(ifvalue) =	ssetifvalue $0xFFFFFFFF  }
0xa8: {  	[spmem:s3] =	stream.indirect.scatter.add.f32 [tilespmem:s18], [sflag:$0x4], $0x80, s4, s11, $0x40b8;
	[tilespmem:$0x1F400] =	vst v63  }
0xa9: {  	_ =	swait.ge [sflag:s21], $0x4000  }
0xaa: {  	[sflag:s21] =	ssyncset.done $0x0  }
0xab: {  	[sflag:s21] =	ssyncadd.s32 $0xFFFFC000  }
0xac: {  	(ifvalue) =	ssetifvalue $0xFFFFFFFF  }
0xad: {  	s4 =	sadd.s32 $0x6900, s2;
	(ifvalue) =	ssetifvalue $0xFFFFFFFF  }
0xae: {  	[tilespmem:s16], [sflag:$0x1] =	stream.indirect.gather [hbm4b:s1+s11], $0x80, s4, s11, $0x40b8;
	[tilespmem:$0x1F400] =	vst v63  }
.Ltmp3:
0xaf: {  	_ =	swait.ge [sflag:s22], $0x4000;
	(pc) =	sbr.rel @p1 .LBB2_9-.Ltmp3, $4  }
0xb0: {  	[sflag:s22] =	ssyncset.done $0x0  }
0xb1: {  	[sflag:s22] =	ssyncadd.s32 $0xFFFFC000  }
0xb2: {  	(ifvalue) =	ssetifvalue $0xFFFFFFFF  }
0xb3: {  	s29 =	sadd.s32 $0x6980, s2;
	(ifvalue) =	ssetifvalue $0xFFFFFFFF  }
0xb4: {  	[tilespmem:s18], [sflag:$0x2] =	stream.indirect.gather [hbm4b:s1+s11], $0x80, s29, s11, $0x40b8;
	[tilespmem:$0x1F400] =	vst v63  }
0xb5: {  	_ =	swait.ge [sflag:s19], $0x4000  }
0xb6: {  	[sflag:s19] =	ssyncset.done $0x0  }
0xb7: {  	[sflag:s19] =	ssyncadd.s32 $0xFFFFC000;
	(ifvalue) =	ssetifvalue $0xFFFFFFFF  }
0xb8: {  	[spmem:s3] =	stream.indirect.scatter.add.f32 [tilespmem:s16], [sflag:$0x3], $0x80, s23, s11, $0x40b8;
	[tilespmem:$0x1F400] =	vst v63  }
0xb9: {  	_ =	swait.ge [sflag:s20], $0x4000  }
0xba: {  	[sflag:s20] =	ssyncset.done $0x0  }
0xbb: {  	[sflag:s20] =	ssyncadd.s32 $0xFFFFC000;
	(ifvalue) =	ssetifvalue $0xFFFFFFFF  }
0xbc: {  	[spmem:s3] =	stream.indirect.scatter.add.f32 [tilespmem:s18], [sflag:$0x4], $0x80, s24, s11, $0x40b8;
	[tilespmem:$0x1F400] =	vst v63  }
0xbd: {  	_ =	swait.ge [sflag:s21], $0x4000  }
0xbe: {  	s2 =	smul.u32 $0x140000, s26;
	[sflag:s21] =	ssyncset.done $0x0  }
0xbf: {  	[sflag:s21] =	ssyncadd.s32 $0xFFFFC000  }
0xc0: {  	s2 =	sadd.s32 s2, s10;
	_ =	swait.ge [sflag:s22], $0x4000  }
0xc1: {  	s31 =	sshll.u32 s0, $0x6;
	s2 =	sshrl.u32 s2, $0x3;
	[sflag:s22] =	ssyncset.done $0x0  }
0xc2: {  	s28 =	sor.u32 $0x1C05, s31;
	s26 =	sadd.s32 s2, s5;
	[sflag:s22] =	ssyncadd.s32 $0xFFFFC000  }
0xc3: {  	s31 =	sshrl.u32 s6, $0x3;
	s4 =	sadd.s32 $0x0, s26;
	[bflag:$0x0] =	sbarrier.arrive $0xFFFF  }
0xc4: {  	[hbm:s4], [sflag:s28] =	dma.local [spmem:s31], $0x80  }
0xc5: {  	s29 =	simm.s32 $0x80;
	s30 =	sadd.s32 $0x400, s6;
	_ =	swait.ge [sflag:s13], $0x80  }
.LBB2_11:
0xc6: {  	s2 =	sadd.s32 s29, s26;
	[sflag:s13] =	ssyncset.done $0x0;
	p1 =	sne.s32 s29, $0x1380  }
.Ltmp4:
0xc7: {  	s4 =	sshrl.u32 s30, $0x3;
	[sflag:s13] =	ssyncadd.s32 $0xFFFFFF80;
	(pc) =	sbr.rel @p1 .LBB2_11-.Ltmp4, $3  }
0xc8: {  	[hbm:s2], [sflag:s28] =	dma.local [spmem:s4], $0x80  }
0xc9: {  	s29 =	sadd.s32 $0x80, s29;
	_ =	sdelay $0x1  }
0xca: {  	s30 =	sadd.s32 $0x400, s30;
	_ =	swait.ge [sflag:s13], $0x80  }
.Ltmp5:
0xcb: {  	(pc) =	sbr.rel @p0 .LBB2_4-.Ltmp5, $3  }
0xcc: {  	_ =	sdelay $0x1  }
0xcd: {  	[sflag:s13] =	ssyncset.done $0x0  }
0xce: {  	s26 =	simm.s32 $0x1;
	p1 =	por $0x0, $0x0;
	[sflag:s13] =	ssyncadd.s32 $0xFFFFFF80  }
0xcf: {  	s25 =	sadd.s32 $0x1, s25  }
0xd0: {  	p0 =	sne.s32 s25, s7  }
.Ltmp6:
0xd1: {  	_ = 	snop;
	(pc) =	sbr.rel @p0 .LBB2_1-.Ltmp6, $1  }
0xd2: {  	_ =	sdelay $0x3  }
0xd3: {  	_ =	sfence.sel $0x180000  }
0xd4: {  	[bflag:$0x0] =	sbarrier.arrive $0xFFFF  }
0xd5: {  	_ =	strace $0x9000004D  }
0xd6: {  	[bflag:$0x2] =	sbarrier.arrive $0xFFFF  }
0xd7: {  	p0 =	sne.s32 s0, $0x0;
	s0 =	rddreg [dreg:$0x3]  }
0xd8: {  	s0 =	sadd.s32 @!p0 $0x100000, s0  }
0xd9: {  	[sflag:s0] =	ssyncadd.tile.s32 @!p0 $0x1;
	_ =	shalt  }
.Lfunc_end2:
_tile_overlayer_lowered:
.L_overlay_start_2:
0xda: {  	(tag) =	ssettag $0x2  }
0xdb: {  	s0 =	rddreg [dreg:$0x0];
	s2 =	stileid.u32  }
0xdc: {  	s1 =	rddreg [dreg:$0x1];
	p0 =	sne.s32 s2, $0x0  }
0xdd: {  	s3 =	rddreg [dreg:$0x2];
	[bflag:$0x3] =	sbarrier.arrive $0xFFFF;
	s2 =	simm.s32 @!p0 $0x1C05  }
0xde: {  	[timem:s3], [sflag:s2] =	dma.local @!p0 [hbm:s0], s1  }
0xdf: {  	s0 =	simm.s32 @!p0 $0x5  }
0xe0: {  	_ =	swait.ge @!p0 [sflag:s0], s1  }
0xe1: {  	s1 =	ssub.s32 @!p0 $0x0, s1;
	[sflag:s0] =	ssyncset.done @!p0 $0x0  }
0xe2: {  	[sflag:s0] =	ssyncadd.s32 @!p0 s1  }
0xe3: {  	[bflag:$0x3] =	sbarrier.arrive $0xFFFF  }
0xe4: {  	_ =	shalt  }

</sc_bundles>
